<compile_context>
chip_gen: v7x
topology: tpu7x:2x2x1
jax: 0.10.2.dev20260603
libtpu: 0.0.44.dev20260713+nightly
codegen_flags: <defaults>
</compile_context>

<pallas_src>
import functools

import jax
import jax.numpy as jnp
import numpy as np
from jax import lax
from jax.experimental import pallas as pl
from jax.experimental.pallas import tpu as pltpu
from jax.experimental.pallas import tpu_sc as plsc

INPUT_SIZE = 1024
HIDDEN_SIZE = 4096
NUM_CLASSES = 16384
K = 10
L = 8
NUM_SAMPLED = 1024
BATCH = 2048

NB = 1 << K
NBF = L * NB
SC_CORES = 2
SC_SUBCORES = 16
QPW = BATCH * L // (SC_CORES * SC_SUBCORES)
HPW = HIDDEN_SIZE // SC_SUBCORES

_G_NP = np.zeros((L * K, L), dtype=np.float32)
for _l in range(L):
    for _k in range(K):
        _G_NP[_l * K + _k, _l] = float(2 ** _k)


def _hash_kernel(x_ref, w1_ref, hwt_ref, g_ref, cq_ref, cw_ref):
    proj_q = jnp.dot(x_ref[...], hwt_ref[...],
                     preferred_element_type=jnp.float32)
    proj_w = jnp.dot(w1_ref[...], hwt_ref[...],
                     preferred_element_type=jnp.float32)
    g = g_ref[...]
    codes_q = jnp.dot((proj_q > 0).astype(jnp.float32), g,
                      preferred_element_type=jnp.float32,
                      precision=jax.lax.Precision.HIGHEST).astype(jnp.int32)
    codes_w = jnp.dot((proj_w > 0).astype(jnp.float32), g,
                      preferred_element_type=jnp.float32,
                      precision=jax.lax.Precision.HIGHEST).astype(jnp.int32)
    cq_ref[...] = codes_q + NB * jax.lax.broadcasted_iota(
        jnp.int32, (BATCH, L), 1)
    cw_ref[...] = codes_w.T + NB * jax.lax.broadcasted_iota(
        jnp.int32, (L, HIDDEN_SIZE), 0)


def _sc_counts_body(cq_ref, cw_ref, out_ref,
                    qbuf, ones_v, zbuf, wbuf, gbuf, cnt_v, shared_hist, sem):
    ci = lax.axis_index("c")
    si = lax.axis_index("s")
    for i in range(NBF // SC_SUBCORES // 16):
        zbuf[pl.ds(i * 16, 16)] = jnp.zeros((16,), jnp.int32)
    pltpu.sync_copy(zbuf, shared_hist.at[pl.ds(si * (NBF // SC_SUBCORES),
                                               NBF // SC_SUBCORES)])
    plsc.subcore_barrier()
    base = ci * (BATCH * L // SC_CORES) + si * QPW
    qcopies = [pltpu.async_copy(cq_ref.at[pl.ds(base + j * 128, 128)],
                                qbuf.at[j], sem)
               for j in range(QPW // 128)]
    for i in range(128 // 16):
        ones_v[pl.ds(i * 16, 16)] = jnp.ones((16,), jnp.int32)
    for c in qcopies:
        c.wait()
    for j in range(QPW // 128):
        pltpu.sync_copy(ones_v, shared_hist.at[qbuf.at[j]], add=True)
    plsc.subcore_barrier()
    NR = L * HPW // 128
    wcopies = [pltpu.async_copy(cw_ref.at[pl.ds(si * L * HPW + r * 128, 128)],
                                wbuf.at[r], sem)
               for r in range(NR)]
    for c in wcopies:
        c.wait()
    gcopies = [pltpu.async_copy(shared_hist.at[wbuf.at[r]], gbuf.at[r], sem)
               for r in range(NR)]
    for c in gcopies:
        c.wait()
    for jh in range(HPW // 16):
        acc = jnp.zeros((16,), jnp.int32)
        for l in range(L):
            p = l * HPW + jh * 16
            acc = acc + gbuf[p // 128, pl.ds(p % 128, 16)]
        cnt_v[pl.ds(jh * 16, 16)] = acc
    pltpu.sync_copy(cnt_v, out_ref.at[pl.ds(ci * HIDDEN_SIZE + si * HPW, HPW)])


def _make_sc_counts():
    return functools.partial(
        pl.kernel,
        out_type=jax.ShapeDtypeStruct((SC_CORES * HIDDEN_SIZE,), jnp.int32),
        mesh=plsc.VectorSubcoreMesh(core_axis_name="c", subcore_axis_name="s",
                                    num_cores=SC_CORES,
                                    num_subcores=SC_SUBCORES),
        scratch_types=[
            pltpu.VMEM((QPW // 128, 128), jnp.int32),
            pltpu.VMEM((128,), jnp.int32),
            pltpu.VMEM((NBF // SC_SUBCORES,), jnp.int32),
            pltpu.VMEM((L * HPW // 128, 128), jnp.int32),
            pltpu.VMEM((L * HPW // 128, 128), jnp.int32),
            pltpu.VMEM((HPW,), jnp.int32),
            pltpu.VMEM_SHARED((NBF,), jnp.int32),
            pltpu.SemaphoreType.DMA,
        ],
    )(_sc_counts_body)


def _hidden_kernel(c2_ref, x_ref, w1_ref, b1_ref, out_ref, sel_ref):
    counts = jnp.sum(c2_ref[...], axis=0, keepdims=True)
    hidx = jax.lax.broadcasted_iota(jnp.int32, (1, HIDDEN_SIZE), 1)
    keys = counts * HIDDEN_SIZE + (HIDDEN_SIZE - 1 - hidx)
    def body(_, lohi):
        lo, hi = lohi
        mid = (lo + hi) >> 1
        cnt = jnp.sum((keys >= mid).astype(jnp.int32))
        ok = cnt >= NUM_SAMPLED
        return (jnp.where(ok, mid, lo), jnp.where(ok, hi, mid))
    lo, _ = jax.lax.fori_loop(0, 27, body, (jnp.int32(0), jnp.int32(1 << 27)))
    mask_row = keys >= lo
    mask_bf = mask_row.astype(jnp.bfloat16)
    CH = 1024
    rank_chunks = []
    for j in range(HIDDEN_SIZE // CH):
        hp = jax.lax.broadcasted_iota(jnp.int32, (HIDDEN_SIZE, CH), 0)
        dst = jax.lax.broadcasted_iota(jnp.int32, (HIDDEN_SIZE, CH), 1)
        tri = (hp < (dst + j * CH)).astype(jnp.bfloat16)
        rank_chunks.append(jnp.dot(mask_bf, tri,
                                   preferred_element_type=jnp.float32))
    rank_i = jnp.concatenate(rank_chunks, axis=1).astype(jnp.int32)
    sidx = jax.lax.broadcasted_iota(jnp.int32, (NUM_SAMPLED, HIDDEN_SIZE), 0)
    sel = ((rank_i == sidx) & mask_row).astype(jnp.bfloat16)
    sel_ref[...] = sel
    w1 = w1_ref[...].astype(jnp.bfloat16)
    w1s = jax.lax.dot_general(sel, w1, (((1,), (0,)), ((), ())),
                              preferred_element_type=jnp.float32)
    w1s = w1s.astype(jnp.bfloat16)
    b1s = jax.lax.dot_general(b1_ref[...].astype(jnp.bfloat16), sel,
                              (((1,), (1,)), ((), ())),
                              preferred_element_type=jnp.float32)
    x = x_ref[...].astype(jnp.bfloat16)
    acc = jax.lax.dot_general(x, w1s, (((1,), (1,)), ((), ())),
                              preferred_element_type=jnp.float32)
    out_ref[...] = jnp.maximum(acc + b1s, 0.0).astype(jnp.bfloat16)


def _out_kernel(h_ref, w2_ref, sel_ref, b2_ref, out_ref):
    w2 = w2_ref[...].astype(jnp.bfloat16)
    w2s = jax.lax.dot_general(w2, sel_ref[...], (((1,), (1,)), ((), ())),
                              preferred_element_type=jnp.float32)
    w2s = w2s.astype(jnp.bfloat16)
    acc = jax.lax.dot_general(h_ref[...], w2s, (((1,), (1,)), ((), ())),
                              preferred_element_type=jnp.float32)
    out_ref[...] = acc + b2_ref[...]


@jax.jit
def kernel(X, W1, b1, Hw, W2, b2):
    hw_t = Hw.reshape(L * K, INPUT_SIZE).T
    g = jnp.asarray(_G_NP)

    cq, cw = pl.pallas_call(
        _hash_kernel,
        out_shape=[jax.ShapeDtypeStruct((BATCH, L), jnp.int32),
                   jax.ShapeDtypeStruct((L, HIDDEN_SIZE), jnp.int32)],
    )(X, W1, hw_t, g)

    cw_tiled = cw.reshape(L, SC_SUBCORES, HPW).transpose(1, 0, 2).reshape(-1)
    counts2 = _make_sc_counts()(cq.reshape(BATCH * L), cw_tiled)

    b1r = b1.reshape(1, HIDDEN_SIZE)
    hlog_s, sel = pl.pallas_call(
        _hidden_kernel,
        out_shape=[jax.ShapeDtypeStruct((BATCH, NUM_SAMPLED), jnp.bfloat16),
                   jax.ShapeDtypeStruct((NUM_SAMPLED, HIDDEN_SIZE), jnp.bfloat16)],
    )(counts2.reshape(SC_CORES, HIDDEN_SIZE), X, W1, b1r)

    b2r = b2.reshape(1, NUM_CLASSES)
    CB = 512
    out = pl.pallas_call(
        _out_kernel,
        grid=(NUM_CLASSES // CB,),
        in_specs=[
            pl.BlockSpec((BATCH, NUM_SAMPLED), lambda i: (0, 0)),
            pl.BlockSpec((CB, HIDDEN_SIZE), lambda i: (i, 0)),
            pl.BlockSpec((NUM_SAMPLED, HIDDEN_SIZE), lambda i: (0, 0)),
            pl.BlockSpec((1, CB), lambda i: (0, i)),
        ],
        out_specs=pl.BlockSpec((BATCH, CB), lambda i: (0, i)),
        out_shape=jax.ShapeDtypeStruct((BATCH, NUM_CLASSES), jnp.float32),
    )(hlog_s, W2, sel, b2r)
    return out

# --- scband reference (transcript-rebuilt; emitter-appended) ---
"""Pipeline reference for scband-two-layer-lsh-11536282157422 (READ-ONLY COPY).

The authoritative reference and input builder live on the scoring server;
editing this copy changes nothing except your own understanding.
"""

import jax, jax.numpy as jnp
import numpy as np

INPUT_SIZE = 1024
HIDDEN_SIZE = 4096
NUM_CLASSES = 16384
K = 10
L = 8
NUM_SAMPLED = 1024
BATCH = 2048


def setup_inputs(seed: int = 0) -> dict:
    key = jax.random.key(seed)
    k1, k2, k3, k4, k5, k6 = jax.random.split(key, 6)
    X = jax.random.normal(k1, (BATCH, INPUT_SIZE), dtype=jnp.float32)
    W1 = jax.random.normal(k2, (HIDDEN_SIZE, INPUT_SIZE), dtype=jnp.float32) * (1.0 / np.sqrt(INPUT_SIZE))
    b1 = jnp.zeros((HIDDEN_SIZE,), dtype=jnp.float32)
    Hw = jax.random.normal(k3, (L, K, INPUT_SIZE), dtype=jnp.float32)
    W2 = jax.random.normal(k4, (NUM_CLASSES, HIDDEN_SIZE), dtype=jnp.float32) * (1.0 / np.sqrt(HIDDEN_SIZE))
    b2 = jnp.zeros((NUM_CLASSES,), dtype=jnp.float32)
    return {"X": X, "W1": W1, "b1": b1, "Hw": Hw, "W2": W2, "b2": b2}


def _simhash_codes(V, Hw):
    # V: [N, D]; Hw: [L, K, D] -> codes: [L, N] int32 (K-bit SimHash fingerprint per table)
    proj = jnp.einsum('nd,lkd->lkn', V, Hw)
    bits = (proj > 0).astype(jnp.int32)
    pow2 = (2 ** jnp.arange(K, dtype=jnp.int32))[None, :, None]
    return (bits * pow2).sum(axis=1)


def reference(X, W1, b1, Hw, W2, b2):
    # LSHLayer: SimHash the hidden weights and the query batch; hidden units whose
    # fingerprints collide with queries (across L tables) are the retrieved candidates.
    codes_w = _simhash_codes(W1, Hw)            # [L, H]
    codes_q = _simhash_codes(X, Hw)             # [L, N]
    match = (codes_q[:, :, None] == codes_w[:, None, :])  # [L, N, H]
    counts = match.astype(jnp.int32).sum(axis=(0, 1))      # [H] collision counts
    _, sample_ids = jax.lax.top_k(counts, NUM_SAMPLED)     # [S]
    # sparse hidden layer: compute logits only for sampled units
    W1_s = jnp.take(W1, sample_ids, axis=0)     # [S, D]
    b1_s = jnp.take(b1, sample_ids, axis=0)     # [S]
    sample_logits = X @ W1_s.T + b1_s[None, :]  # [N, S]
    sample_logits = jax.nn.relu(sample_logits)
    # output_fc restricted to sampled hidden columns
    weights = jnp.take(W2, sample_ids, axis=1)  # [C, S]
    out = sample_logits @ weights.T + b2[None, :]
    return out

if __name__ == "__main__":
    import jax
    _d = setup_inputs()
    print(jax.jit(kernel)(*tuple(_d.values())))

</pallas_src>

<mosaic_0001>
#map = affine_map<(d0, d1) -> (0)>
module attributes {stable_mosaic.version = 14 : i64} {
  func.func @_sc_counts_body(%arg0: i32, %arg1: i32, %arg2: memref<16384xi32, #tpu.memory_space<hbm>>, %arg3: memref<32768xi32, #tpu.memory_space<hbm>>, %arg4: memref<8192xi32, #tpu.memory_space<hbm>>, %arg5: memref<4x128xi32, #tpu.memory_space<vmem>>, %arg6: memref<128xi32, #tpu.memory_space<vmem>>, %arg7: memref<512xi32, #tpu.memory_space<vmem>>, %arg8: memref<16x128xi32, #tpu.memory_space<vmem>>, %arg9: memref<16x128xi32, #tpu.memory_space<vmem>>, %arg10: memref<256xi32, #tpu.memory_space<vmem>>, %arg11: memref<8192xi32, #tpu.memory_space<vmem_shared>>, %arg12: memref<!tpu.dma_semaphore, #tpu.memory_space<semaphore_mem>>) attributes {dimension_semantics = [#tpu.dimension_semantics<core_parallel>, #tpu.dimension_semantics<subcore_parallel>], iteration_bounds = array<i64: 2, 16>, scalar_prefetch = 0 : i64, scratch_operands = 8 : i64, tpu.core_type = #tpu.core_type<sc_vector_subcore>, window_params = [{transform_indices = #map}, {transform_indices = #map}, {transform_indices = #map}]} {
    %broadcast_in_dim3A = arith.constant 0 : i32
    %broadcast_in_dim3A_0 = vector.broadcast %broadcast_in_dim3A : i32 to vector<16xi32>
    %swap3A = arith.constant 0 : index
    %swap3A_1 = tpu.vector_load %arg7[%swap3A] {strides = array<i32>} : memref<512xi32, #tpu.memory_space<vmem>>, vector<16xi32>,
    %swap3A_2 = vector.shape_cast %swap3A_1 : vector<16xi32> to vector<16xi32>
    %swap3A_3 = vector.shape_cast %broadcast_in_dim3A_0 : vector<16xi32> to vector<16xi32>
    tpu.vector_store %arg7[%swap3A], %swap3A_3 {strides = array<i32>} : memref<512xi32, #tpu.memory_space<vmem>>, vector<16xi32>,
    %broadcast_in_dim3A_4 = arith.constant 0 : i32
    %broadcast_in_dim3A_5 = vector.broadcast %broadcast_in_dim3A_4 : i32 to vector<16xi32>
    %swap3A_6 = arith.constant 16 : index
    %swap3A_7 = tpu.vector_load %arg7[%swap3A_6] {strides = array<i32>} : memref<512xi32, #tpu.memory_space<vmem>>, vector<16xi32>,
    %swap3A_8 = vector.shape_cast %swap3A_7 : vector<16xi32> to vector<16xi32>
    %swap3A_9 = vector.shape_cast %broadcast_in_dim3A_5 : vector<16xi32> to vector<16xi32>
    tpu.vector_store %arg7[%swap3A_6], %swap3A_9 {strides = array<i32>} : memref<512xi32, #tpu.memory_space<vmem>>, vector<16xi32>,
    %broadcast_in_dim3A_10 = arith.constant 0 : i32
    %broadcast_in_dim3A_11 = vector.broadcast %broadcast_in_dim3A_10 : i32 to vector<16xi32>
    %swap3A_12 = arith.constant 32 : index
    %swap3A_13 = tpu.vector_load %arg7[%swap3A_12] {strides = array<i32>} : memref<512xi32, #tpu.memory_space<vmem>>, vector<16xi32>,
    %swap3A_14 = vector.shape_cast %swap3A_13 : vector<16xi32> to vector<16xi32>
    %swap3A_15 = vector.shape_cast %broadcast_in_dim3A_11 : vector<16xi32> to vector<16xi32>
    tpu.vector_store %arg7[%swap3A_12], %swap3A_15 {strides = array<i32>} : memref<512xi32, #tpu.memory_space<vmem>>, vector<16xi32>,
    %broadcast_in_dim3A_16 = arith.constant 0 : i32
    %broadcast_in_dim3A_17 = vector.broadcast %broadcast_in_dim3A_16 : i32 to vector<16xi32>
    %swap3A_18 = arith.constant 48 : index
    %swap3A_19 = tpu.vector_load %arg7[%swap3A_18] {strides = array<i32>} : memref<512xi32, #tpu.memory_space<vmem>>, vector<16xi32>,
    %swap3A_20 = vector.shape_cast %swap3A_19 : vector<16xi32> to vector<16xi32>
    %swap3A_21 = vector.shape_cast %broadcast_in_dim3A_17 : vector<16xi32> to vector<16xi32>
    tpu.vector_store %arg7[%swap3A_18], %swap3A_21 {strides = array<i32>} : memref<512xi32, #tpu.memory_space<vmem>>, vector<16xi32>,
    %broadcast_in_dim3A_22 = arith.constant 0 : i32
    %broadcast_in_dim3A_23 = vector.broadcast %broadcast_in_dim3A_22 : i32 to vector<16xi32>
    %swap3A_24 = arith.constant 64 : index
    %swap3A_25 = tpu.vector_load %arg7[%swap3A_24] {strides = array<i32>} : memref<512xi32, #tpu.memory_space<vmem>>, vector<16xi32>,
    %swap3A_26 = vector.shape_cast %swap3A_25 : vector<16xi32> to vector<16xi32>
    %swap3A_27 = vector.shape_cast %broadcast_in_dim3A_23 : vector<16xi32> to vector<16xi32>
    tpu.vector_store %arg7[%swap3A_24], %swap3A_27 {strides = array<i32>} : memref<512xi32, #tpu.memory_space<vmem>>, vector<16xi32>,
    %broadcast_in_dim3A_28 = arith.constant 0 : i32
    %broadcast_in_dim3A_29 = vector.broadcast %broadcast_in_dim3A_28 : i32 to vector<16xi32>
    %swap3A_30 = arith.constant 80 : index
    %swap3A_31 = tpu.vector_load %arg7[%swap3A_30] {strides = array<i32>} : memref<512xi32, #tpu.memory_space<vmem>>, vector<16xi32>,
    %swap3A_32 = vector.shape_cast %swap3A_31 : vector<16xi32> to vector<16xi32>
    %swap3A_33 = vector.shape_cast %broadcast_in_dim3A_29 : vector<16xi32> to vector<16xi32>
    tpu.vector_store %arg7[%swap3A_30], %swap3A_33 {strides = array<i32>} : memref<512xi32, #tpu.memory_space<vmem>>, vector<16xi32>,
    %broadcast_in_dim3A_34 = arith.constant 0 : i32
    %broadcast_in_dim3A_35 = vector.broadcast %broadcast_in_dim3A_34 : i32 to vector<16xi32>
    %swap3A_36 = arith.constant 96 : index
    %swap3A_37 = tpu.vector_load %arg7[%swap3A_36] {strides = array<i32>} : memref<512xi32, #tpu.memory_space<vmem>>, vector<16xi32>,
    %swap3A_38 = vector.shape_cast %swap3A_37 : vector<16xi32> to vector<16xi32>
    %swap3A_39 = vector.shape_cast %broadcast_in_dim3A_35 : vector<16xi32> to vector<16xi32>
    tpu.vector_store %arg7[%swap3A_36], %swap3A_39 {strides = array<i32>} : memref<512xi32, #tpu.memory_space<vmem>>, vector<16xi32>,
    %broadcast_in_dim3A_40 = arith.constant 0 : i32
    %broadcast_in_dim3A_41 = vector.broadcast %broadcast_in_dim3A_40 : i32 to vector<16xi32>
    %swap3A_42 = arith.constant 112 : index
    %swap3A_43 = tpu.vector_load %arg7[%swap3A_42] {strides = array<i32>} : memref<512xi32, #tpu.memory_space<vmem>>, vector<16xi32>,
    %swap3A_44 = vector.shape_cast %swap3A_43 : vector<16xi32> to vector<16xi32>
    %swap3A_45 = vector.shape_cast %broadcast_in_dim3A_41 : vector<16xi32> to vector<16xi32>
    tpu.vector_store %arg7[%swap3A_42], %swap3A_45 {strides = array<i32>} : memref<512xi32, #tpu.memory_space<vmem>>, vector<16xi32>,
    %broadcast_in_dim3A_46 = arith.constant 0 : i32
    %broadcast_in_dim3A_47 = vector.broadcast %broadcast_in_dim3A_46 : i32 to vector<16xi32>
    %swap3A_48 = arith.constant 128 : index
    %swap3A_49 = tpu.vector_load %arg7[%swap3A_48] {strides = array<i32>} : memref<512xi32, #tpu.memory_space<vmem>>, vector<16xi32>,
    %swap3A_50 = vector.shape_cast %swap3A_49 : vector<16xi32> to vector<16xi32>
    %swap3A_51 = vector.shape_cast %broadcast_in_dim3A_47 : vector<16xi32> to vector<16xi32>
    tpu.vector_store %arg7[%swap3A_48], %swap3A_51 {strides = array<i32>} : memref<512xi32, #tpu.memory_space<vmem>>, vector<16xi32>,
    %broadcast_in_dim3A_52 = arith.constant 0 : i32
    %broadcast_in_dim3A_53 = vector.broadcast %broadcast_in_dim3A_52 : i32 to vector<16xi32>
    %swap3A_54 = arith.constant 144 : index
    %swap3A_55 = tpu.vector_load %arg7[%swap3A_54] {strides = array<i32>} : memref<512xi32, #tpu.memory_space<vmem>>, vector<16xi32>,
    %swap3A_56 = vector.shape_cast %swap3A_55 : vector<16xi32> to vector<16xi32>
    %swap3A_57 = vector.shape_cast %broadcast_in_dim3A_53 : vector<16xi32> to vector<16xi32>
    tpu.vector_store %arg7[%swap3A_54], %swap3A_57 {strides = array<i32>} : memref<512xi32, #tpu.memory_space<vmem>>, vector<16xi32>,
    %broadcast_in_dim3A_58 = arith.constant 0 : i32
    %broadcast_in_dim3A_59 = vector.broadcast %broadcast_in_dim3A_58 : i32 to vector<16xi32>
    %swap3A_60 = arith.constant 160 : index
    %swap3A_61 = tpu.vector_load %arg7[%swap3A_60] {strides = array<i32>} : memref<512xi32, #tpu.memory_space<vmem>>, vector<16xi32>,
    %swap3A_62 = vector.shape_cast %swap3A_61 : vector<16xi32> to vector<16xi32>
    %swap3A_63 = vector.shape_cast %broadcast_in_dim3A_59 : vector<16xi32> to vector<16xi32>
    tpu.vector_store %arg7[%swap3A_60], %swap3A_63 {strides = array<i32>} : memref<512xi32, #tpu.memory_space<vmem>>, vector<16xi32>,
    %broadcast_in_dim3A_64 = arith.constant 0 : i32
    %broadcast_in_dim3A_65 = vector.broadcast %broadcast_in_dim3A_64 : i32 to vector<16xi32>
    %swap3A_66 = arith.constant 176 : index
    %swap3A_67 = tpu.vector_load %arg7[%swap3A_66] {strides = array<i32>} : memref<512xi32, #tpu.memory_space<vmem>>, vector<16xi32>,
    %swap3A_68 = vector.shape_cast %swap3A_67 : vector<16xi32> to vector<16xi32>
    %swap3A_69 = vector.shape_cast %broadcast_in_dim3A_65 : vector<16xi32> to vector<16xi32>
    tpu.vector_store %arg7[%swap3A_66], %swap3A_69 {strides = array<i32>} : memref<512xi32, #tpu.memory_space<vmem>>, vector<16xi32>,
    %broadcast_in_dim3A_70 = arith.constant 0 : i32
    %broadcast_in_dim3A_71 = vector.broadcast %broadcast_in_dim3A_70 : i32 to vector<16xi32>
    %swap3A_72 = arith.constant 192 : index
    %swap3A_73 = tpu.vector_load %arg7[%swap3A_72] {strides = array<i32>} : memref<512xi32, #tpu.memory_space<vmem>>, vector<16xi32>,
    %swap3A_74 = vector.shape_cast %swap3A_73 : vector<16xi32> to vector<16xi32>
    %swap3A_75 = vector.shape_cast %broadcast_in_dim3A_71 : vector<16xi32> to vector<16xi32>
    tpu.vector_store %arg7[%swap3A_72], %swap3A_75 {strides = array<i32>} : memref<512xi32, #tpu.memory_space<vmem>>, vector<16xi32>,
    %broadcast_in_dim3A_76 = arith.constant 0 : i32
    %broadcast_in_dim3A_77 = vector.broadcast %broadcast_in_dim3A_76 : i32 to vector<16xi32>
    %swap3A_78 = arith.constant 208 : index
    %swap3A_79 = tpu.vector_load %arg7[%swap3A_78] {strides = array<i32>} : memref<512xi32, #tpu.memory_space<vmem>>, vector<16xi32>,
    %swap3A_80 = vector.shape_cast %swap3A_79 : vector<16xi32> to vector<16xi32>
    %swap3A_81 = vector.shape_cast %broadcast_in_dim3A_77 : vector<16xi32> to vector<16xi32>
    tpu.vector_store %arg7[%swap3A_78], %swap3A_81 {strides = array<i32>} : memref<512xi32, #tpu.memory_space<vmem>>, vector<16xi32>,
    %broadcast_in_dim3A_82 = arith.constant 0 : i32
    %broadcast_in_dim3A_83 = vector.broadcast %broadcast_in_dim3A_82 : i32 to vector<16xi32>
    %swap3A_84 = arith.constant 224 : index
    %swap3A_85 = tpu.vector_load %arg7[%swap3A_84] {strides = array<i32>} : memref<512xi32, #tpu.memory_space<vmem>>, vector<16xi32>,
    %swap3A_86 = vector.shape_cast %swap3A_85 : vector<16xi32> to vector<16xi32>
    %swap3A_87 = vector.shape_cast %broadcast_in_dim3A_83 : vector<16xi32> to vector<16xi32>
    tpu.vector_store %arg7[%swap3A_84], %swap3A_87 {strides = array<i32>} : memref<512xi32, #tpu.memory_space<vmem>>, vector<16xi32>,
    %broadcast_in_dim3A_88 = arith.constant 0 : i32
    %broadcast_in_dim3A_89 = vector.broadcast %broadcast_in_dim3A_88 : i32 to vector<16xi32>
    %swap3A_90 = arith.constant 240 : index
    %swap3A_91 = tpu.vector_load %arg7[%swap3A_90] {strides = array<i32>} : memref<512xi32, #tpu.memory_space<vmem>>, vector<16xi32>,
    %swap3A_92 = vector.shape_cast %swap3A_91 : vector<16xi32> to vector<16xi32>
    %swap3A_93 = vector.shape_cast %broadcast_in_dim3A_89 : vector<16xi32> to vector<16xi32>
    tpu.vector_store %arg7[%swap3A_90], %swap3A_93 {strides = array<i32>} : memref<512xi32, #tpu.memory_space<vmem>>, vector<16xi32>,
    %broadcast_in_dim3A_94 = arith.constant 0 : i32
    %broadcast_in_dim3A_95 = vector.broadcast %broadcast_in_dim3A_94 : i32 to vector<16xi32>
    %swap3A_96 = arith.constant 256 : index
    %swap3A_97 = tpu.vector_load %arg7[%swap3A_96] {strides = array<i32>} : memref<512xi32, #tpu.memory_space<vmem>>, vector<16xi32>,
    %swap3A_98 = vector.shape_cast %swap3A_97 : vector<16xi32> to vector<16xi32>
    %swap3A_99 = vector.shape_cast %broadcast_in_dim3A_95 : vector<16xi32> to vector<16xi32>
    tpu.vector_store %arg7[%swap3A_96], %swap3A_99 {strides = array<i32>} : memref<512xi32, #tpu.memory_space<vmem>>, vector<16xi32>,
    %broadcast_in_dim3A_100 = arith.constant 0 : i32
    %broadcast_in_dim3A_101 = vector.broadcast %broadcast_in_dim3A_100 : i32 to vector<16xi32>
    %swap3A_102 = arith.constant 272 : index
    %swap3A_103 = tpu.vector_load %arg7[%swap3A_102] {strides = array<i32>} : memref<512xi32, #tpu.memory_space<vmem>>, vector<16xi32>,
    %swap3A_104 = vector.shape_cast %swap3A_103 : vector<16xi32> to vector<16xi32>
    %swap3A_105 = vector.shape_cast %broadcast_in_dim3A_101 : vector<16xi32> to vector<16xi32>
    tpu.vector_store %arg7[%swap3A_102], %swap3A_105 {strides = array<i32>} : memref<512xi32, #tpu.memory_space<vmem>>, vector<16xi32>,
    %broadcast_in_dim3A_106 = arith.constant 0 : i32
    %broadcast_in_dim3A_107 = vector.broadcast %broadcast_in_dim3A_106 : i32 to vector<16xi32>
    %swap3A_108 = arith.constant 288 : index
    %swap3A_109 = tpu.vector_load %arg7[%swap3A_108] {strides = array<i32>} : memref<512xi32, #tpu.memory_space<vmem>>, vector<16xi32>,
    %swap3A_110 = vector.shape_cast %swap3A_109 : vector<16xi32> to vector<16xi32>
    %swap3A_111 = vector.shape_cast %broadcast_in_dim3A_107 : vector<16xi32> to vector<16xi32>
    tpu.vector_store %arg7[%swap3A_108], %swap3A_111 {strides = array<i32>} : memref<512xi32, #tpu.memory_space<vmem>>, vector<16xi32>,
    %broadcast_in_dim3A_112 = arith.constant 0 : i32
    %broadcast_in_dim3A_113 = vector.broadcast %broadcast_in_dim3A_112 : i32 to vector<16xi32>
    %swap3A_114 = arith.constant 304 : index
    %swap3A_115 = tpu.vector_load %arg7[%swap3A_114] {strides = array<i32>} : memref<512xi32, #tpu.memory_space<vmem>>, vector<16xi32>,
    %swap3A_116 = vector.shape_cast %swap3A_115 : vector<16xi32> to vector<16xi32>
    %swap3A_117 = vector.shape_cast %broadcast_in_dim3A_113 : vector<16xi32> to vector<16xi32>
    tpu.vector_store %arg7[%swap3A_114], %swap3A_117 {strides = array<i32>} : memref<512xi32, #tpu.memory_space<vmem>>, vector<16xi32>,
    %broadcast_in_dim3A_118 = arith.constant 0 : i32
    %broadcast_in_dim3A_119 = vector.broadcast %broadcast_in_dim3A_118 : i32 to vector<16xi32>
    %swap3A_120 = arith.constant 320 : index
    %swap3A_121 = tpu.vector_load %arg7[%swap3A_120] {strides = array<i32>} : memref<512xi32, #tpu.memory_space<vmem>>, vector<16xi32>,
    %swap3A_122 = vector.shape_cast %swap3A_121 : vector<16xi32> to vector<16xi32>
    %swap3A_123 = vector.shape_cast %broadcast_in_dim3A_119 : vector<16xi32> to vector<16xi32>
    tpu.vector_store %arg7[%swap3A_120], %swap3A_123 {strides = array<i32>} : memref<512xi32, #tpu.memory_space<vmem>>, vector<16xi32>,
    %broadcast_in_dim3A_124 = arith.constant 0 : i32
    %broadcast_in_dim3A_125 = vector.broadcast %broadcast_in_dim3A_124 : i32 to vector<16xi32>
    %swap3A_126 = arith.constant 336 : index
    %swap3A_127 = tpu.vector_load %arg7[%swap3A_126] {strides = array<i32>} : memref<512xi32, #tpu.memory_space<vmem>>, vector<16xi32>,
    %swap3A_128 = vector.shape_cast %swap3A_127 : vector<16xi32> to vector<16xi32>
    %swap3A_129 = vector.shape_cast %broadcast_in_dim3A_125 : vector<16xi32> to vector<16xi32>
    tpu.vector_store %arg7[%swap3A_126], %swap3A_129 {strides = array<i32>} : memref<512xi32, #tpu.memory_space<vmem>>, vector<16xi32>,
    %broadcast_in_dim3A_130 = arith.constant 0 : i32
    %broadcast_in_dim3A_131 = vector.broadcast %broadcast_in_dim3A_130 : i32 to vector<16xi32>
    %swap3A_132 = arith.constant 352 : index
    %swap3A_133 = tpu.vector_load %arg7[%swap3A_132] {strides = array<i32>} : memref<512xi32, #tpu.memory_space<vmem>>, vector<16xi32>,
    %swap3A_134 = vector.shape_cast %swap3A_133 : vector<16xi32> to vector<16xi32>
    %swap3A_135 = vector.shape_cast %broadcast_in_dim3A_131 : vector<16xi32> to vector<16xi32>
    tpu.vector_store %arg7[%swap3A_132], %swap3A_135 {strides = array<i32>} : memref<512xi32, #tpu.memory_space<vmem>>, vector<16xi32>,
    %broadcast_in_dim3A_136 = arith.constant 0 : i32
    %broadcast_in_dim3A_137 = vector.broadcast %broadcast_in_dim3A_136 : i32 to vector<16xi32>
    %swap3A_138 = arith.constant 368 : index
    %swap3A_139 = tpu.vector_load %arg7[%swap3A_138] {strides = array<i32>} : memref<512xi32, #tpu.memory_space<vmem>>, vector<16xi32>,
    %swap3A_140 = vector.shape_cast %swap3A_139 : vector<16xi32> to vector<16xi32>
    %swap3A_141 = vector.shape_cast %broadcast_in_dim3A_137 : vector<16xi32> to vector<16xi32>
    tpu.vector_store %arg7[%swap3A_138], %swap3A_141 {strides = array<i32>} : memref<512xi32, #tpu.memory_space<vmem>>, vector<16xi32>,
    %broadcast_in_dim3A_142 = arith.constant 0 : i32
    %broadcast_in_dim3A_143 = vector.broadcast %broadcast_in_dim3A_142 : i32 to vector<16xi32>
    %swap3A_144 = arith.constant 384 : index
    %swap3A_145 = tpu.vector_load %arg7[%swap3A_144] {strides = array<i32>} : memref<512xi32, #tpu.memory_space<vmem>>, vector<16xi32>,
    %swap3A_146 = vector.shape_cast %swap3A_145 : vector<16xi32> to vector<16xi32>
    %swap3A_147 = vector.shape_cast %broadcast_in_dim3A_143 : vector<16xi32> to vector<16xi32>
    tpu.vector_store %arg7[%swap3A_144], %swap3A_147 {strides = array<i32>} : memref<512xi32, #tpu.memory_space<vmem>>, vector<16xi32>,
    %broadcast_in_dim3A_148 = arith.constant 0 : i32
    %broadcast_in_dim3A_149 = vector.broadcast %broadcast_in_dim3A_148 : i32 to vector<16xi32>
    %swap3A_150 = arith.constant 400 : index
    %swap3A_151 = tpu.vector_load %arg7[%swap3A_150] {strides = array<i32>} : memref<512xi32, #tpu.memory_space<vmem>>, vector<16xi32>,
    %swap3A_152 = vector.shape_cast %swap3A_151 : vector<16xi32> to vector<16xi32>
    %swap3A_153 = vector.shape_cast %broadcast_in_dim3A_149 : vector<16xi32> to vector<16xi32>
    tpu.vector_store %arg7[%swap3A_150], %swap3A_153 {strides = array<i32>} : memref<512xi32, #tpu.memory_space<vmem>>, vector<16xi32>,
    %broadcast_in_dim3A_154 = arith.constant 0 : i32
    %broadcast_in_dim3A_155 = vector.broadcast %broadcast_in_dim3A_154 : i32 to vector<16xi32>
    %swap3A_156 = arith.constant 416 : index
    %swap3A_157 = tpu.vector_load %arg7[%swap3A_156] {strides = array<i32>} : memref<512xi32, #tpu.memory_space<vmem>>, vector<16xi32>,
    %swap3A_158 = vector.shape_cast %swap3A_157 : vector<16xi32> to vector<16xi32>
    %swap3A_159 = vector.shape_cast %broadcast_in_dim3A_155 : vector<16xi32> to vector<16xi32>
    tpu.vector_store %arg7[%swap3A_156], %swap3A_159 {strides = array<i32>} : memref<512xi32, #tpu.memory_space<vmem>>, vector<16xi32>,
    %broadcast_in_dim3A_160 = arith.constant 0 : i32
    %broadcast_in_dim3A_161 = vector.broadcast %broadcast_in_dim3A_160 : i32 to vector<16xi32>
    %swap3A_162 = arith.constant 432 : index
    %swap3A_163 = tpu.vector_load %arg7[%swap3A_162] {strides = array<i32>} : memref<512xi32, #tpu.memory_space<vmem>>, vector<16xi32>,
    %swap3A_164 = vector.shape_cast %swap3A_163 : vector<16xi32> to vector<16xi32>
    %swap3A_165 = vector.shape_cast %broadcast_in_dim3A_161 : vector<16xi32> to vector<16xi32>
    tpu.vector_store %arg7[%swap3A_162], %swap3A_165 {strides = array<i32>} : memref<512xi32, #tpu.memory_space<vmem>>, vector<16xi32>,
    %broadcast_in_dim3A_166 = arith.constant 0 : i32
    %broadcast_in_dim3A_167 = vector.broadcast %broadcast_in_dim3A_166 : i32 to vector<16xi32>
    %swap3A_168 = arith.constant 448 : index
    %swap3A_169 = tpu.vector_load %arg7[%swap3A_168] {strides = array<i32>} : memref<512xi32, #tpu.memory_space<vmem>>, vector<16xi32>,
    %swap3A_170 = vector.shape_cast %swap3A_169 : vector<16xi32> to vector<16xi32>
    %swap3A_171 = vector.shape_cast %broadcast_in_dim3A_167 : vector<16xi32> to vector<16xi32>
    tpu.vector_store %arg7[%swap3A_168], %swap3A_171 {strides = array<i32>} : memref<512xi32, #tpu.memory_space<vmem>>, vector<16xi32>,
    %broadcast_in_dim3A_172 = arith.constant 0 : i32
    %broadcast_in_dim3A_173 = vector.broadcast %broadcast_in_dim3A_172 : i32 to vector<16xi32>
    %swap3A_174 = arith.constant 464 : index
    %swap3A_175 = tpu.vector_load %arg7[%swap3A_174] {strides = array<i32>} : memref<512xi32, #tpu.memory_space<vmem>>, vector<16xi32>,
    %swap3A_176 = vector.shape_cast %swap3A_175 : vector<16xi32> to vector<16xi32>
    %swap3A_177 = vector.shape_cast %broadcast_in_dim3A_173 : vector<16xi32> to vector<16xi32>
    tpu.vector_store %arg7[%swap3A_174], %swap3A_177 {strides = array<i32>} : memref<512xi32, #tpu.memory_space<vmem>>, vector<16xi32>,
    %broadcast_in_dim3A_178 = arith.constant 0 : i32
    %broadcast_in_dim3A_179 = vector.broadcast %broadcast_in_dim3A_178 : i32 to vector<16xi32>
    %swap3A_180 = arith.constant 480 : index
    %swap3A_181 = tpu.vector_load %arg7[%swap3A_180] {strides = array<i32>} : memref<512xi32, #tpu.memory_space<vmem>>, vector<16xi32>,
    %swap3A_182 = vector.shape_cast %swap3A_181 : vector<16xi32> to vector<16xi32>
    %swap3A_183 = vector.shape_cast %broadcast_in_dim3A_179 : vector<16xi32> to vector<16xi32>
    tpu.vector_store %arg7[%swap3A_180], %swap3A_183 {strides = array<i32>} : memref<512xi32, #tpu.memory_space<vmem>>, vector<16xi32>,
    %broadcast_in_dim3A_184 = arith.constant 0 : i32
    %broadcast_in_dim3A_185 = vector.broadcast %broadcast_in_dim3A_184 : i32 to vector<16xi32>
    %swap3A_186 = arith.constant 496 : index
    %swap3A_187 = tpu.vector_load %arg7[%swap3A_186] {strides = array<i32>} : memref<512xi32, #tpu.memory_space<vmem>>, vector<16xi32>,
    %swap3A_188 = vector.shape_cast %swap3A_187 : vector<16xi32> to vector<16xi32>
    %swap3A_189 = vector.shape_cast %broadcast_in_dim3A_185 : vector<16xi32> to vector<16xi32>
    tpu.vector_store %arg7[%swap3A_186], %swap3A_189 {strides = array<i32>} : memref<512xi32, #tpu.memory_space<vmem>>, vector<16xi32>,
    %mul3A = arith.constant 512 : i32
    %mul3A_190 = arith.muli %arg1, %mul3A : i32
    "tpu.region"() ({
      %run_scoped3A_1897 = tpu.sem_alloc : memref<!tpu.dma_semaphore, #tpu.memory_space<semaphore_mem>>
      %dma_start3A_1898 = tpu.memref_slice %arg11[%mul3A_190] : memref<8192xi32, #tpu.memory_space<vmem_shared>> -> memref<512xi32, #tpu.memory_space<vmem_shared>>
      %dma_start3A_1899 = tpu.memref_slice %arg11[%mul3A_190] : memref<8192xi32, #tpu.memory_space<vmem_shared>> -> memref<512xi32, #tpu.memory_space<vmem_shared>>
      tpu.enqueue_dma source(%arg7 : memref<512xi32, #tpu.memory_space<vmem>>) target(%dma_start3A_1899 : memref<512xi32, #tpu.memory_space<vmem_shared>>) target_semaphore(%run_scoped3A_1897 : memref<!tpu.dma_semaphore, #tpu.memory_space<semaphore_mem>>)
      %dma_wait3A_1900 = tpu.memref_slice %arg11[%mul3A_190] : memref<8192xi32, #tpu.memory_space<vmem_shared>> -> memref<512xi32, #tpu.memory_space<vmem_shared>>
      %dma_wait3A_1901 = tpu.memref_slice %arg11[%mul3A_190] : memref<8192xi32, #tpu.memory_space<vmem_shared>> -> memref<512xi32, #tpu.memory_space<vmem_shared>>
      tpu.wait_dma2 semaphore(%run_scoped3A_1897 : memref<!tpu.dma_semaphore, #tpu.memory_space<semaphore_mem>>) src(%arg7 : memref<512xi32, #tpu.memory_space<vmem>>) dst(%dma_wait3A_1901 : memref<512xi32, #tpu.memory_space<vmem_shared>>)
      tpu.yield
    }) : () -> ()
    %barrier3A = arith.constant 0 : index
    tpu.barrier barrier_id(%barrier3A)
    %mul3A_191 = arith.constant 8192 : i32
    %mul3A_192 = arith.muli %arg0, %mul3A_191 : i32
    %mul3A_193 = arith.constant 512 : i32
    %mul3A_194 = arith.muli %arg1, %mul3A_193 : i32
    %add3A = arith.addi %mul3A_192, %mul3A_194 : i32
    %add3A_195 = arith.constant 0 : i32
    %add3A_196 = arith.addi %add3A, %add3A_195 : i32
    %dma_start3A = arith.constant 0 : i32
    %dma_start3A_197 = arith.constant 0 : i32
    %dma_start3A_198 = tpu.memref_slice %arg5[%dma_start3A, %dma_start3A_197] : memref<4x128xi32, #tpu.memory_space<vmem>> -> memref<1x128xi32, #tpu.memory_space<vmem>>
    %dma_start3A_199 = tpu.memref_squeeze %dma_start3A_198 : memref<1x128xi32, #tpu.memory_space<vmem>> -> memref<128xi32, #tpu.memory_space<vmem>>
    %dma_start3A_200 = tpu.memref_slice %arg2[%add3A_196] : memref<16384xi32, #tpu.memory_space<hbm>> -> memref<128xi32, #tpu.memory_space<hbm>>
    %dma_start3A_201 = arith.constant 0 : i32
    %dma_start3A_202 = tpu.memref_slice %arg5[%dma_start3A, %dma_start3A_201] : memref<4x128xi32, #tpu.memory_space<vmem>> -> memref<1x128xi32, #tpu.memory_space<vmem>>
    %dma_start3A_203 = tpu.memref_squeeze %dma_start3A_202 : memref<1x128xi32, #tpu.memory_space<vmem>> -> memref<128xi32, #tpu.memory_space<vmem>>
    %dma_start3A_204 = tpu.memref_slice %arg2[%add3A_196] : memref<16384xi32, #tpu.memory_space<hbm>> -> memref<128xi32, #tpu.memory_space<hbm>>
    tpu.enqueue_dma source(%dma_start3A_204 : memref<128xi32, #tpu.memory_space<hbm>>) target(%dma_start3A_203 : memref<128xi32, #tpu.memory_space<vmem>>) target_semaphore(%arg12 : memref<!tpu.dma_semaphore, #tpu.memory_space<semaphore_mem>>)
    %add3A_205 = arith.constant 128 : i32
    %add3A_206 = arith.addi %add3A, %add3A_205 : i32
    %dma_start3A_207 = arith.constant 1 : i32
    %dma_start3A_208 = arith.constant 0 : i32
    %dma_start3A_209 = tpu.memref_slice %arg5[%dma_start3A_207, %dma_start3A_208] : memref<4x128xi32, #tpu.memory_space<vmem>> -> memref<1x128xi32, #tpu.memory_space<vmem>>
    %dma_start3A_210 = tpu.memref_squeeze %dma_start3A_209 : memref<1x128xi32, #tpu.memory_space<vmem>> -> memref<128xi32, #tpu.memory_space<vmem>>
    %dma_start3A_211 = tpu.memref_slice %arg2[%add3A_206] : memref<16384xi32, #tpu.memory_space<hbm>> -> memref<128xi32, #tpu.memory_space<hbm>>
    %dma_start3A_212 = arith.constant 0 : i32
    %dma_start3A_213 = tpu.memref_slice %arg5[%dma_start3A_207, %dma_start3A_212] : memref<4x128xi32, #tpu.memory_space<vmem>> -> memref<1x128xi32, #tpu.memory_space<vmem>>
    %dma_start3A_214 = tpu.memref_squeeze %dma_start3A_213 : memref<1x128xi32, #tpu.memory_space<vmem>> -> memref<128xi32, #tpu.memory_space<vmem>>
    %dma_start3A_215 = tpu.memref_slice %arg2[%add3A_206] : memref<16384xi32, #tpu.memory_space<hbm>> -> memref<128xi32, #tpu.memory_space<hbm>>
    tpu.enqueue_dma source(%dma_start3A_215 : memref<128xi32, #tpu.memory_space<hbm>>) target(%dma_start3A_214 : memref<128xi32, #tpu.memory_space<vmem>>) target_semaphore(%arg12 : memref<!tpu.dma_semaphore, #tpu.memory_space<semaphore_mem>>)
    %add3A_216 = arith.constant 256 : i32
    %add3A_217 = arith.addi %add3A, %add3A_216 : i32
    %dma_start3A_218 = arith.constant 2 : i32
    %dma_start3A_219 = arith.constant 0 : i32
    %dma_start3A_220 = tpu.memref_slice %arg5[%dma_start3A_218, %dma_start3A_219] : memref<4x128xi32, #tpu.memory_space<vmem>> -> memref<1x128xi32, #tpu.memory_space<vmem>>
    %dma_start3A_221 = tpu.memref_squeeze %dma_start3A_220 : memref<1x128xi32, #tpu.memory_space<vmem>> -> memref<128xi32, #tpu.memory_space<vmem>>
    %dma_start3A_222 = tpu.memref_slice %arg2[%add3A_217] : memref<16384xi32, #tpu.memory_space<hbm>> -> memref<128xi32, #tpu.memory_space<hbm>>
    %dma_start3A_223 = arith.constant 0 : i32
    %dma_start3A_224 = tpu.memref_slice %arg5[%dma_start3A_218, %dma_start3A_223] : memref<4x128xi32, #tpu.memory_space<vmem>> -> memref<1x128xi32, #tpu.memory_space<vmem>>
    %dma_start3A_225 = tpu.memref_squeeze %dma_start3A_224 : memref<1x128xi32, #tpu.memory_space<vmem>> -> memref<128xi32, #tpu.memory_space<vmem>>
    %dma_start3A_226 = tpu.memref_slice %arg2[%add3A_217] : memref<16384xi32, #tpu.memory_space<hbm>> -> memref<128xi32, #tpu.memory_space<hbm>>
    tpu.enqueue_dma source(%dma_start3A_226 : memref<128xi32, #tpu.memory_space<hbm>>) target(%dma_start3A_225 : memref<128xi32, #tpu.memory_space<vmem>>) target_semaphore(%arg12 : memref<!tpu.dma_semaphore, #tpu.memory_space<semaphore_mem>>)
    %add3A_227 = arith.constant 384 : i32
    %add3A_228 = arith.addi %add3A, %add3A_227 : i32
    %dma_start3A_229 = arith.constant 3 : i32
    %dma_start3A_230 = arith.constant 0 : i32
    %dma_start3A_231 = tpu.memref_slice %arg5[%dma_start3A_229, %dma_start3A_230] : memref<4x128xi32, #tpu.memory_space<vmem>> -> memref<1x128xi32, #tpu.memory_space<vmem>>
    %dma_start3A_232 = tpu.memref_squeeze %dma_start3A_231 : memref<1x128xi32, #tpu.memory_space<vmem>> -> memref<128xi32, #tpu.memory_space<vmem>>
    %dma_start3A_233 = tpu.memref_slice %arg2[%add3A_228] : memref<16384xi32, #tpu.memory_space<hbm>> -> memref<128xi32, #tpu.memory_space<hbm>>
    %dma_start3A_234 = arith.constant 0 : i32
    %dma_start3A_235 = tpu.memref_slice %arg5[%dma_start3A_229, %dma_start3A_234] : memref<4x128xi32, #tpu.memory_space<vmem>> -> memref<1x128xi32, #tpu.memory_space<vmem>>
    %dma_start3A_236 = tpu.memref_squeeze %dma_start3A_235 : memref<1x128xi32, #tpu.memory_space<vmem>> -> memref<128xi32, #tpu.memory_space<vmem>>
    %dma_start3A_237 = tpu.memref_slice %arg2[%add3A_228] : memref<16384xi32, #tpu.memory_space<hbm>> -> memref<128xi32, #tpu.memory_space<hbm>>
    tpu.enqueue_dma source(%dma_start3A_237 : memref<128xi32, #tpu.memory_space<hbm>>) target(%dma_start3A_236 : memref<128xi32, #tpu.memory_space<vmem>>) target_semaphore(%arg12 : memref<!tpu.dma_semaphore, #tpu.memory_space<semaphore_mem>>)
    %broadcast_in_dim3A_238 = arith.constant 1 : i32
    %broadcast_in_dim3A_239 = vector.broadcast %broadcast_in_dim3A_238 : i32 to vector<16xi32>
    %swap3A_240 = arith.constant 0 : index
    %swap3A_241 = tpu.vector_load %arg6[%swap3A_240] {strides = array<i32>} : memref<128xi32, #tpu.memory_space<vmem>>, vector<16xi32>,
    %swap3A_242 = vector.shape_cast %swap3A_241 : vector<16xi32> to vector<16xi32>
    %swap3A_243 = vector.shape_cast %broadcast_in_dim3A_239 : vector<16xi32> to vector<16xi32>
    tpu.vector_store %arg6[%swap3A_240], %swap3A_243 {strides = array<i32>} : memref<128xi32, #tpu.memory_space<vmem>>, vector<16xi32>,
    %broadcast_in_dim3A_244 = arith.constant 1 : i32
    %broadcast_in_dim3A_245 = vector.broadcast %broadcast_in_dim3A_244 : i32 to vector<16xi32>
    %swap3A_246 = arith.constant 16 : index
    %swap3A_247 = tpu.vector_load %arg6[%swap3A_246] {strides = array<i32>} : memref<128xi32, #tpu.memory_space<vmem>>, vector<16xi32>,
    %swap3A_248 = vector.shape_cast %swap3A_247 : vector<16xi32> to vector<16xi32>
    %swap3A_249 = vector.shape_cast %broadcast_in_dim3A_245 : vector<16xi32> to vector<16xi32>
    tpu.vector_store %arg6[%swap3A_246], %swap3A_249 {strides = array<i32>} : memref<128xi32, #tpu.memory_space<vmem>>, vector<16xi32>,
    %broadcast_in_dim3A_250 = arith.constant 1 : i32
    %broadcast_in_dim3A_251 = vector.broadcast %broadcast_in_dim3A_250 : i32 to vector<16xi32>
    %swap3A_252 = arith.constant 32 : index
    %swap3A_253 = tpu.vector_load %arg6[%swap3A_252] {strides = array<i32>} : memref<128xi32, #tpu.memory_space<vmem>>, vector<16xi32>,
    %swap3A_254 = vector.shape_cast %swap3A_253 : vector<16xi32> to vector<16xi32>
    %swap3A_255 = vector.shape_cast %broadcast_in_dim3A_251 : vector<16xi32> to vector<16xi32>
    tpu.vector_store %arg6[%swap3A_252], %swap3A_255 {strides = array<i32>} : memref<128xi32, #tpu.memory_space<vmem>>, vector<16xi32>,
    %broadcast_in_dim3A_256 = arith.constant 1 : i32
    %broadcast_in_dim3A_257 = vector.broadcast %broadcast_in_dim3A_256 : i32 to vector<16xi32>
    %swap3A_258 = arith.constant 48 : index
    %swap3A_259 = tpu.vector_load %arg6[%swap3A_258] {strides = array<i32>} : memref<128xi32, #tpu.memory_space<vmem>>, vector<16xi32>,
    %swap3A_260 = vector.shape_cast %swap3A_259 : vector<16xi32> to vector<16xi32>
    %swap3A_261 = vector.shape_cast %broadcast_in_dim3A_257 : vector<16xi32> to vector<16xi32>
    tpu.vector_store %arg6[%swap3A_258], %swap3A_261 {strides = array<i32>} : memref<128xi32, #tpu.memory_space<vmem>>, vector<16xi32>,
    %broadcast_in_dim3A_262 = arith.constant 1 : i32
    %broadcast_in_dim3A_263 = vector.broadcast %broadcast_in_dim3A_262 : i32 to vector<16xi32>
    %swap3A_264 = arith.constant 64 : index
    %swap3A_265 = tpu.vector_load %arg6[%swap3A_264] {strides = array<i32>} : memref<128xi32, #tpu.memory_space<vmem>>, vector<16xi32>,
    %swap3A_266 = vector.shape_cast %swap3A_265 : vector<16xi32> to vector<16xi32>
    %swap3A_267 = vector.shape_cast %broadcast_in_dim3A_263 : vector<16xi32> to vector<16xi32>
    tpu.vector_store %arg6[%swap3A_264], %swap3A_267 {strides = array<i32>} : memref<128xi32, #tpu.memory_space<vmem>>, vector<16xi32>,
    %broadcast_in_dim3A_268 = arith.constant 1 : i32
    %broadcast_in_dim3A_269 = vector.broadcast %broadcast_in_dim3A_268 : i32 to vector<16xi32>
    %swap3A_270 = arith.constant 80 : index
    %swap3A_271 = tpu.vector_load %arg6[%swap3A_270] {strides = array<i32>} : memref<128xi32, #tpu.memory_space<vmem>>, vector<16xi32>,
    %swap3A_272 = vector.shape_cast %swap3A_271 : vector<16xi32> to vector<16xi32>
    %swap3A_273 = vector.shape_cast %broadcast_in_dim3A_269 : vector<16xi32> to vector<16xi32>
    tpu.vector_store %arg6[%swap3A_270], %swap3A_273 {strides = array<i32>} : memref<128xi32, #tpu.memory_space<vmem>>, vector<16xi32>,
    %broadcast_in_dim3A_274 = arith.constant 1 : i32
    %broadcast_in_dim3A_275 = vector.broadcast %broadcast_in_dim3A_274 : i32 to vector<16xi32>
    %swap3A_276 = arith.constant 96 : index
    %swap3A_277 = tpu.vector_load %arg6[%swap3A_276] {strides = array<i32>} : memref<128xi32, #tpu.memory_space<vmem>>, vector<16xi32>,
    %swap3A_278 = vector.shape_cast %swap3A_277 : vector<16xi32> to vector<16xi32>
    %swap3A_279 = vector.shape_cast %broadcast_in_dim3A_275 : vector<16xi32> to vector<16xi32>
    tpu.vector_store %arg6[%swap3A_276], %swap3A_279 {strides = array<i32>} : memref<128xi32, #tpu.memory_space<vmem>>, vector<16xi32>,
    %broadcast_in_dim3A_280 = arith.constant 1 : i32
    %broadcast_in_dim3A_281 = vector.broadcast %broadcast_in_dim3A_280 : i32 to vector<16xi32>
    %swap3A_282 = arith.constant 112 : index
    %swap3A_283 = tpu.vector_load %arg6[%swap3A_282] {strides = array<i32>} : memref<128xi32, #tpu.memory_space<vmem>>, vector<16xi32>,
    %swap3A_284 = vector.shape_cast %swap3A_283 : vector<16xi32> to vector<16xi32>
    %swap3A_285 = vector.shape_cast %broadcast_in_dim3A_281 : vector<16xi32> to vector<16xi32>
    tpu.vector_store %arg6[%swap3A_282], %swap3A_285 {strides = array<i32>} : memref<128xi32, #tpu.memory_space<vmem>>, vector<16xi32>,
    %dma_wait3A = arith.constant 0 : i32
    %dma_wait3A_286 = arith.constant 0 : i32
    %dma_wait3A_287 = tpu.memref_slice %arg5[%dma_wait3A, %dma_wait3A_286] : memref<4x128xi32, #tpu.memory_space<vmem>> -> memref<1x128xi32, #tpu.memory_space<vmem>>
    %dma_wait3A_288 = tpu.memref_squeeze %dma_wait3A_287 : memref<1x128xi32, #tpu.memory_space<vmem>> -> memref<128xi32, #tpu.memory_space<vmem>>
    %dma_wait3A_289 = tpu.memref_slice %arg2[%add3A_196] : memref<16384xi32, #tpu.memory_space<hbm>> -> memref<128xi32, #tpu.memory_space<hbm>>
    %dma_wait3A_290 = arith.constant 0 : i32
    %dma_wait3A_291 = tpu.memref_slice %arg5[%dma_wait3A, %dma_wait3A_290] : memref<4x128xi32, #tpu.memory_space<vmem>> -> memref<1x128xi32, #tpu.memory_space<vmem>>
    %dma_wait3A_292 = tpu.memref_squeeze %dma_wait3A_291 : memref<1x128xi32, #tpu.memory_space<vmem>> -> memref<128xi32, #tpu.memory_space<vmem>>
    %dma_wait3A_293 = tpu.memref_slice %arg2[%add3A_196] : memref<16384xi32, #tpu.memory_space<hbm>> -> memref<128xi32, #tpu.memory_space<hbm>>
    tpu.wait_dma2 semaphore(%arg12 : memref<!tpu.dma_semaphore, #tpu.memory_space<semaphore_mem>>) src(%dma_wait3A_293 : memref<128xi32, #tpu.memory_space<hbm>>) dst(%dma_wait3A_292 : memref<128xi32, #tpu.memory_space<vmem>>)
    %dma_wait3A_294 = arith.constant 1 : i32
    %dma_wait3A_295 = arith.constant 0 : i32
    %dma_wait3A_296 = tpu.memref_slice %arg5[%dma_wait3A_294, %dma_wait3A_295] : memref<4x128xi32, #tpu.memory_space<vmem>> -> memref<1x128xi32, #tpu.memory_space<vmem>>
    %dma_wait3A_297 = tpu.memref_squeeze %dma_wait3A_296 : memref<1x128xi32, #tpu.memory_space<vmem>> -> memref<128xi32, #tpu.memory_space<vmem>>
    %dma_wait3A_298 = tpu.memref_slice %arg2[%add3A_206] : memref<16384xi32, #tpu.memory_space<hbm>> -> memref<128xi32, #tpu.memory_space<hbm>>
    %dma_wait3A_299 = arith.constant 0 : i32
    %dma_wait3A_300 = tpu.memref_slice %arg5[%dma_wait3A_294, %dma_wait3A_299] : memref<4x128xi32, #tpu.memory_space<vmem>> -> memref<1x128xi32, #tpu.memory_space<vmem>>
    %dma_wait3A_301 = tpu.memref_squeeze %dma_wait3A_300 : memref<1x128xi32, #tpu.memory_space<vmem>> -> memref<128xi32, #tpu.memory_space<vmem>>
    %dma_wait3A_302 = tpu.memref_slice %arg2[%add3A_206] : memref<16384xi32, #tpu.memory_space<hbm>> -> memref<128xi32, #tpu.memory_space<hbm>>
    tpu.wait_dma2 semaphore(%arg12 : memref<!tpu.dma_semaphore, #tpu.memory_space<semaphore_mem>>) src(%dma_wait3A_302 : memref<128xi32, #tpu.memory_space<hbm>>) dst(%dma_wait3A_301 : memref<128xi32, #tpu.memory_space<vmem>>)
    %dma_wait3A_303 = arith.constant 2 : i32
    %dma_wait3A_304 = arith.constant 0 : i32
    %dma_wait3A_305 = tpu.memref_slice %arg5[%dma_wait3A_303, %dma_wait3A_304] : memref<4x128xi32, #tpu.memory_space<vmem>> -> memref<1x128xi32, #tpu.memory_space<vmem>>
    %dma_wait3A_306 = tpu.memref_squeeze %dma_wait3A_305 : memref<1x128xi32, #tpu.memory_space<vmem>> -> memref<128xi32, #tpu.memory_space<vmem>>
    %dma_wait3A_307 = tpu.memref_slice %arg2[%add3A_217] : memref<16384xi32, #tpu.memory_space<hbm>> -> memref<128xi32, #tpu.memory_space<hbm>>
    %dma_wait3A_308 = arith.constant 0 : i32
    %dma_wait3A_309 = tpu.memref_slice %arg5[%dma_wait3A_303, %dma_wait3A_308] : memref<4x128xi32, #tpu.memory_space<vmem>> -> memref<1x128xi32, #tpu.memory_space<vmem>>
    %dma_wait3A_310 = tpu.memref_squeeze %dma_wait3A_309 : memref<1x128xi32, #tpu.memory_space<vmem>> -> memref<128xi32, #tpu.memory_space<vmem>>
    %dma_wait3A_311 = tpu.memref_slice %arg2[%add3A_217] : memref<16384xi32, #tpu.memory_space<hbm>> -> memref<128xi32, #tpu.memory_space<hbm>>
    tpu.wait_dma2 semaphore(%arg12 : memref<!tpu.dma_semaphore, #tpu.memory_space<semaphore_mem>>) src(%dma_wait3A_311 : memref<128xi32, #tpu.memory_space<hbm>>) dst(%dma_wait3A_310 : memref<128xi32, #tpu.memory_space<vmem>>)
    %dma_wait3A_312 = arith.constant 3 : i32
    %dma_wait3A_313 = arith.constant 0 : i32
    %dma_wait3A_314 = tpu.memref_slice %arg5[%dma_wait3A_312, %dma_wait3A_313] : memref<4x128xi32, #tpu.memory_space<vmem>> -> memref<1x128xi32, #tpu.memory_space<vmem>>
    %dma_wait3A_315 = tpu.memref_squeeze %dma_wait3A_314 : memref<1x128xi32, #tpu.memory_space<vmem>> -> memref<128xi32, #tpu.memory_space<vmem>>
    %dma_wait3A_316 = tpu.memref_slice %arg2[%add3A_228] : memref<16384xi32, #tpu.memory_space<hbm>> -> memref<128xi32, #tpu.memory_space<hbm>>
    %dma_wait3A_317 = arith.constant 0 : i32
    %dma_wait3A_318 = tpu.memref_slice %arg5[%dma_wait3A_312, %dma_wait3A_317] : memref<4x128xi32, #tpu.memory_space<vmem>> -> memref<1x128xi32, #tpu.memory_space<vmem>>
    %dma_wait3A_319 = tpu.memref_squeeze %dma_wait3A_318 : memref<1x128xi32, #tpu.memory_space<vmem>> -> memref<128xi32, #tpu.memory_space<vmem>>
    %dma_wait3A_320 = tpu.memref_slice %arg2[%add3A_228] : memref<16384xi32, #tpu.memory_space<hbm>> -> memref<128xi32, #tpu.memory_space<hbm>>
    tpu.wait_dma2 semaphore(%arg12 : memref<!tpu.dma_semaphore, #tpu.memory_space<semaphore_mem>>) src(%dma_wait3A_320 : memref<128xi32, #tpu.memory_space<hbm>>) dst(%dma_wait3A_319 : memref<128xi32, #tpu.memory_space<vmem>>)
    %run_scoped3A = arith.constant 0 : i32
    "tpu.region"() ({
      %run_scoped3A_1897 = tpu.sem_alloc : memref<!tpu.dma_semaphore, #tpu.memory_space<semaphore_mem>>
      %dma_start3A_1898 = arith.constant 0 : i32
      %dma_start3A_1899 = tpu.memref_slice %arg5[%run_scoped3A, %dma_start3A_1898] : memref<4x128xi32, #tpu.memory_space<vmem>> -> memref<1x128xi32, #tpu.memory_space<vmem>>
      %dma_start3A_1900 = tpu.memref_squeeze %dma_start3A_1899 : memref<1x128xi32, #tpu.memory_space<vmem>> -> memref<128xi32, #tpu.memory_space<vmem>>
      %dma_start3A_1901 = arith.constant 0 : i32
      %dma_start3A_1902 = tpu.memref_slice %arg11[%dma_start3A_1901] : memref<8192xi32, #tpu.memory_space<vmem_shared>> -> memref<8192xi32, #tpu.memory_space<vmem_shared>>
      tpu.enqueue_indirect_dma source(%arg6 : memref<128xi32, #tpu.memory_space<vmem>>) target(%dma_start3A_1902 : memref<8192xi32, #tpu.memory_space<vmem_shared>>) offsets(%dma_start3A_1900 : memref<128xi32, #tpu.memory_space<vmem>>) semaphore(%run_scoped3A_1897 : memref<!tpu.dma_semaphore, #tpu.memory_space<semaphore_mem>>) {add = true}
      %dma_wait3A_1903 = arith.constant 0 : i32
      %dma_wait3A_1904 = tpu.memref_slice %arg5[%run_scoped3A, %dma_wait3A_1903] : memref<4x128xi32, #tpu.memory_space<vmem>> -> memref<1x128xi32, #tpu.memory_space<vmem>>
      %dma_wait3A_1905 = tpu.memref_squeeze %dma_wait3A_1904 : memref<1x128xi32, #tpu.memory_space<vmem>> -> memref<128xi32, #tpu.memory_space<vmem>>
      %dma_wait3A_1906 = arith.constant 0 : i32
      %dma_wait3A_1907 = tpu.memref_slice %arg11[%dma_wait3A_1906] : memref<8192xi32, #tpu.memory_space<vmem_shared>> -> memref<8192xi32, #tpu.memory_space<vmem_shared>>
      tpu.wait_indirect_dma semaphore(%run_scoped3A_1897 : memref<!tpu.dma_semaphore, #tpu.memory_space<semaphore_mem>>) src(%arg6 : memref<128xi32, #tpu.memory_space<vmem>>) dst(%dma_wait3A_1907 : memref<8192xi32, #tpu.memory_space<vmem_shared>>)
      tpu.yield
    }) : () -> ()
    %run_scoped3A_321 = arith.constant 1 : i32
    "tpu.region"() ({
      %run_scoped3A_1897 = tpu.sem_alloc : memref<!tpu.dma_semaphore, #tpu.memory_space<semaphore_mem>>
      %dma_start3A_1898 = arith.constant 0 : i32
      %dma_start3A_1899 = tpu.memref_slice %arg5[%run_scoped3A_321, %dma_start3A_1898] : memref<4x128xi32, #tpu.memory_space<vmem>> -> memref<1x128xi32, #tpu.memory_space<vmem>>
      %dma_start3A_1900 = tpu.memref_squeeze %dma_start3A_1899 : memref<1x128xi32, #tpu.memory_space<vmem>> -> memref<128xi32, #tpu.memory_space<vmem>>
      %dma_start3A_1901 = arith.constant 0 : i32
      %dma_start3A_1902 = tpu.memref_slice %arg11[%dma_start3A_1901] : memref<8192xi32, #tpu.memory_space<vmem_shared>> -> memref<8192xi32, #tpu.memory_space<vmem_shared>>
      tpu.enqueue_indirect_dma source(%arg6 : memref<128xi32, #tpu.memory_space<vmem>>) target(%dma_start3A_1902 : memref<8192xi32, #tpu.memory_space<vmem_shared>>) offsets(%dma_start3A_1900 : memref<128xi32, #tpu.memory_space<vmem>>) semaphore(%run_scoped3A_1897 : memref<!tpu.dma_semaphore, #tpu.memory_space<semaphore_mem>>) {add = true}
      %dma_wait3A_1903 = arith.constant 0 : i32
      %dma_wait3A_1904 = tpu.memref_slice %arg5[%run_scoped3A_321, %dma_wait3A_1903] : memref<4x128xi32, #tpu.memory_space<vmem>> -> memref<1x128xi32, #tpu.memory_space<vmem>>
      %dma_wait3A_1905 = tpu.memref_squeeze %dma_wait3A_1904 : memref<1x128xi32, #tpu.memory_space<vmem>> -> memref<128xi32, #tpu.memory_space<vmem>>
      %dma_wait3A_1906 = arith.constant 0 : i32
      %dma_wait3A_1907 = tpu.memref_slice %arg11[%dma_wait3A_1906] : memref<8192xi32, #tpu.memory_space<vmem_shared>> -> memref<8192xi32, #tpu.memory_space<vmem_shared>>
      tpu.wait_indirect_dma semaphore(%run_scoped3A_1897 : memref<!tpu.dma_semaphore, #tpu.memory_space<semaphore_mem>>) src(%arg6 : memref<128xi32, #tpu.memory_space<vmem>>) dst(%dma_wait3A_1907 : memref<8192xi32, #tpu.memory_space<vmem_shared>>)
      tpu.yield
    }) : () -> ()
    %run_scoped3A_322 = arith.constant 2 : i32
    "tpu.region"() ({
      %run_scoped3A_1897 = tpu.sem_alloc : memref<!tpu.dma_semaphore, #tpu.memory_space<semaphore_mem>>
      %dma_start3A_1898 = arith.constant 0 : i32
      %dma_start3A_1899 = tpu.memref_slice %arg5[%run_scoped3A_322, %dma_start3A_1898] : memref<4x128xi32, #tpu.memory_space<vmem>> -> memref<1x128xi32, #tpu.memory_space<vmem>>
      %dma_start3A_1900 = tpu.memref_squeeze %dma_start3A_1899 : memref<1x128xi32, #tpu.memory_space<vmem>> -> memref<128xi32, #tpu.memory_space<vmem>>
      %dma_start3A_1901 = arith.constant 0 : i32
      %dma_start3A_1902 = tpu.memref_slice %arg11[%dma_start3A_1901] : memref<8192xi32, #tpu.memory_space<vmem_shared>> -> memref<8192xi32, #tpu.memory_space<vmem_shared>>
      tpu.enqueue_indirect_dma source(%arg6 : memref<128xi32, #tpu.memory_space<vmem>>) target(%dma_start3A_1902 : memref<8192xi32, #tpu.memory_space<vmem_shared>>) offsets(%dma_start3A_1900 : memref<128xi32, #tpu.memory_space<vmem>>) semaphore(%run_scoped3A_1897 : memref<!tpu.dma_semaphore, #tpu.memory_space<semaphore_mem>>) {add = true}
      %dma_wait3A_1903 = arith.constant 0 : i32
      %dma_wait3A_1904 = tpu.memref_slice %arg5[%run_scoped3A_322, %dma_wait3A_1903] : memref<4x128xi32, #tpu.memory_space<vmem>> -> memref<1x128xi32, #tpu.memory_space<vmem>>
      %dma_wait3A_1905 = tpu.memref_squeeze %dma_wait3A_1904 : memref<1x128xi32, #tpu.memory_space<vmem>> -> memref<128xi32, #tpu.memory_space<vmem>>
      %dma_wait3A_1906 = arith.constant 0 : i32
      %dma_wait3A_1907 = tpu.memref_slice %arg11[%dma_wait3A_1906] : memref<8192xi32, #tpu.memory_space<vmem_shared>> -> memref<8192xi32, #tpu.memory_space<vmem_shared>>
      tpu.wait_indirect_dma semaphore(%run_scoped3A_1897 : memref<!tpu.dma_semaphore, #tpu.memory_space<semaphore_mem>>) src(%arg6 : memref<128xi32, #tpu.memory_space<vmem>>) dst(%dma_wait3A_1907 : memref<8192xi32, #tpu.memory_space<vmem_shared>>)
      tpu.yield
    }) : () -> ()
    %run_scoped3A_323 = arith.constant 3 : i32
    "tpu.region"() ({
      %run_scoped3A_1897 = tpu.sem_alloc : memref<!tpu.dma_semaphore, #tpu.memory_space<semaphore_mem>>
      %dma_start3A_1898 = arith.constant 0 : i32
      %dma_start3A_1899 = tpu.memref_slice %arg5[%run_scoped3A_323, %dma_start3A_1898] : memref<4x128xi32, #tpu.memory_space<vmem>> -> memref<1x128xi32, #tpu.memory_space<vmem>>
      %dma_start3A_1900 = tpu.memref_squeeze %dma_start3A_1899 : memref<1x128xi32, #tpu.memory_space<vmem>> -> memref<128xi32, #tpu.memory_space<vmem>>
      %dma_start3A_1901 = arith.constant 0 : i32
      %dma_start3A_1902 = tpu.memref_slice %arg11[%dma_start3A_1901] : memref<8192xi32, #tpu.memory_space<vmem_shared>> -> memref<8192xi32, #tpu.memory_space<vmem_shared>>
      tpu.enqueue_indirect_dma source(%arg6 : memref<128xi32, #tpu.memory_space<vmem>>) target(%dma_start3A_1902 : memref<8192xi32, #tpu.memory_space<vmem_shared>>) offsets(%dma_start3A_1900 : memref<128xi32, #tpu.memory_space<vmem>>) semaphore(%run_scoped3A_1897 : memref<!tpu.dma_semaphore, #tpu.memory_space<semaphore_mem>>) {add = true}
      %dma_wait3A_1903 = arith.constant 0 : i32
      %dma_wait3A_1904 = tpu.memref_slice %arg5[%run_scoped3A_323, %dma_wait3A_1903] : memref<4x128xi32, #tpu.memory_space<vmem>> -> memref<1x128xi32, #tpu.memory_space<vmem>>
      %dma_wait3A_1905 = tpu.memref_squeeze %dma_wait3A_1904 : memref<1x128xi32, #tpu.memory_space<vmem>> -> memref<128xi32, #tpu.memory_space<vmem>>
      %dma_wait3A_1906 = arith.constant 0 : i32
      %dma_wait3A_1907 = tpu.memref_slice %arg11[%dma_wait3A_1906] : memref<8192xi32, #tpu.memory_space<vmem_shared>> -> memref<8192xi32, #tpu.memory_space<vmem_shared>>
      tpu.wait_indirect_dma semaphore(%run_scoped3A_1897 : memref<!tpu.dma_semaphore, #tpu.memory_space<semaphore_mem>>) src(%arg6 : memref<128xi32, #tpu.memory_space<vmem>>) dst(%dma_wait3A_1907 : memref<8192xi32, #tpu.memory_space<vmem_shared>>)
      tpu.yield
    }) : () -> ()
    %barrier3A_324 = arith.constant 0 : index
    tpu.barrier barrier_id(%barrier3A_324)
    %mul3A_325 = arith.constant 8 : i32
    %mul3A_326 = arith.muli %arg1, %mul3A_325 : i32
    %mul3A_327 = arith.constant 256 : i32
    %mul3A_328 = arith.muli %mul3A_326, %mul3A_327 : i32
    %add3A_329 = arith.constant 0 : i32
    %add3A_330 = arith.addi %mul3A_328, %add3A_329 : i32
    %dma_start3A_331 = arith.constant 0 : i32
    %dma_start3A_332 = arith.constant 0 : i32
    %dma_start3A_333 = tpu.memref_slice %arg8[%dma_start3A_331, %dma_start3A_332] : memref<16x128xi32, #tpu.memory_space<vmem>> -> memref<1x128xi32, #tpu.memory_space<vmem>>
    %dma_start3A_334 = tpu.memref_squeeze %dma_start3A_333 : memref<1x128xi32, #tpu.memory_space<vmem>> -> memref<128xi32, #tpu.memory_space<vmem>>
    %dma_start3A_335 = tpu.memref_slice %arg3[%add3A_330] : memref<32768xi32, #tpu.memory_space<hbm>> -> memref<128xi32, #tpu.memory_space<hbm>>
    %dma_start3A_336 = arith.constant 0 : i32
    %dma_start3A_337 = tpu.memref_slice %arg8[%dma_start3A_331, %dma_start3A_336] : memref<16x128xi32, #tpu.memory_space<vmem>> -> memref<1x128xi32, #tpu.memory_space<vmem>>
    %dma_start3A_338 = tpu.memref_squeeze %dma_start3A_337 : memref<1x128xi32, #tpu.memory_space<vmem>> -> memref<128xi32, #tpu.memory_space<vmem>>
    %dma_start3A_339 = tpu.memref_slice %arg3[%add3A_330] : memref<32768xi32, #tpu.memory_space<hbm>> -> memref<128xi32, #tpu.memory_space<hbm>>
    tpu.enqueue_dma source(%dma_start3A_339 : memref<128xi32, #tpu.memory_space<hbm>>) target(%dma_start3A_338 : memref<128xi32, #tpu.memory_space<vmem>>) target_semaphore(%arg12 : memref<!tpu.dma_semaphore, #tpu.memory_space<semaphore_mem>>)
    %mul3A_340 = arith.constant 8 : i32
    %mul3A_341 = arith.muli %arg1, %mul3A_340 : i32
    %mul3A_342 = arith.constant 256 : i32
    %mul3A_343 = arith.muli %mul3A_341, %mul3A_342 : i32
    %add3A_344 = arith.constant 128 : i32
    %add3A_345 = arith.addi %mul3A_343, %add3A_344 : i32
    %dma_start3A_346 = arith.constant 1 : i32
    %dma_start3A_347 = arith.constant 0 : i32
    %dma_start3A_348 = tpu.memref_slice %arg8[%dma_start3A_346, %dma_start3A_347] : memref<16x128xi32, #tpu.memory_space<vmem>> -> memref<1x128xi32, #tpu.memory_space<vmem>>
    %dma_start3A_349 = tpu.memref_squeeze %dma_start3A_348 : memref<1x128xi32, #tpu.memory_space<vmem>> -> memref<128xi32, #tpu.memory_space<vmem>>
    %dma_start3A_350 = tpu.memref_slice %arg3[%add3A_345] : memref<32768xi32, #tpu.memory_space<hbm>> -> memref<128xi32, #tpu.memory_space<hbm>>
    %dma_start3A_351 = arith.constant 0 : i32
    %dma_start3A_352 = tpu.memref_slice %arg8[%dma_start3A_346, %dma_start3A_351] : memref<16x128xi32, #tpu.memory_space<vmem>> -> memref<1x128xi32, #tpu.memory_space<vmem>>
    %dma_start3A_353 = tpu.memref_squeeze %dma_start3A_352 : memref<1x128xi32, #tpu.memory_space<vmem>> -> memref<128xi32, #tpu.memory_space<vmem>>
    %dma_start3A_354 = tpu.memref_slice %arg3[%add3A_345] : memref<32768xi32, #tpu.memory_space<hbm>> -> memref<128xi32, #tpu.memory_space<hbm>>
    tpu.enqueue_dma source(%dma_start3A_354 : memref<128xi32, #tpu.memory_space<hbm>>) target(%dma_start3A_353 : memref<128xi32, #tpu.memory_space<vmem>>) target_semaphore(%arg12 : memref<!tpu.dma_semaphore, #tpu.memory_space<semaphore_mem>>)
    %mul3A_355 = arith.constant 8 : i32
    %mul3A_356 = arith.muli %arg1, %mul3A_355 : i32
    %mul3A_357 = arith.constant 256 : i32
    %mul3A_358 = arith.muli %mul3A_356, %mul3A_357 : i32
    %add3A_359 = arith.constant 256 : i32
    %add3A_360 = arith.addi %mul3A_358, %add3A_359 : i32
    %dma_start3A_361 = arith.constant 2 : i32
    %dma_start3A_362 = arith.constant 0 : i32
    %dma_start3A_363 = tpu.memref_slice %arg8[%dma_start3A_361, %dma_start3A_362] : memref<16x128xi32, #tpu.memory_space<vmem>> -> memref<1x128xi32, #tpu.memory_space<vmem>>
    %dma_start3A_364 = tpu.memref_squeeze %dma_start3A_363 : memref<1x128xi32, #tpu.memory_space<vmem>> -> memref<128xi32, #tpu.memory_space<vmem>>
    %dma_start3A_365 = tpu.memref_slice %arg3[%add3A_360] : memref<32768xi32, #tpu.memory_space<hbm>> -> memref<128xi32, #tpu.memory_space<hbm>>
    %dma_start3A_366 = arith.constant 0 : i32
    %dma_start3A_367 = tpu.memref_slice %arg8[%dma_start3A_361, %dma_start3A_366] : memref<16x128xi32, #tpu.memory_space<vmem>> -> memref<1x128xi32, #tpu.memory_space<vmem>>
    %dma_start3A_368 = tpu.memref_squeeze %dma_start3A_367 : memref<1x128xi32, #tpu.memory_space<vmem>> -> memref<128xi32, #tpu.memory_space<vmem>>
    %dma_start3A_369 = tpu.memref_slice %arg3[%add3A_360] : memref<32768xi32, #tpu.memory_space<hbm>> -> memref<128xi32, #tpu.memory_space<hbm>>
    tpu.enqueue_dma source(%dma_start3A_369 : memref<128xi32, #tpu.memory_space<hbm>>) target(%dma_start3A_368 : memref<128xi32, #tpu.memory_space<vmem>>) target_semaphore(%arg12 : memref<!tpu.dma_semaphore, #tpu.memory_space<semaphore_mem>>)
    %mul3A_370 = arith.constant 8 : i32
    %mul3A_371 = arith.muli %arg1, %mul3A_370 : i32
    %mul3A_372 = arith.constant 256 : i32
    %mul3A_373 = arith.muli %mul3A_371, %mul3A_372 : i32
    %add3A_374 = arith.constant 384 : i32
    %add3A_375 = arith.addi %mul3A_373, %add3A_374 : i32
    %dma_start3A_376 = arith.constant 3 : i32
    %dma_start3A_377 = arith.constant 0 : i32
    %dma_start3A_378 = tpu.memref_slice %arg8[%dma_start3A_376, %dma_start3A_377] : memref<16x128xi32, #tpu.memory_space<vmem>> -> memref<1x128xi32, #tpu.memory_space<vmem>>
    %dma_start3A_379 = tpu.memref_squeeze %dma_start3A_378 : memref<1x128xi32, #tpu.memory_space<vmem>> -> memref<128xi32, #tpu.memory_space<vmem>>
    %dma_start3A_380 = tpu.memref_slice %arg3[%add3A_375] : memref<32768xi32, #tpu.memory_space<hbm>> -> memref<128xi32, #tpu.memory_space<hbm>>
    %dma_start3A_381 = arith.constant 0 : i32
    %dma_start3A_382 = tpu.memref_slice %arg8[%dma_start3A_376, %dma_start3A_381] : memref<16x128xi32, #tpu.memory_space<vmem>> -> memref<1x128xi32, #tpu.memory_space<vmem>>
    %dma_start3A_383 = tpu.memref_squeeze %dma_start3A_382 : memref<1x128xi32, #tpu.memory_space<vmem>> -> memref<128xi32, #tpu.memory_space<vmem>>
    %dma_start3A_384 = tpu.memref_slice %arg3[%add3A_375] : memref<32768xi32, #tpu.memory_space<hbm>> -> memref<128xi32, #tpu.memory_space<hbm>>
    tpu.enqueue_dma source(%dma_start3A_384 : memref<128xi32, #tpu.memory_space<hbm>>) target(%dma_start3A_383 : memref<128xi32, #tpu.memory_space<vmem>>) target_semaphore(%arg12 : memref<!tpu.dma_semaphore, #tpu.memory_space<semaphore_mem>>)
    %mul3A_385 = arith.constant 8 : i32
    %mul3A_386 = arith.muli %arg1, %mul3A_385 : i32
    %mul3A_387 = arith.constant 256 : i32
    %mul3A_388 = arith.muli %mul3A_386, %mul3A_387 : i32
    %add3A_389 = arith.constant 512 : i32
    %add3A_390 = arith.addi %mul3A_388, %add3A_389 : i32
    %dma_start3A_391 = arith.constant 4 : i32
    %dma_start3A_392 = arith.constant 0 : i32
    %dma_start3A_393 = tpu.memref_slice %arg8[%dma_start3A_391, %dma_start3A_392] : memref<16x128xi32, #tpu.memory_space<vmem>> -> memref<1x128xi32, #tpu.memory_space<vmem>>
    %dma_start3A_394 = tpu.memref_squeeze %dma_start3A_393 : memref<1x128xi32, #tpu.memory_space<vmem>> -> memref<128xi32, #tpu.memory_space<vmem>>
    %dma_start3A_395 = tpu.memref_slice %arg3[%add3A_390] : memref<32768xi32, #tpu.memory_space<hbm>> -> memref<128xi32, #tpu.memory_space<hbm>>
    %dma_start3A_396 = arith.constant 0 : i32
    %dma_start3A_397 = tpu.memref_slice %arg8[%dma_start3A_391, %dma_start3A_396] : memref<16x128xi32, #tpu.memory_space<vmem>> -> memref<1x128xi32, #tpu.memory_space<vmem>>
    %dma_start3A_398 = tpu.memref_squeeze %dma_start3A_397 : memref<1x128xi32, #tpu.memory_space<vmem>> -> memref<128xi32, #tpu.memory_space<vmem>>
    %dma_start3A_399 = tpu.memref_slice %arg3[%add3A_390] : memref<32768xi32, #tpu.memory_space<hbm>> -> memref<128xi32, #tpu.memory_space<hbm>>
    tpu.enqueue_dma source(%dma_start3A_399 : memref<128xi32, #tpu.memory_space<hbm>>) target(%dma_start3A_398 : memref<128xi32, #tpu.memory_space<vmem>>) target_semaphore(%arg12 : memref<!tpu.dma_semaphore, #tpu.memory_space<semaphore_mem>>)
    %mul3A_400 = arith.constant 8 : i32
    %mul3A_401 = arith.muli %arg1, %mul3A_400 : i32
    %mul3A_402 = arith.constant 256 : i32
    %mul3A_403 = arith.muli %mul3A_401, %mul3A_402 : i32
    %add3A_404 = arith.constant 640 : i32
    %add3A_405 = arith.addi %mul3A_403, %add3A_404 : i32
    %dma_start3A_406 = arith.constant 5 : i32
    %dma_start3A_407 = arith.constant 0 : i32
    %dma_start3A_408 = tpu.memref_slice %arg8[%dma_start3A_406, %dma_start3A_407] : memref<16x128xi32, #tpu.memory_space<vmem>> -> memref<1x128xi32, #tpu.memory_space<vmem>>
    %dma_start3A_409 = tpu.memref_squeeze %dma_start3A_408 : memref<1x128xi32, #tpu.memory_space<vmem>> -> memref<128xi32, #tpu.memory_space<vmem>>
    %dma_start3A_410 = tpu.memref_slice %arg3[%add3A_405] : memref<32768xi32, #tpu.memory_space<hbm>> -> memref<128xi32, #tpu.memory_space<hbm>>
    %dma_start3A_411 = arith.constant 0 : i32
    %dma_start3A_412 = tpu.memref_slice %arg8[%dma_start3A_406, %dma_start3A_411] : memref<16x128xi32, #tpu.memory_space<vmem>> -> memref<1x128xi32, #tpu.memory_space<vmem>>
    %dma_start3A_413 = tpu.memref_squeeze %dma_start3A_412 : memref<1x128xi32, #tpu.memory_space<vmem>> -> memref<128xi32, #tpu.memory_space<vmem>>
    %dma_start3A_414 = tpu.memref_slice %arg3[%add3A_405] : memref<32768xi32, #tpu.memory_space<hbm>> -> memref<128xi32, #tpu.memory_space<hbm>>
    tpu.enqueue_dma source(%dma_start3A_414 : memref<128xi32, #tpu.memory_space<hbm>>) target(%dma_start3A_413 : memref<128xi32, #tpu.memory_space<vmem>>) target_semaphore(%arg12 : memref<!tpu.dma_semaphore, #tpu.memory_space<semaphore_mem>>)
    %mul3A_415 = arith.constant 8 : i32
    %mul3A_416 = arith.muli %arg1, %mul3A_415 : i32
    %mul3A_417 = arith.constant 256 : i32
    %mul3A_418 = arith.muli %mul3A_416, %mul3A_417 : i32
    %add3A_419 = arith.constant 768 : i32
    %add3A_420 = arith.addi %mul3A_418, %add3A_419 : i32
    %dma_start3A_421 = arith.constant 6 : i32
    %dma_start3A_422 = arith.constant 0 : i32
    %dma_start3A_423 = tpu.memref_slice %arg8[%dma_start3A_421, %dma_start3A_422] : memref<16x128xi32, #tpu.memory_space<vmem>> -> memref<1x128xi32, #tpu.memory_space<vmem>>
    %dma_start3A_424 = tpu.memref_squeeze %dma_start3A_423 : memref<1x128xi32, #tpu.memory_space<vmem>> -> memref<128xi32, #tpu.memory_space<vmem>>
    %dma_start3A_425 = tpu.memref_slice %arg3[%add3A_420] : memref<32768xi32, #tpu.memory_space<hbm>> -> memref<128xi32, #tpu.memory_space<hbm>>
    %dma_start3A_426 = arith.constant 0 : i32
    %dma_start3A_427 = tpu.memref_slice %arg8[%dma_start3A_421, %dma_start3A_426] : memref<16x128xi32, #tpu.memory_space<vmem>> -> memref<1x128xi32, #tpu.memory_space<vmem>>
    %dma_start3A_428 = tpu.memref_squeeze %dma_start3A_427 : memref<1x128xi32, #tpu.memory_space<vmem>> -> memref<128xi32, #tpu.memory_space<vmem>>
    %dma_start3A_429 = tpu.memref_slice %arg3[%add3A_420] : memref<32768xi32, #tpu.memory_space<hbm>> -> memref<128xi32, #tpu.memory_space<hbm>>
    tpu.enqueue_dma source(%dma_start3A_429 : memref<128xi32, #tpu.memory_space<hbm>>) target(%dma_start3A_428 : memref<128xi32, #tpu.memory_space<vmem>>) target_semaphore(%arg12 : memref<!tpu.dma_semaphore, #tpu.memory_space<semaphore_mem>>)
    %mul3A_430 = arith.constant 8 : i32
    %mul3A_431 = arith.muli %arg1, %mul3A_430 : i32
    %mul3A_432 = arith.constant 256 : i32
    %mul3A_433 = arith.muli %mul3A_431, %mul3A_432 : i32
    %add3A_434 = arith.constant 896 : i32
    %add3A_435 = arith.addi %mul3A_433, %add3A_434 : i32
    %dma_start3A_436 = arith.constant 7 : i32
    %dma_start3A_437 = arith.constant 0 : i32
    %dma_start3A_438 = tpu.memref_slice %arg8[%dma_start3A_436, %dma_start3A_437] : memref<16x128xi32, #tpu.memory_space<vmem>> -> memref<1x128xi32, #tpu.memory_space<vmem>>
    %dma_start3A_439 = tpu.memref_squeeze %dma_start3A_438 : memref<1x128xi32, #tpu.memory_space<vmem>> -> memref<128xi32, #tpu.memory_space<vmem>>
    %dma_start3A_440 = tpu.memref_slice %arg3[%add3A_435] : memref<32768xi32, #tpu.memory_space<hbm>> -> memref<128xi32, #tpu.memory_space<hbm>>
    %dma_start3A_441 = arith.constant 0 : i32
    %dma_start3A_442 = tpu.memref_slice %arg8[%dma_start3A_436, %dma_start3A_441] : memref<16x128xi32, #tpu.memory_space<vmem>> -> memref<1x128xi32, #tpu.memory_space<vmem>>
    %dma_start3A_443 = tpu.memref_squeeze %dma_start3A_442 : memref<1x128xi32, #tpu.memory_space<vmem>> -> memref<128xi32, #tpu.memory_space<vmem>>
    %dma_start3A_444 = tpu.memref_slice %arg3[%add3A_435] : memref<32768xi32, #tpu.memory_space<hbm>> -> memref<128xi32, #tpu.memory_space<hbm>>
    tpu.enqueue_dma source(%dma_start3A_444 : memref<128xi32, #tpu.memory_space<hbm>>) target(%dma_start3A_443 : memref<128xi32, #tpu.memory_space<vmem>>) target_semaphore(%arg12 : memref<!tpu.dma_semaphore, #tpu.memory_space<semaphore_mem>>)
    %mul3A_445 = arith.constant 8 : i32
    %mul3A_446 = arith.muli %arg1, %mul3A_445 : i32
    %mul3A_447 = arith.constant 256 : i32
    %mul3A_448 = arith.muli %mul3A_446, %mul3A_447 : i32
    %add3A_449 = arith.constant 1024 : i32
    %add3A_450 = arith.addi %mul3A_448, %add3A_449 : i32
    %dma_start3A_451 = arith.constant 8 : i32
    %dma_start3A_452 = arith.constant 0 : i32
    %dma_start3A_453 = tpu.memref_slice %arg8[%dma_start3A_451, %dma_start3A_452] : memref<16x128xi32, #tpu.memory_space<vmem>> -> memref<1x128xi32, #tpu.memory_space<vmem>>
    %dma_start3A_454 = tpu.memref_squeeze %dma_start3A_453 : memref<1x128xi32, #tpu.memory_space<vmem>> -> memref<128xi32, #tpu.memory_space<vmem>>
    %dma_start3A_455 = tpu.memref_slice %arg3[%add3A_450] : memref<32768xi32, #tpu.memory_space<hbm>> -> memref<128xi32, #tpu.memory_space<hbm>>
    %dma_start3A_456 = arith.constant 0 : i32
    %dma_start3A_457 = tpu.memref_slice %arg8[%dma_start3A_451, %dma_start3A_456] : memref<16x128xi32, #tpu.memory_space<vmem>> -> memref<1x128xi32, #tpu.memory_space<vmem>>
    %dma_start3A_458 = tpu.memref_squeeze %dma_start3A_457 : memref<1x128xi32, #tpu.memory_space<vmem>> -> memref<128xi32, #tpu.memory_space<vmem>>
    %dma_start3A_459 = tpu.memref_slice %arg3[%add3A_450] : memref<32768xi32, #tpu.memory_space<hbm>> -> memref<128xi32, #tpu.memory_space<hbm>>
    tpu.enqueue_dma source(%dma_start3A_459 : memref<128xi32, #tpu.memory_space<hbm>>) target(%dma_start3A_458 : memref<128xi32, #tpu.memory_space<vmem>>) target_semaphore(%arg12 : memref<!tpu.dma_semaphore, #tpu.memory_space<semaphore_mem>>)
    %mul3A_460 = arith.constant 8 : i32
    %mul3A_461 = arith.muli %arg1, %mul3A_460 : i32
    %mul3A_462 = arith.constant 256 : i32
    %mul3A_463 = arith.muli %mul3A_461, %mul3A_462 : i32
    %add3A_464 = arith.constant 1152 : i32
    %add3A_465 = arith.addi %mul3A_463, %add3A_464 : i32
    %dma_start3A_466 = arith.constant 9 : i32
    %dma_start3A_467 = arith.constant 0 : i32
    %dma_start3A_468 = tpu.memref_slice %arg8[%dma_start3A_466, %dma_start3A_467] : memref<16x128xi32, #tpu.memory_space<vmem>> -> memref<1x128xi32, #tpu.memory_space<vmem>>
    %dma_start3A_469 = tpu.memref_squeeze %dma_start3A_468 : memref<1x128xi32, #tpu.memory_space<vmem>> -> memref<128xi32, #tpu.memory_space<vmem>>
    %dma_start3A_470 = tpu.memref_slice %arg3[%add3A_465] : memref<32768xi32, #tpu.memory_space<hbm>> -> memref<128xi32, #tpu.memory_space<hbm>>
    %dma_start3A_471 = arith.constant 0 : i32
    %dma_start3A_472 = tpu.memref_slice %arg8[%dma_start3A_466, %dma_start3A_471] : memref<16x128xi32, #tpu.memory_space<vmem>> -> memref<1x128xi32, #tpu.memory_space<vmem>>
    %dma_start3A_473 = tpu.memref_squeeze %dma_start3A_472 : memref<1x128xi32, #tpu.memory_space<vmem>> -> memref<128xi32, #tpu.memory_space<vmem>>
    %dma_start3A_474 = tpu.memref_slice %arg3[%add3A_465] : memref<32768xi32, #tpu.memory_space<hbm>> -> memref<128xi32, #tpu.memory_space<hbm>>
    tpu.enqueue_dma source(%dma_start3A_474 : memref<128xi32, #tpu.memory_space<hbm>>) target(%dma_start3A_473 : memref<128xi32, #tpu.memory_space<vmem>>) target_semaphore(%arg12 : memref<!tpu.dma_semaphore, #tpu.memory_space<semaphore_mem>>)
    %mul3A_475 = arith.constant 8 : i32
    %mul3A_476 = arith.muli %arg1, %mul3A_475 : i32
    %mul3A_477 = arith.constant 256 : i32
    %mul3A_478 = arith.muli %mul3A_476, %mul3A_477 : i32
    %add3A_479 = arith.constant 1280 : i32
    %add3A_480 = arith.addi %mul3A_478, %add3A_479 : i32
    %dma_start3A_481 = arith.constant 10 : i32
    %dma_start3A_482 = arith.constant 0 : i32
    %dma_start3A_483 = tpu.memref_slice %arg8[%dma_start3A_481, %dma_start3A_482] : memref<16x128xi32, #tpu.memory_space<vmem>> -> memref<1x128xi32, #tpu.memory_space<vmem>>
    %dma_start3A_484 = tpu.memref_squeeze %dma_start3A_483 : memref<1x128xi32, #tpu.memory_space<vmem>> -> memref<128xi32, #tpu.memory_space<vmem>>
    %dma_start3A_485 = tpu.memref_slice %arg3[%add3A_480] : memref<32768xi32, #tpu.memory_space<hbm>> -> memref<128xi32, #tpu.memory_space<hbm>>
    %dma_start3A_486 = arith.constant 0 : i32
    %dma_start3A_487 = tpu.memref_slice %arg8[%dma_start3A_481, %dma_start3A_486] : memref<16x128xi32, #tpu.memory_space<vmem>> -> memref<1x128xi32, #tpu.memory_space<vmem>>
    %dma_start3A_488 = tpu.memref_squeeze %dma_start3A_487 : memref<1x128xi32, #tpu.memory_space<vmem>> -> memref<128xi32, #tpu.memory_space<vmem>>
    %dma_start3A_489 = tpu.memref_slice %arg3[%add3A_480] : memref<32768xi32, #tpu.memory_space<hbm>> -> memref<128xi32, #tpu.memory_space<hbm>>
    tpu.enqueue_dma source(%dma_start3A_489 : memref<128xi32, #tpu.memory_space<hbm>>) target(%dma_start3A_488 : memref<128xi32, #tpu.memory_space<vmem>>) target_semaphore(%arg12 : memref<!tpu.dma_semaphore, #tpu.memory_space<semaphore_mem>>)
    %mul3A_490 = arith.constant 8 : i32
    %mul3A_491 = arith.muli %arg1, %mul3A_490 : i32
    %mul3A_492 = arith.constant 256 : i32
    %mul3A_493 = arith.muli %mul3A_491, %mul3A_492 : i32
    %add3A_494 = arith.constant 1408 : i32
    %add3A_495 = arith.addi %mul3A_493, %add3A_494 : i32
    %dma_start3A_496 = arith.constant 11 : i32
    %dma_start3A_497 = arith.constant 0 : i32
    %dma_start3A_498 = tpu.memref_slice %arg8[%dma_start3A_496, %dma_start3A_497] : memref<16x128xi32, #tpu.memory_space<vmem>> -> memref<1x128xi32, #tpu.memory_space<vmem>>
    %dma_start3A_499 = tpu.memref_squeeze %dma_start3A_498 : memref<1x128xi32, #tpu.memory_space<vmem>> -> memref<128xi32, #tpu.memory_space<vmem>>
    %dma_start3A_500 = tpu.memref_slice %arg3[%add3A_495] : memref<32768xi32, #tpu.memory_space<hbm>> -> memref<128xi32, #tpu.memory_space<hbm>>
    %dma_start3A_501 = arith.constant 0 : i32
    %dma_start3A_502 = tpu.memref_slice %arg8[%dma_start3A_496, %dma_start3A_501] : memref<16x128xi32, #tpu.memory_space<vmem>> -> memref<1x128xi32, #tpu.memory_space<vmem>>
    %dma_start3A_503 = tpu.memref_squeeze %dma_start3A_502 : memref<1x128xi32, #tpu.memory_space<vmem>> -> memref<128xi32, #tpu.memory_space<vmem>>
    %dma_start3A_504 = tpu.memref_slice %arg3[%add3A_495] : memref<32768xi32, #tpu.memory_space<hbm>> -> memref<128xi32, #tpu.memory_space<hbm>>
    tpu.enqueue_dma source(%dma_start3A_504 : memref<128xi32, #tpu.memory_space<hbm>>) target(%dma_start3A_503 : memref<128xi32, #tpu.memory_space<vmem>>) target_semaphore(%arg12 : memref<!tpu.dma_semaphore, #tpu.memory_space<semaphore_mem>>)
    %mul3A_505 = arith.constant 8 : i32
    %mul3A_506 = arith.muli %arg1, %mul3A_505 : i32
    %mul3A_507 = arith.constant 256 : i32
    %mul3A_508 = arith.muli %mul3A_506, %mul3A_507 : i32
    %add3A_509 = arith.constant 1536 : i32
    %add3A_510 = arith.addi %mul3A_508, %add3A_509 : i32
    %dma_start3A_511 = arith.constant 12 : i32
    %dma_start3A_512 = arith.constant 0 : i32
    %dma_start3A_513 = tpu.memref_slice %arg8[%dma_start3A_511, %dma_start3A_512] : memref<16x128xi32, #tpu.memory_space<vmem>> -> memref<1x128xi32, #tpu.memory_space<vmem>>
    %dma_start3A_514 = tpu.memref_squeeze %dma_start3A_513 : memref<1x128xi32, #tpu.memory_space<vmem>> -> memref<128xi32, #tpu.memory_space<vmem>>
    %dma_start3A_515 = tpu.memref_slice %arg3[%add3A_510] : memref<32768xi32, #tpu.memory_space<hbm>> -> memref<128xi32, #tpu.memory_space<hbm>>
    %dma_start3A_516 = arith.constant 0 : i32
    %dma_start3A_517 = tpu.memref_slice %arg8[%dma_start3A_511, %dma_start3A_516] : memref<16x128xi32, #tpu.memory_space<vmem>> -> memref<1x128xi32, #tpu.memory_space<vmem>>
    %dma_start3A_518 = tpu.memref_squeeze %dma_start3A_517 : memref<1x128xi32, #tpu.memory_space<vmem>> -> memref<128xi32, #tpu.memory_space<vmem>>
    %dma_start3A_519 = tpu.memref_slice %arg3[%add3A_510] : memref<32768xi32, #tpu.memory_space<hbm>> -> memref<128xi32, #tpu.memory_space<hbm>>
    tpu.enqueue_dma source(%dma_start3A_519 : memref<128xi32, #tpu.memory_space<hbm>>) target(%dma_start3A_518 : memref<128xi32, #tpu.memory_space<vmem>>) target_semaphore(%arg12 : memref<!tpu.dma_semaphore, #tpu.memory_space<semaphore_mem>>)
    %mul3A_520 = arith.constant 8 : i32
    %mul3A_521 = arith.muli %arg1, %mul3A_520 : i32
    %mul3A_522 = arith.constant 256 : i32
    %mul3A_523 = arith.muli %mul3A_521, %mul3A_522 : i32
    %add3A_524 = arith.constant 1664 : i32
    %add3A_525 = arith.addi %mul3A_523, %add3A_524 : i32
    %dma_start3A_526 = arith.constant 13 : i32
    %dma_start3A_527 = arith.constant 0 : i32
    %dma_start3A_528 = tpu.memref_slice %arg8[%dma_start3A_526, %dma_start3A_527] : memref<16x128xi32, #tpu.memory_space<vmem>> -> memref<1x128xi32, #tpu.memory_space<vmem>>
    %dma_start3A_529 = tpu.memref_squeeze %dma_start3A_528 : memref<1x128xi32, #tpu.memory_space<vmem>> -> memref<128xi32, #tpu.memory_space<vmem>>
    %dma_start3A_530 = tpu.memref_slice %arg3[%add3A_525] : memref<32768xi32, #tpu.memory_space<hbm>> -> memref<128xi32, #tpu.memory_space<hbm>>
    %dma_start3A_531 = arith.constant 0 : i32
    %dma_start3A_532 = tpu.memref_slice %arg8[%dma_start3A_526, %dma_start3A_531] : memref<16x128xi32, #tpu.memory_space<vmem>> -> memref<1x128xi32, #tpu.memory_space<vmem>>
    %dma_start3A_533 = tpu.memref_squeeze %dma_start3A_532 : memref<1x128xi32, #tpu.memory_space<vmem>> -> memref<128xi32, #tpu.memory_space<vmem>>
    %dma_start3A_534 = tpu.memref_slice %arg3[%add3A_525] : memref<32768xi32, #tpu.memory_space<hbm>> -> memref<128xi32, #tpu.memory_space<hbm>>
    tpu.enqueue_dma source(%dma_start3A_534 : memref<128xi32, #tpu.memory_space<hbm>>) target(%dma_start3A_533 : memref<128xi32, #tpu.memory_space<vmem>>) target_semaphore(%arg12 : memref<!tpu.dma_semaphore, #tpu.memory_space<semaphore_mem>>)
    %mul3A_535 = arith.constant 8 : i32
    %mul3A_536 = arith.muli %arg1, %mul3A_535 : i32
    %mul3A_537 = arith.constant 256 : i32
    %mul3A_538 = arith.muli %mul3A_536, %mul3A_537 : i32
    %add3A_539 = arith.constant 1792 : i32
    %add3A_540 = arith.addi %mul3A_538, %add3A_539 : i32
    %dma_start3A_541 = arith.constant 14 : i32
    %dma_start3A_542 = arith.constant 0 : i32
    %dma_start3A_543 = tpu.memref_slice %arg8[%dma_start3A_541, %dma_start3A_542] : memref<16x128xi32, #tpu.memory_space<vmem>> -> memref<1x128xi32, #tpu.memory_space<vmem>>
    %dma_start3A_544 = tpu.memref_squeeze %dma_start3A_543 : memref<1x128xi32, #tpu.memory_space<vmem>> -> memref<128xi32, #tpu.memory_space<vmem>>
    %dma_start3A_545 = tpu.memref_slice %arg3[%add3A_540] : memref<32768xi32, #tpu.memory_space<hbm>> -> memref<128xi32, #tpu.memory_space<hbm>>
    %dma_start3A_546 = arith.constant 0 : i32
    %dma_start3A_547 = tpu.memref_slice %arg8[%dma_start3A_541, %dma_start3A_546] : memref<16x128xi32, #tpu.memory_space<vmem>> -> memref<1x128xi32, #tpu.memory_space<vmem>>
    %dma_start3A_548 = tpu.memref_squeeze %dma_start3A_547 : memref<1x128xi32, #tpu.memory_space<vmem>> -> memref<128xi32, #tpu.memory_space<vmem>>
    %dma_start3A_549 = tpu.memref_slice %arg3[%add3A_540] : memref<32768xi32, #tpu.memory_space<hbm>> -> memref<128xi32, #tpu.memory_space<hbm>>
    tpu.enqueue_dma source(%dma_start3A_549 : memref<128xi32, #tpu.memory_space<hbm>>) target(%dma_start3A_548 : memref<128xi32, #tpu.memory_space<vmem>>) target_semaphore(%arg12 : memref<!tpu.dma_semaphore, #tpu.memory_space<semaphore_mem>>)
    %mul3A_550 = arith.constant 8 : i32
    %mul3A_551 = arith.muli %arg1, %mul3A_550 : i32
    %mul3A_552 = arith.constant 256 : i32
    %mul3A_553 = arith.muli %mul3A_551, %mul3A_552 : i32
    %add3A_554 = arith.constant 1920 : i32
    %add3A_555 = arith.addi %mul3A_553, %add3A_554 : i32
    %dma_start3A_556 = arith.constant 15 : i32
    %dma_start3A_557 = arith.constant 0 : i32
    %dma_start3A_558 = tpu.memref_slice %arg8[%dma_start3A_556, %dma_start3A_557] : memref<16x128xi32, #tpu.memory_space<vmem>> -> memref<1x128xi32, #tpu.memory_space<vmem>>
    %dma_start3A_559 = tpu.memref_squeeze %dma_start3A_558 : memref<1x128xi32, #tpu.memory_space<vmem>> -> memref<128xi32, #tpu.memory_space<vmem>>
    %dma_start3A_560 = tpu.memref_slice %arg3[%add3A_555] : memref<32768xi32, #tpu.memory_space<hbm>> -> memref<128xi32, #tpu.memory_space<hbm>>
    %dma_start3A_561 = arith.constant 0 : i32
    %dma_start3A_562 = tpu.memref_slice %arg8[%dma_start3A_556, %dma_start3A_561] : memref<16x128xi32, #tpu.memory_space<vmem>> -> memref<1x128xi32, #tpu.memory_space<vmem>>
    %dma_start3A_563 = tpu.memref_squeeze %dma_start3A_562 : memref<1x128xi32, #tpu.memory_space<vmem>> -> memref<128xi32, #tpu.memory_space<vmem>>
    %dma_start3A_564 = tpu.memref_slice %arg3[%add3A_555] : memref<32768xi32, #tpu.memory_space<hbm>> -> memref<128xi32, #tpu.memory_space<hbm>>
    tpu.enqueue_dma source(%dma_start3A_564 : memref<128xi32, #tpu.memory_space<hbm>>) target(%dma_start3A_563 : memref<128xi32, #tpu.memory_space<vmem>>) target_semaphore(%arg12 : memref<!tpu.dma_semaphore, #tpu.memory_space<semaphore_mem>>)
    %dma_wait3A_565 = arith.constant 0 : i32
    %dma_wait3A_566 = arith.constant 0 : i32
    %dma_wait3A_567 = tpu.memref_slice %arg8[%dma_wait3A_565, %dma_wait3A_566] : memref<16x128xi32, #tpu.memory_space<vmem>> -> memref<1x128xi32, #tpu.memory_space<vmem>>
    %dma_wait3A_568 = tpu.memref_squeeze %dma_wait3A_567 : memref<1x128xi32, #tpu.memory_space<vmem>> -> memref<128xi32, #tpu.memory_space<vmem>>
    %dma_wait3A_569 = tpu.memref_slice %arg3[%add3A_330] : memref<32768xi32, #tpu.memory_space<hbm>> -> memref<128xi32, #tpu.memory_space<hbm>>
    %dma_wait3A_570 = arith.constant 0 : i32
    %dma_wait3A_571 = tpu.memref_slice %arg8[%dma_wait3A_565, %dma_wait3A_570] : memref<16x128xi32, #tpu.memory_space<vmem>> -> memref<1x128xi32, #tpu.memory_space<vmem>>
    %dma_wait3A_572 = tpu.memref_squeeze %dma_wait3A_571 : memref<1x128xi32, #tpu.memory_space<vmem>> -> memref<128xi32, #tpu.memory_space<vmem>>
    %dma_wait3A_573 = tpu.memref_slice %arg3[%add3A_330] : memref<32768xi32, #tpu.memory_space<hbm>> -> memref<128xi32, #tpu.memory_space<hbm>>
    tpu.wait_dma2 semaphore(%arg12 : memref<!tpu.dma_semaphore, #tpu.memory_space<semaphore_mem>>) src(%dma_wait3A_573 : memref<128xi32, #tpu.memory_space<hbm>>) dst(%dma_wait3A_572 : memref<128xi32, #tpu.memory_space<vmem>>)
    %dma_wait3A_574 = arith.constant 1 : i32
    %dma_wait3A_575 = arith.constant 0 : i32
    %dma_wait3A_576 = tpu.memref_slice %arg8[%dma_wait3A_574, %dma_wait3A_575] : memref<16x128xi32, #tpu.memory_space<vmem>> -> memref<1x128xi32, #tpu.memory_space<vmem>>
    %dma_wait3A_577 = tpu.memref_squeeze %dma_wait3A_576 : memref<1x128xi32, #tpu.memory_space<vmem>> -> memref<128xi32, #tpu.memory_space<vmem>>
    %dma_wait3A_578 = tpu.memref_slice %arg3[%add3A_345] : memref<32768xi32, #tpu.memory_space<hbm>> -> memref<128xi32, #tpu.memory_space<hbm>>
    %dma_wait3A_579 = arith.constant 0 : i32
    %dma_wait3A_580 = tpu.memref_slice %arg8[%dma_wait3A_574, %dma_wait3A_579] : memref<16x128xi32, #tpu.memory_space<vmem>> -> memref<1x128xi32, #tpu.memory_space<vmem>>
    %dma_wait3A_581 = tpu.memref_squeeze %dma_wait3A_580 : memref<1x128xi32, #tpu.memory_space<vmem>> -> memref<128xi32, #tpu.memory_space<vmem>>
    %dma_wait3A_582 = tpu.memref_slice %arg3[%add3A_345] : memref<32768xi32, #tpu.memory_space<hbm>> -> memref<128xi32, #tpu.memory_space<hbm>>
    tpu.wait_dma2 semaphore(%arg12 : memref<!tpu.dma_semaphore, #tpu.memory_space<semaphore_mem>>) src(%dma_wait3A_582 : memref<128xi32, #tpu.memory_space<hbm>>) dst(%dma_wait3A_581 : memref<128xi32, #tpu.memory_space<vmem>>)
    %dma_wait3A_583 = arith.constant 2 : i32
    %dma_wait3A_584 = arith.constant 0 : i32
    %dma_wait3A_585 = tpu.memref_slice %arg8[%dma_wait3A_583, %dma_wait3A_584] : memref<16x128xi32, #tpu.memory_space<vmem>> -> memref<1x128xi32, #tpu.memory_space<vmem>>
    %dma_wait3A_586 = tpu.memref_squeeze %dma_wait3A_585 : memref<1x128xi32, #tpu.memory_space<vmem>> -> memref<128xi32, #tpu.memory_space<vmem>>
    %dma_wait3A_587 = tpu.memref_slice %arg3[%add3A_360] : memref<32768xi32, #tpu.memory_space<hbm>> -> memref<128xi32, #tpu.memory_space<hbm>>
    %dma_wait3A_588 = arith.constant 0 : i32
    %dma_wait3A_589 = tpu.memref_slice %arg8[%dma_wait3A_583, %dma_wait3A_588] : memref<16x128xi32, #tpu.memory_space<vmem>> -> memref<1x128xi32, #tpu.memory_space<vmem>>
    %dma_wait3A_590 = tpu.memref_squeeze %dma_wait3A_589 : memref<1x128xi32, #tpu.memory_space<vmem>> -> memref<128xi32, #tpu.memory_space<vmem>>
    %dma_wait3A_591 = tpu.memref_slice %arg3[%add3A_360] : memref<32768xi32, #tpu.memory_space<hbm>> -> memref<128xi32, #tpu.memory_space<hbm>>
    tpu.wait_dma2 semaphore(%arg12 : memref<!tpu.dma_semaphore, #tpu.memory_space<semaphore_mem>>) src(%dma_wait3A_591 : memref<128xi32, #tpu.memory_space<hbm>>) dst(%dma_wait3A_590 : memref<128xi32, #tpu.memory_space<vmem>>)
    %dma_wait3A_592 = arith.constant 3 : i32
    %dma_wait3A_593 = arith.constant 0 : i32
    %dma_wait3A_594 = tpu.memref_slice %arg8[%dma_wait3A_592, %dma_wait3A_593] : memref<16x128xi32, #tpu.memory_space<vmem>> -> memref<1x128xi32, #tpu.memory_space<vmem>>
    %dma_wait3A_595 = tpu.memref_squeeze %dma_wait3A_594 : memref<1x128xi32, #tpu.memory_space<vmem>> -> memref<128xi32, #tpu.memory_space<vmem>>
    %dma_wait3A_596 = tpu.memref_slice %arg3[%add3A_375] : memref<32768xi32, #tpu.memory_space<hbm>> -> memref<128xi32, #tpu.memory_space<hbm>>
    %dma_wait3A_597 = arith.constant 0 : i32
    %dma_wait3A_598 = tpu.memref_slice %arg8[%dma_wait3A_592, %dma_wait3A_597] : memref<16x128xi32, #tpu.memory_space<vmem>> -> memref<1x128xi32, #tpu.memory_space<vmem>>
    %dma_wait3A_599 = tpu.memref_squeeze %dma_wait3A_598 : memref<1x128xi32, #tpu.memory_space<vmem>> -> memref<128xi32, #tpu.memory_space<vmem>>
    %dma_wait3A_600 = tpu.memref_slice %arg3[%add3A_375] : memref<32768xi32, #tpu.memory_space<hbm>> -> memref<128xi32, #tpu.memory_space<hbm>>
    tpu.wait_dma2 semaphore(%arg12 : memref<!tpu.dma_semaphore, #tpu.memory_space<semaphore_mem>>) src(%dma_wait3A_600 : memref<128xi32, #tpu.memory_space<hbm>>) dst(%dma_wait3A_599 : memref<128xi32, #tpu.memory_space<vmem>>)
    %dma_wait3A_601 = arith.constant 4 : i32
    %dma_wait3A_602 = arith.constant 0 : i32
    %dma_wait3A_603 = tpu.memref_slice %arg8[%dma_wait3A_601, %dma_wait3A_602] : memref<16x128xi32, #tpu.memory_space<vmem>> -> memref<1x128xi32, #tpu.memory_space<vmem>>
    %dma_wait3A_604 = tpu.memref_squeeze %dma_wait3A_603 : memref<1x128xi32, #tpu.memory_space<vmem>> -> memref<128xi32, #tpu.memory_space<vmem>>
    %dma_wait3A_605 = tpu.memref_slice %arg3[%add3A_390] : memref<32768xi32, #tpu.memory_space<hbm>> -> memref<128xi32, #tpu.memory_space<hbm>>
    %dma_wait3A_606 = arith.constant 0 : i32
    %dma_wait3A_607 = tpu.memref_slice %arg8[%dma_wait3A_601, %dma_wait3A_606] : memref<16x128xi32, #tpu.memory_space<vmem>> -> memref<1x128xi32, #tpu.memory_space<vmem>>
    %dma_wait3A_608 = tpu.memref_squeeze %dma_wait3A_607 : memref<1x128xi32, #tpu.memory_space<vmem>> -> memref<128xi32, #tpu.memory_space<vmem>>
    %dma_wait3A_609 = tpu.memref_slice %arg3[%add3A_390] : memref<32768xi32, #tpu.memory_space<hbm>> -> memref<128xi32, #tpu.memory_space<hbm>>
    tpu.wait_dma2 semaphore(%arg12 : memref<!tpu.dma_semaphore, #tpu.memory_space<semaphore_mem>>) src(%dma_wait3A_609 : memref<128xi32, #tpu.memory_space<hbm>>) dst(%dma_wait3A_608 : memref<128xi32, #tpu.memory_space<vmem>>)
    %dma_wait3A_610 = arith.constant 5 : i32
    %dma_wait3A_611 = arith.constant 0 : i32
    %dma_wait3A_612 = tpu.memref_slice %arg8[%dma_wait3A_610, %dma_wait3A_611] : memref<16x128xi32, #tpu.memory_space<vmem>> -> memref<1x128xi32, #tpu.memory_space<vmem>>
    %dma_wait3A_613 = tpu.memref_squeeze %dma_wait3A_612 : memref<1x128xi32, #tpu.memory_space<vmem>> -> memref<128xi32, #tpu.memory_space<vmem>>
    %dma_wait3A_614 = tpu.memref_slice %arg3[%add3A_405] : memref<32768xi32, #tpu.memory_space<hbm>> -> memref<128xi32, #tpu.memory_space<hbm>>
    %dma_wait3A_615 = arith.constant 0 : i32
    %dma_wait3A_616 = tpu.memref_slice %arg8[%dma_wait3A_610, %dma_wait3A_615] : memref<16x128xi32, #tpu.memory_space<vmem>> -> memref<1x128xi32, #tpu.memory_space<vmem>>
    %dma_wait3A_617 = tpu.memref_squeeze %dma_wait3A_616 : memref<1x128xi32, #tpu.memory_space<vmem>> -> memref<128xi32, #tpu.memory_space<vmem>>
    %dma_wait3A_618 = tpu.memref_slice %arg3[%add3A_405] : memref<32768xi32, #tpu.memory_space<hbm>> -> memref<128xi32, #tpu.memory_space<hbm>>
    tpu.wait_dma2 semaphore(%arg12 : memref<!tpu.dma_semaphore, #tpu.memory_space<semaphore_mem>>) src(%dma_wait3A_618 : memref<128xi32, #tpu.memory_space<hbm>>) dst(%dma_wait3A_617 : memref<128xi32, #tpu.memory_space<vmem>>)
    %dma_wait3A_619 = arith.constant 6 : i32
    %dma_wait3A_620 = arith.constant 0 : i32
    %dma_wait3A_621 = tpu.memref_slice %arg8[%dma_wait3A_619, %dma_wait3A_620] : memref<16x128xi32, #tpu.memory_space<vmem>> -> memref<1x128xi32, #tpu.memory_space<vmem>>
    %dma_wait3A_622 = tpu.memref_squeeze %dma_wait3A_621 : memref<1x128xi32, #tpu.memory_space<vmem>> -> memref<128xi32, #tpu.memory_space<vmem>>
    %dma_wait3A_623 = tpu.memref_slice %arg3[%add3A_420] : memref<32768xi32, #tpu.memory_space<hbm>> -> memref<128xi32, #tpu.memory_space<hbm>>
    %dma_wait3A_624 = arith.constant 0 : i32
    %dma_wait3A_625 = tpu.memref_slice %arg8[%dma_wait3A_619, %dma_wait3A_624] : memref<16x128xi32, #tpu.memory_space<vmem>> -> memref<1x128xi32, #tpu.memory_space<vmem>>
    %dma_wait3A_626 = tpu.memref_squeeze %dma_wait3A_625 : memref<1x128xi32, #tpu.memory_space<vmem>> -> memref<128xi32, #tpu.memory_space<vmem>>
    %dma_wait3A_627 = tpu.memref_slice %arg3[%add3A_420] : memref<32768xi32, #tpu.memory_space<hbm>> -> memref<128xi32, #tpu.memory_space<hbm>>
    tpu.wait_dma2 semaphore(%arg12 : memref<!tpu.dma_semaphore, #tpu.memory_space<semaphore_mem>>) src(%dma_wait3A_627 : memref<128xi32, #tpu.memory_space<hbm>>) dst(%dma_wait3A_626 : memref<128xi32, #tpu.memory_space<vmem>>)
    %dma_wait3A_628 = arith.constant 7 : i32
    %dma_wait3A_629 = arith.constant 0 : i32
    %dma_wait3A_630 = tpu.memref_slice %arg8[%dma_wait3A_628, %dma_wait3A_629] : memref<16x128xi32, #tpu.memory_space<vmem>> -> memref<1x128xi32, #tpu.memory_space<vmem>>
    %dma_wait3A_631 = tpu.memref_squeeze %dma_wait3A_630 : memref<1x128xi32, #tpu.memory_space<vmem>> -> memref<128xi32, #tpu.memory_space<vmem>>
    %dma_wait3A_632 = tpu.memref_slice %arg3[%add3A_435] : memref<32768xi32, #tpu.memory_space<hbm>> -> memref<128xi32, #tpu.memory_space<hbm>>
    %dma_wait3A_633 = arith.constant 0 : i32
    %dma_wait3A_634 = tpu.memref_slice %arg8[%dma_wait3A_628, %dma_wait3A_633] : memref<16x128xi32, #tpu.memory_space<vmem>> -> memref<1x128xi32, #tpu.memory_space<vmem>>
    %dma_wait3A_635 = tpu.memref_squeeze %dma_wait3A_634 : memref<1x128xi32, #tpu.memory_space<vmem>> -> memref<128xi32, #tpu.memory_space<vmem>>
    %dma_wait3A_636 = tpu.memref_slice %arg3[%add3A_435] : memref<32768xi32, #tpu.memory_space<hbm>> -> memref<128xi32, #tpu.memory_space<hbm>>
    tpu.wait_dma2 semaphore(%arg12 : memref<!tpu.dma_semaphore, #tpu.memory_space<semaphore_mem>>) src(%dma_wait3A_636 : memref<128xi32, #tpu.memory_space<hbm>>) dst(%dma_wait3A_635 : memref<128xi32, #tpu.memory_space<vmem>>)
    %dma_wait3A_637 = arith.constant 8 : i32
    %dma_wait3A_638 = arith.constant 0 : i32
    %dma_wait3A_639 = tpu.memref_slice %arg8[%dma_wait3A_637, %dma_wait3A_638] : memref<16x128xi32, #tpu.memory_space<vmem>> -> memref<1x128xi32, #tpu.memory_space<vmem>>
    %dma_wait3A_640 = tpu.memref_squeeze %dma_wait3A_639 : memref<1x128xi32, #tpu.memory_space<vmem>> -> memref<128xi32, #tpu.memory_space<vmem>>
    %dma_wait3A_641 = tpu.memref_slice %arg3[%add3A_450] : memref<32768xi32, #tpu.memory_space<hbm>> -> memref<128xi32, #tpu.memory_space<hbm>>
    %dma_wait3A_642 = arith.constant 0 : i32
    %dma_wait3A_643 = tpu.memref_slice %arg8[%dma_wait3A_637, %dma_wait3A_642] : memref<16x128xi32, #tpu.memory_space<vmem>> -> memref<1x128xi32, #tpu.memory_space<vmem>>
    %dma_wait3A_644 = tpu.memref_squeeze %dma_wait3A_643 : memref<1x128xi32, #tpu.memory_space<vmem>> -> memref<128xi32, #tpu.memory_space<vmem>>
    %dma_wait3A_645 = tpu.memref_slice %arg3[%add3A_450] : memref<32768xi32, #tpu.memory_space<hbm>> -> memref<128xi32, #tpu.memory_space<hbm>>
    tpu.wait_dma2 semaphore(%arg12 : memref<!tpu.dma_semaphore, #tpu.memory_space<semaphore_mem>>) src(%dma_wait3A_645 : memref<128xi32, #tpu.memory_space<hbm>>) dst(%dma_wait3A_644 : memref<128xi32, #tpu.memory_space<vmem>>)
    %dma_wait3A_646 = arith.constant 9 : i32
    %dma_wait3A_647 = arith.constant 0 : i32
    %dma_wait3A_648 = tpu.memref_slice %arg8[%dma_wait3A_646, %dma_wait3A_647] : memref<16x128xi32, #tpu.memory_space<vmem>> -> memref<1x128xi32, #tpu.memory_space<vmem>>
    %dma_wait3A_649 = tpu.memref_squeeze %dma_wait3A_648 : memref<1x128xi32, #tpu.memory_space<vmem>> -> memref<128xi32, #tpu.memory_space<vmem>>
    %dma_wait3A_650 = tpu.memref_slice %arg3[%add3A_465] : memref<32768xi32, #tpu.memory_space<hbm>> -> memref<128xi32, #tpu.memory_space<hbm>>
    %dma_wait3A_651 = arith.constant 0 : i32
    %dma_wait3A_652 = tpu.memref_slice %arg8[%dma_wait3A_646, %dma_wait3A_651] : memref<16x128xi32, #tpu.memory_space<vmem>> -> memref<1x128xi32, #tpu.memory_space<vmem>>
    %dma_wait3A_653 = tpu.memref_squeeze %dma_wait3A_652 : memref<1x128xi32, #tpu.memory_space<vmem>> -> memref<128xi32, #tpu.memory_space<vmem>>
    %dma_wait3A_654 = tpu.memref_slice %arg3[%add3A_465] : memref<32768xi32, #tpu.memory_space<hbm>> -> memref<128xi32, #tpu.memory_space<hbm>>
    tpu.wait_dma2 semaphore(%arg12 : memref<!tpu.dma_semaphore, #tpu.memory_space<semaphore_mem>>) src(%dma_wait3A_654 : memref<128xi32, #tpu.memory_space<hbm>>) dst(%dma_wait3A_653 : memref<128xi32, #tpu.memory_space<vmem>>)
    %dma_wait3A_655 = arith.constant 10 : i32
    %dma_wait3A_656 = arith.constant 0 : i32
    %dma_wait3A_657 = tpu.memref_slice %arg8[%dma_wait3A_655, %dma_wait3A_656] : memref<16x128xi32, #tpu.memory_space<vmem>> -> memref<1x128xi32, #tpu.memory_space<vmem>>
    %dma_wait3A_658 = tpu.memref_squeeze %dma_wait3A_657 : memref<1x128xi32, #tpu.memory_space<vmem>> -> memref<128xi32, #tpu.memory_space<vmem>>
    %dma_wait3A_659 = tpu.memref_slice %arg3[%add3A_480] : memref<32768xi32, #tpu.memory_space<hbm>> -> memref<128xi32, #tpu.memory_space<hbm>>
    %dma_wait3A_660 = arith.constant 0 : i32
    %dma_wait3A_661 = tpu.memref_slice %arg8[%dma_wait3A_655, %dma_wait3A_660] : memref<16x128xi32, #tpu.memory_space<vmem>> -> memref<1x128xi32, #tpu.memory_space<vmem>>
    %dma_wait3A_662 = tpu.memref_squeeze %dma_wait3A_661 : memref<1x128xi32, #tpu.memory_space<vmem>> -> memref<128xi32, #tpu.memory_space<vmem>>
    %dma_wait3A_663 = tpu.memref_slice %arg3[%add3A_480] : memref<32768xi32, #tpu.memory_space<hbm>> -> memref<128xi32, #tpu.memory_space<hbm>>
    tpu.wait_dma2 semaphore(%arg12 : memref<!tpu.dma_semaphore, #tpu.memory_space<semaphore_mem>>) src(%dma_wait3A_663 : memref<128xi32, #tpu.memory_space<hbm>>) dst(%dma_wait3A_662 : memref<128xi32, #tpu.memory_space<vmem>>)
    %dma_wait3A_664 = arith.constant 11 : i32
    %dma_wait3A_665 = arith.constant 0 : i32
    %dma_wait3A_666 = tpu.memref_slice %arg8[%dma_wait3A_664, %dma_wait3A_665] : memref<16x128xi32, #tpu.memory_space<vmem>> -> memref<1x128xi32, #tpu.memory_space<vmem>>
    %dma_wait3A_667 = tpu.memref_squeeze %dma_wait3A_666 : memref<1x128xi32, #tpu.memory_space<vmem>> -> memref<128xi32, #tpu.memory_space<vmem>>
    %dma_wait3A_668 = tpu.memref_slice %arg3[%add3A_495] : memref<32768xi32, #tpu.memory_space<hbm>> -> memref<128xi32, #tpu.memory_space<hbm>>
    %dma_wait3A_669 = arith.constant 0 : i32
    %dma_wait3A_670 = tpu.memref_slice %arg8[%dma_wait3A_664, %dma_wait3A_669] : memref<16x128xi32, #tpu.memory_space<vmem>> -> memref<1x128xi32, #tpu.memory_space<vmem>>
    %dma_wait3A_671 = tpu.memref_squeeze %dma_wait3A_670 : memref<1x128xi32, #tpu.memory_space<vmem>> -> memref<128xi32, #tpu.memory_space<vmem>>
    %dma_wait3A_672 = tpu.memref_slice %arg3[%add3A_495] : memref<32768xi32, #tpu.memory_space<hbm>> -> memref<128xi32, #tpu.memory_space<hbm>>
    tpu.wait_dma2 semaphore(%arg12 : memref<!tpu.dma_semaphore, #tpu.memory_space<semaphore_mem>>) src(%dma_wait3A_672 : memref<128xi32, #tpu.memory_space<hbm>>) dst(%dma_wait3A_671 : memref<128xi32, #tpu.memory_space<vmem>>)
    %dma_wait3A_673 = arith.constant 12 : i32
    %dma_wait3A_674 = arith.constant 0 : i32
    %dma_wait3A_675 = tpu.memref_slice %arg8[%dma_wait3A_673, %dma_wait3A_674] : memref<16x128xi32, #tpu.memory_space<vmem>> -> memref<1x128xi32, #tpu.memory_space<vmem>>
    %dma_wait3A_676 = tpu.memref_squeeze %dma_wait3A_675 : memref<1x128xi32, #tpu.memory_space<vmem>> -> memref<128xi32, #tpu.memory_space<vmem>>
    %dma_wait3A_677 = tpu.memref_slice %arg3[%add3A_510] : memref<32768xi32, #tpu.memory_space<hbm>> -> memref<128xi32, #tpu.memory_space<hbm>>
    %dma_wait3A_678 = arith.constant 0 : i32
    %dma_wait3A_679 = tpu.memref_slice %arg8[%dma_wait3A_673, %dma_wait3A_678] : memref<16x128xi32, #tpu.memory_space<vmem>> -> memref<1x128xi32, #tpu.memory_space<vmem>>
    %dma_wait3A_680 = tpu.memref_squeeze %dma_wait3A_679 : memref<1x128xi32, #tpu.memory_space<vmem>> -> memref<128xi32, #tpu.memory_space<vmem>>
    %dma_wait3A_681 = tpu.memref_slice %arg3[%add3A_510] : memref<32768xi32, #tpu.memory_space<hbm>> -> memref<128xi32, #tpu.memory_space<hbm>>
    tpu.wait_dma2 semaphore(%arg12 : memref<!tpu.dma_semaphore, #tpu.memory_space<semaphore_mem>>) src(%dma_wait3A_681 : memref<128xi32, #tpu.memory_space<hbm>>) dst(%dma_wait3A_680 : memref<128xi32, #tpu.memory_space<vmem>>)
    %dma_wait3A_682 = arith.constant 13 : i32
    %dma_wait3A_683 = arith.constant 0 : i32
    %dma_wait3A_684 = tpu.memref_slice %arg8[%dma_wait3A_682, %dma_wait3A_683] : memref<16x128xi32, #tpu.memory_space<vmem>> -> memref<1x128xi32, #tpu.memory_space<vmem>>
    %dma_wait3A_685 = tpu.memref_squeeze %dma_wait3A_684 : memref<1x128xi32, #tpu.memory_space<vmem>> -> memref<128xi32, #tpu.memory_space<vmem>>
    %dma_wait3A_686 = tpu.memref_slice %arg3[%add3A_525] : memref<32768xi32, #tpu.memory_space<hbm>> -> memref<128xi32, #tpu.memory_space<hbm>>
    %dma_wait3A_687 = arith.constant 0 : i32
    %dma_wait3A_688 = tpu.memref_slice %arg8[%dma_wait3A_682, %dma_wait3A_687] : memref<16x128xi32, #tpu.memory_space<vmem>> -> memref<1x128xi32, #tpu.memory_space<vmem>>
    %dma_wait3A_689 = tpu.memref_squeeze %dma_wait3A_688 : memref<1x128xi32, #tpu.memory_space<vmem>> -> memref<128xi32, #tpu.memory_space<vmem>>
    %dma_wait3A_690 = tpu.memref_slice %arg3[%add3A_525] : memref<32768xi32, #tpu.memory_space<hbm>> -> memref<128xi32, #tpu.memory_space<hbm>>
    tpu.wait_dma2 semaphore(%arg12 : memref<!tpu.dma_semaphore, #tpu.memory_space<semaphore_mem>>) src(%dma_wait3A_690 : memref<128xi32, #tpu.memory_space<hbm>>) dst(%dma_wait3A_689 : memref<128xi32, #tpu.memory_space<vmem>>)
    %dma_wait3A_691 = arith.constant 14 : i32
    %dma_wait3A_692 = arith.constant 0 : i32
    %dma_wait3A_693 = tpu.memref_slice %arg8[%dma_wait3A_691, %dma_wait3A_692] : memref<16x128xi32, #tpu.memory_space<vmem>> -> memref<1x128xi32, #tpu.memory_space<vmem>>
    %dma_wait3A_694 = tpu.memref_squeeze %dma_wait3A_693 : memref<1x128xi32, #tpu.memory_space<vmem>> -> memref<128xi32, #tpu.memory_space<vmem>>
    %dma_wait3A_695 = tpu.memref_slice %arg3[%add3A_540] : memref<32768xi32, #tpu.memory_space<hbm>> -> memref<128xi32, #tpu.memory_space<hbm>>
    %dma_wait3A_696 = arith.constant 0 : i32
    %dma_wait3A_697 = tpu.memref_slice %arg8[%dma_wait3A_691, %dma_wait3A_696] : memref<16x128xi32, #tpu.memory_space<vmem>> -> memref<1x128xi32, #tpu.memory_space<vmem>>
    %dma_wait3A_698 = tpu.memref_squeeze %dma_wait3A_697 : memref<1x128xi32, #tpu.memory_space<vmem>> -> memref<128xi32, #tpu.memory_space<vmem>>
    %dma_wait3A_699 = tpu.memref_slice %arg3[%add3A_540] : memref<32768xi32, #tpu.memory_space<hbm>> -> memref<128xi32, #tpu.memory_space<hbm>>
    tpu.wait_dma2 semaphore(%arg12 : memref<!tpu.dma_semaphore, #tpu.memory_space<semaphore_mem>>) src(%dma_wait3A_699 : memref<128xi32, #tpu.memory_space<hbm>>) dst(%dma_wait3A_698 : memref<128xi32, #tpu.memory_space<vmem>>)
    %dma_wait3A_700 = arith.constant 15 : i32
    %dma_wait3A_701 = arith.constant 0 : i32
    %dma_wait3A_702 = tpu.memref_slice %arg8[%dma_wait3A_700, %dma_wait3A_701] : memref<16x128xi32, #tpu.memory_space<vmem>> -> memref<1x128xi32, #tpu.memory_space<vmem>>
    %dma_wait3A_703 = tpu.memref_squeeze %dma_wait3A_702 : memref<1x128xi32, #tpu.memory_space<vmem>> -> memref<128xi32, #tpu.memory_space<vmem>>
    %dma_wait3A_704 = tpu.memref_slice %arg3[%add3A_555] : memref<32768xi32, #tpu.memory_space<hbm>> -> memref<128xi32, #tpu.memory_space<hbm>>
    %dma_wait3A_705 = arith.constant 0 : i32
    %dma_wait3A_706 = tpu.memref_slice %arg8[%dma_wait3A_700, %dma_wait3A_705] : memref<16x128xi32, #tpu.memory_space<vmem>> -> memref<1x128xi32, #tpu.memory_space<vmem>>
    %dma_wait3A_707 = tpu.memref_squeeze %dma_wait3A_706 : memref<1x128xi32, #tpu.memory_space<vmem>> -> memref<128xi32, #tpu.memory_space<vmem>>
    %dma_wait3A_708 = tpu.memref_slice %arg3[%add3A_555] : memref<32768xi32, #tpu.memory_space<hbm>> -> memref<128xi32, #tpu.memory_space<hbm>>
    tpu.wait_dma2 semaphore(%arg12 : memref<!tpu.dma_semaphore, #tpu.memory_space<semaphore_mem>>) src(%dma_wait3A_708 : memref<128xi32, #tpu.memory_space<hbm>>) dst(%dma_wait3A_707 : memref<128xi32, #tpu.memory_space<vmem>>)
    %dma_start3A_709 = arith.constant 0 : i32
    %dma_start3A_710 = arith.constant 0 : i32
    %dma_start3A_711 = arith.constant 0 : i32
    %dma_start3A_712 = tpu.memref_slice %arg9[%dma_start3A_710, %dma_start3A_711] : memref<16x128xi32, #tpu.memory_space<vmem>> -> memref<1x128xi32, #tpu.memory_space<vmem>>
    %dma_start3A_713 = tpu.memref_squeeze %dma_start3A_712 : memref<1x128xi32, #tpu.memory_space<vmem>> -> memref<128xi32, #tpu.memory_space<vmem>>
    %dma_start3A_714 = arith.constant 0 : i32
    %dma_start3A_715 = tpu.memref_slice %arg8[%dma_start3A_709, %dma_start3A_714] : memref<16x128xi32, #tpu.memory_space<vmem>> -> memref<1x128xi32, #tpu.memory_space<vmem>>
    %dma_start3A_716 = tpu.memref_squeeze %dma_start3A_715 : memref<1x128xi32, #tpu.memory_space<vmem>> -> memref<128xi32, #tpu.memory_space<vmem>>
    %dma_start3A_717 = arith.constant 0 : i32
    %dma_start3A_718 = tpu.memref_slice %arg11[%dma_start3A_717] : memref<8192xi32, #tpu.memory_space<vmem_shared>> -> memref<8192xi32, #tpu.memory_space<vmem_shared>>
    tpu.enqueue_indirect_dma source(%dma_start3A_718 : memref<8192xi32, #tpu.memory_space<vmem_shared>>) target(%dma_start3A_713 : memref<128xi32, #tpu.memory_space<vmem>>) offsets(%dma_start3A_716 : memref<128xi32, #tpu.memory_space<vmem>>) semaphore(%arg12 : memref<!tpu.dma_semaphore, #tpu.memory_space<semaphore_mem>>)
    %dma_start3A_719 = arith.constant 1 : i32
    %dma_start3A_720 = arith.constant 1 : i32
    %dma_start3A_721 = arith.constant 0 : i32
    %dma_start3A_722 = tpu.memref_slice %arg9[%dma_start3A_720, %dma_start3A_721] : memref<16x128xi32, #tpu.memory_space<vmem>> -> memref<1x128xi32, #tpu.memory_space<vmem>>
    %dma_start3A_723 = tpu.memref_squeeze %dma_start3A_722 : memref<1x128xi32, #tpu.memory_space<vmem>> -> memref<128xi32, #tpu.memory_space<vmem>>
    %dma_start3A_724 = arith.constant 0 : i32
    %dma_start3A_725 = tpu.memref_slice %arg8[%dma_start3A_719, %dma_start3A_724] : memref<16x128xi32, #tpu.memory_space<vmem>> -> memref<1x128xi32, #tpu.memory_space<vmem>>
    %dma_start3A_726 = tpu.memref_squeeze %dma_start3A_725 : memref<1x128xi32, #tpu.memory_space<vmem>> -> memref<128xi32, #tpu.memory_space<vmem>>
    %dma_start3A_727 = arith.constant 0 : i32
    %dma_start3A_728 = tpu.memref_slice %arg11[%dma_start3A_727] : memref<8192xi32, #tpu.memory_space<vmem_shared>> -> memref<8192xi32, #tpu.memory_space<vmem_shared>>
    tpu.enqueue_indirect_dma source(%dma_start3A_728 : memref<8192xi32, #tpu.memory_space<vmem_shared>>) target(%dma_start3A_723 : memref<128xi32, #tpu.memory_space<vmem>>) offsets(%dma_start3A_726 : memref<128xi32, #tpu.memory_space<vmem>>) semaphore(%arg12 : memref<!tpu.dma_semaphore, #tpu.memory_space<semaphore_mem>>)
    %dma_start3A_729 = arith.constant 2 : i32
    %dma_start3A_730 = arith.constant 2 : i32
    %dma_start3A_731 = arith.constant 0 : i32
    %dma_start3A_732 = tpu.memref_slice %arg9[%dma_start3A_730, %dma_start3A_731] : memref<16x128xi32, #tpu.memory_space<vmem>> -> memref<1x128xi32, #tpu.memory_space<vmem>>
    %dma_start3A_733 = tpu.memref_squeeze %dma_start3A_732 : memref<1x128xi32, #tpu.memory_space<vmem>> -> memref<128xi32, #tpu.memory_space<vmem>>
    %dma_start3A_734 = arith.constant 0 : i32
    %dma_start3A_735 = tpu.memref_slice %arg8[%dma_start3A_729, %dma_start3A_734] : memref<16x128xi32, #tpu.memory_space<vmem>> -> memref<1x128xi32, #tpu.memory_space<vmem>>
    %dma_start3A_736 = tpu.memref_squeeze %dma_start3A_735 : memref<1x128xi32, #tpu.memory_space<vmem>> -> memref<128xi32, #tpu.memory_space<vmem>>
    %dma_start3A_737 = arith.constant 0 : i32
    %dma_start3A_738 = tpu.memref_slice %arg11[%dma_start3A_737] : memref<8192xi32, #tpu.memory_space<vmem_shared>> -> memref<8192xi32, #tpu.memory_space<vmem_shared>>
    tpu.enqueue_indirect_dma source(%dma_start3A_738 : memref<8192xi32, #tpu.memory_space<vmem_shared>>) target(%dma_start3A_733 : memref<128xi32, #tpu.memory_space<vmem>>) offsets(%dma_start3A_736 : memref<128xi32, #tpu.memory_space<vmem>>) semaphore(%arg12 : memref<!tpu.dma_semaphore, #tpu.memory_space<semaphore_mem>>)
    %dma_start3A_739 = arith.constant 3 : i32
    %dma_start3A_740 = arith.constant 3 : i32
    %dma_start3A_741 = arith.constant 0 : i32
    %dma_start3A_742 = tpu.memref_slice %arg9[%dma_start3A_740, %dma_start3A_741] : memref<16x128xi32, #tpu.memory_space<vmem>> -> memref<1x128xi32, #tpu.memory_space<vmem>>
    %dma_start3A_743 = tpu.memref_squeeze %dma_start3A_742 : memref<1x128xi32, #tpu.memory_space<vmem>> -> memref<128xi32, #tpu.memory_space<vmem>>
    %dma_start3A_744 = arith.constant 0 : i32
    %dma_start3A_745 = tpu.memref_slice %arg8[%dma_start3A_739, %dma_start3A_744] : memref<16x128xi32, #tpu.memory_space<vmem>> -> memref<1x128xi32, #tpu.memory_space<vmem>>
    %dma_start3A_746 = tpu.memref_squeeze %dma_start3A_745 : memref<1x128xi32, #tpu.memory_space<vmem>> -> memref<128xi32, #tpu.memory_space<vmem>>
    %dma_start3A_747 = arith.constant 0 : i32
    %dma_start3A_748 = tpu.memref_slice %arg11[%dma_start3A_747] : memref<8192xi32, #tpu.memory_space<vmem_shared>> -> memref<8192xi32, #tpu.memory_space<vmem_shared>>
    tpu.enqueue_indirect_dma source(%dma_start3A_748 : memref<8192xi32, #tpu.memory_space<vmem_shared>>) target(%dma_start3A_743 : memref<128xi32, #tpu.memory_space<vmem>>) offsets(%dma_start3A_746 : memref<128xi32, #tpu.memory_space<vmem>>) semaphore(%arg12 : memref<!tpu.dma_semaphore, #tpu.memory_space<semaphore_mem>>)
    %dma_start3A_749 = arith.constant 4 : i32
    %dma_start3A_750 = arith.constant 4 : i32
    %dma_start3A_751 = arith.constant 0 : i32
    %dma_start3A_752 = tpu.memref_slice %arg9[%dma_start3A_750, %dma_start3A_751] : memref<16x128xi32, #tpu.memory_space<vmem>> -> memref<1x128xi32, #tpu.memory_space<vmem>>
    %dma_start3A_753 = tpu.memref_squeeze %dma_start3A_752 : memref<1x128xi32, #tpu.memory_space<vmem>> -> memref<128xi32, #tpu.memory_space<vmem>>
    %dma_start3A_754 = arith.constant 0 : i32
    %dma_start3A_755 = tpu.memref_slice %arg8[%dma_start3A_749, %dma_start3A_754] : memref<16x128xi32, #tpu.memory_space<vmem>> -> memref<1x128xi32, #tpu.memory_space<vmem>>
    %dma_start3A_756 = tpu.memref_squeeze %dma_start3A_755 : memref<1x128xi32, #tpu.memory_space<vmem>> -> memref<128xi32, #tpu.memory_space<vmem>>
    %dma_start3A_757 = arith.constant 0 : i32
    %dma_start3A_758 = tpu.memref_slice %arg11[%dma_start3A_757] : memref<8192xi32, #tpu.memory_space<vmem_shared>> -> memref<8192xi32, #tpu.memory_space<vmem_shared>>
    tpu.enqueue_indirect_dma source(%dma_start3A_758 : memref<8192xi32, #tpu.memory_space<vmem_shared>>) target(%dma_start3A_753 : memref<128xi32, #tpu.memory_space<vmem>>) offsets(%dma_start3A_756 : memref<128xi32, #tpu.memory_space<vmem>>) semaphore(%arg12 : memref<!tpu.dma_semaphore, #tpu.memory_space<semaphore_mem>>)
    %dma_start3A_759 = arith.constant 5 : i32
    %dma_start3A_760 = arith.constant 5 : i32
    %dma_start3A_761 = arith.constant 0 : i32
    %dma_start3A_762 = tpu.memref_slice %arg9[%dma_start3A_760, %dma_start3A_761] : memref<16x128xi32, #tpu.memory_space<vmem>> -> memref<1x128xi32, #tpu.memory_space<vmem>>
    %dma_start3A_763 = tpu.memref_squeeze %dma_start3A_762 : memref<1x128xi32, #tpu.memory_space<vmem>> -> memref<128xi32, #tpu.memory_space<vmem>>
    %dma_start3A_764 = arith.constant 0 : i32
    %dma_start3A_765 = tpu.memref_slice %arg8[%dma_start3A_759, %dma_start3A_764] : memref<16x128xi32, #tpu.memory_space<vmem>> -> memref<1x128xi32, #tpu.memory_space<vmem>>
    %dma_start3A_766 = tpu.memref_squeeze %dma_start3A_765 : memref<1x128xi32, #tpu.memory_space<vmem>> -> memref<128xi32, #tpu.memory_space<vmem>>
    %dma_start3A_767 = arith.constant 0 : i32
    %dma_start3A_768 = tpu.memref_slice %arg11[%dma_start3A_767] : memref<8192xi32, #tpu.memory_space<vmem_shared>> -> memref<8192xi32, #tpu.memory_space<vmem_shared>>
    tpu.enqueue_indirect_dma source(%dma_start3A_768 : memref<8192xi32, #tpu.memory_space<vmem_shared>>) target(%dma_start3A_763 : memref<128xi32, #tpu.memory_space<vmem>>) offsets(%dma_start3A_766 : memref<128xi32, #tpu.memory_space<vmem>>) semaphore(%arg12 : memref<!tpu.dma_semaphore, #tpu.memory_space<semaphore_mem>>)
    %dma_start3A_769 = arith.constant 6 : i32
    %dma_start3A_770 = arith.constant 6 : i32
    %dma_start3A_771 = arith.constant 0 : i32
    %dma_start3A_772 = tpu.memref_slice %arg9[%dma_start3A_770, %dma_start3A_771] : memref<16x128xi32, #tpu.memory_space<vmem>> -> memref<1x128xi32, #tpu.memory_space<vmem>>
    %dma_start3A_773 = tpu.memref_squeeze %dma_start3A_772 : memref<1x128xi32, #tpu.memory_space<vmem>> -> memref<128xi32, #tpu.memory_space<vmem>>
    %dma_start3A_774 = arith.constant 0 : i32
    %dma_start3A_775 = tpu.memref_slice %arg8[%dma_start3A_769, %dma_start3A_774] : memref<16x128xi32, #tpu.memory_space<vmem>> -> memref<1x128xi32, #tpu.memory_space<vmem>>
    %dma_start3A_776 = tpu.memref_squeeze %dma_start3A_775 : memref<1x128xi32, #tpu.memory_space<vmem>> -> memref<128xi32, #tpu.memory_space<vmem>>
    %dma_start3A_777 = arith.constant 0 : i32
    %dma_start3A_778 = tpu.memref_slice %arg11[%dma_start3A_777] : memref<8192xi32, #tpu.memory_space<vmem_shared>> -> memref<8192xi32, #tpu.memory_space<vmem_shared>>
    tpu.enqueue_indirect_dma source(%dma_start3A_778 : memref<8192xi32, #tpu.memory_space<vmem_shared>>) target(%dma_start3A_773 : memref<128xi32, #tpu.memory_space<vmem>>) offsets(%dma_start3A_776 : memref<128xi32, #tpu.memory_space<vmem>>) semaphore(%arg12 : memref<!tpu.dma_semaphore, #tpu.memory_space<semaphore_mem>>)
    %dma_start3A_779 = arith.constant 7 : i32
    %dma_start3A_780 = arith.constant 7 : i32
    %dma_start3A_781 = arith.constant 0 : i32
    %dma_start3A_782 = tpu.memref_slice %arg9[%dma_start3A_780, %dma_start3A_781] : memref<16x128xi32, #tpu.memory_space<vmem>> -> memref<1x128xi32, #tpu.memory_space<vmem>>
    %dma_start3A_783 = tpu.memref_squeeze %dma_start3A_782 : memref<1x128xi32, #tpu.memory_space<vmem>> -> memref<128xi32, #tpu.memory_space<vmem>>
    %dma_start3A_784 = arith.constant 0 : i32
    %dma_start3A_785 = tpu.memref_slice %arg8[%dma_start3A_779, %dma_start3A_784] : memref<16x128xi32, #tpu.memory_space<vmem>> -> memref<1x128xi32, #tpu.memory_space<vmem>>
    %dma_start3A_786 = tpu.memref_squeeze %dma_start3A_785 : memref<1x128xi32, #tpu.memory_space<vmem>> -> memref<128xi32, #tpu.memory_space<vmem>>
    %dma_start3A_787 = arith.constant 0 : i32
    %dma_start3A_788 = tpu.memref_slice %arg11[%dma_start3A_787] : memref<8192xi32, #tpu.memory_space<vmem_shared>> -> memref<8192xi32, #tpu.memory_space<vmem_shared>>
    tpu.enqueue_indirect_dma source(%dma_start3A_788 : memref<8192xi32, #tpu.memory_space<vmem_shared>>) target(%dma_start3A_783 : memref<128xi32, #tpu.memory_space<vmem>>) offsets(%dma_start3A_786 : memref<128xi32, #tpu.memory_space<vmem>>) semaphore(%arg12 : memref<!tpu.dma_semaphore, #tpu.memory_space<semaphore_mem>>)
    %dma_start3A_789 = arith.constant 8 : i32
    %dma_start3A_790 = arith.constant 8 : i32
    %dma_start3A_791 = arith.constant 0 : i32
    %dma_start3A_792 = tpu.memref_slice %arg9[%dma_start3A_790, %dma_start3A_791] : memref<16x128xi32, #tpu.memory_space<vmem>> -> memref<1x128xi32, #tpu.memory_space<vmem>>
    %dma_start3A_793 = tpu.memref_squeeze %dma_start3A_792 : memref<1x128xi32, #tpu.memory_space<vmem>> -> memref<128xi32, #tpu.memory_space<vmem>>
    %dma_start3A_794 = arith.constant 0 : i32
    %dma_start3A_795 = tpu.memref_slice %arg8[%dma_start3A_789, %dma_start3A_794] : memref<16x128xi32, #tpu.memory_space<vmem>> -> memref<1x128xi32, #tpu.memory_space<vmem>>
    %dma_start3A_796 = tpu.memref_squeeze %dma_start3A_795 : memref<1x128xi32, #tpu.memory_space<vmem>> -> memref<128xi32, #tpu.memory_space<vmem>>
    %dma_start3A_797 = arith.constant 0 : i32
    %dma_start3A_798 = tpu.memref_slice %arg11[%dma_start3A_797] : memref<8192xi32, #tpu.memory_space<vmem_shared>> -> memref<8192xi32, #tpu.memory_space<vmem_shared>>
    tpu.enqueue_indirect_dma source(%dma_start3A_798 : memref<8192xi32, #tpu.memory_space<vmem_shared>>) target(%dma_start3A_793 : memref<128xi32, #tpu.memory_space<vmem>>) offsets(%dma_start3A_796 : memref<128xi32, #tpu.memory_space<vmem>>) semaphore(%arg12 : memref<!tpu.dma_semaphore, #tpu.memory_space<semaphore_mem>>)
    %dma_start3A_799 = arith.constant 9 : i32
    %dma_start3A_800 = arith.constant 9 : i32
    %dma_start3A_801 = arith.constant 0 : i32
    %dma_start3A_802 = tpu.memref_slice %arg9[%dma_start3A_800, %dma_start3A_801] : memref<16x128xi32, #tpu.memory_space<vmem>> -> memref<1x128xi32, #tpu.memory_space<vmem>>
    %dma_start3A_803 = tpu.memref_squeeze %dma_start3A_802 : memref<1x128xi32, #tpu.memory_space<vmem>> -> memref<128xi32, #tpu.memory_space<vmem>>
    %dma_start3A_804 = arith.constant 0 : i32
    %dma_start3A_805 = tpu.memref_slice %arg8[%dma_start3A_799, %dma_start3A_804] : memref<16x128xi32, #tpu.memory_space<vmem>> -> memref<1x128xi32, #tpu.memory_space<vmem>>
    %dma_start3A_806 = tpu.memref_squeeze %dma_start3A_805 : memref<1x128xi32, #tpu.memory_space<vmem>> -> memref<128xi32, #tpu.memory_space<vmem>>
    %dma_start3A_807 = arith.constant 0 : i32
    %dma_start3A_808 = tpu.memref_slice %arg11[%dma_start3A_807] : memref<8192xi32, #tpu.memory_space<vmem_shared>> -> memref<8192xi32, #tpu.memory_space<vmem_shared>>
    tpu.enqueue_indirect_dma source(%dma_start3A_808 : memref<8192xi32, #tpu.memory_space<vmem_shared>>) target(%dma_start3A_803 : memref<128xi32, #tpu.memory_space<vmem>>) offsets(%dma_start3A_806 : memref<128xi32, #tpu.memory_space<vmem>>) semaphore(%arg12 : memref<!tpu.dma_semaphore, #tpu.memory_space<semaphore_mem>>)
    %dma_start3A_809 = arith.constant 10 : i32
    %dma_start3A_810 = arith.constant 10 : i32
    %dma_start3A_811 = arith.constant 0 : i32
    %dma_start3A_812 = tpu.memref_slice %arg9[%dma_start3A_810, %dma_start3A_811] : memref<16x128xi32, #tpu.memory_space<vmem>> -> memref<1x128xi32, #tpu.memory_space<vmem>>
    %dma_start3A_813 = tpu.memref_squeeze %dma_start3A_812 : memref<1x128xi32, #tpu.memory_space<vmem>> -> memref<128xi32, #tpu.memory_space<vmem>>
    %dma_start3A_814 = arith.constant 0 : i32
    %dma_start3A_815 = tpu.memref_slice %arg8[%dma_start3A_809, %dma_start3A_814] : memref<16x128xi32, #tpu.memory_space<vmem>> -> memref<1x128xi32, #tpu.memory_space<vmem>>
    %dma_start3A_816 = tpu.memref_squeeze %dma_start3A_815 : memref<1x128xi32, #tpu.memory_space<vmem>> -> memref<128xi32, #tpu.memory_space<vmem>>
    %dma_start3A_817 = arith.constant 0 : i32
    %dma_start3A_818 = tpu.memref_slice %arg11[%dma_start3A_817] : memref<8192xi32, #tpu.memory_space<vmem_shared>> -> memref<8192xi32, #tpu.memory_space<vmem_shared>>
    tpu.enqueue_indirect_dma source(%dma_start3A_818 : memref<8192xi32, #tpu.memory_space<vmem_shared>>) target(%dma_start3A_813 : memref<128xi32, #tpu.memory_space<vmem>>) offsets(%dma_start3A_816 : memref<128xi32, #tpu.memory_space<vmem>>) semaphore(%arg12 : memref<!tpu.dma_semaphore, #tpu.memory_space<semaphore_mem>>)
    %dma_start3A_819 = arith.constant 11 : i32
    %dma_start3A_820 = arith.constant 11 : i32
    %dma_start3A_821 = arith.constant 0 : i32
    %dma_start3A_822 = tpu.memref_slice %arg9[%dma_start3A_820, %dma_start3A_821] : memref<16x128xi32, #tpu.memory_space<vmem>> -> memref<1x128xi32, #tpu.memory_space<vmem>>
    %dma_start3A_823 = tpu.memref_squeeze %dma_start3A_822 : memref<1x128xi32, #tpu.memory_space<vmem>> -> memref<128xi32, #tpu.memory_space<vmem>>
    %dma_start3A_824 = arith.constant 0 : i32
    %dma_start3A_825 = tpu.memref_slice %arg8[%dma_start3A_819, %dma_start3A_824] : memref<16x128xi32, #tpu.memory_space<vmem>> -> memref<1x128xi32, #tpu.memory_space<vmem>>
    %dma_start3A_826 = tpu.memref_squeeze %dma_start3A_825 : memref<1x128xi32, #tpu.memory_space<vmem>> -> memref<128xi32, #tpu.memory_space<vmem>>
    %dma_start3A_827 = arith.constant 0 : i32
    %dma_start3A_828 = tpu.memref_slice %arg11[%dma_start3A_827] : memref<8192xi32, #tpu.memory_space<vmem_shared>> -> memref<8192xi32, #tpu.memory_space<vmem_shared>>
    tpu.enqueue_indirect_dma source(%dma_start3A_828 : memref<8192xi32, #tpu.memory_space<vmem_shared>>) target(%dma_start3A_823 : memref<128xi32, #tpu.memory_space<vmem>>) offsets(%dma_start3A_826 : memref<128xi32, #tpu.memory_space<vmem>>) semaphore(%arg12 : memref<!tpu.dma_semaphore, #tpu.memory_space<semaphore_mem>>)
    %dma_start3A_829 = arith.constant 12 : i32
    %dma_start3A_830 = arith.constant 12 : i32
    %dma_start3A_831 = arith.constant 0 : i32
    %dma_start3A_832 = tpu.memref_slice %arg9[%dma_start3A_830, %dma_start3A_831] : memref<16x128xi32, #tpu.memory_space<vmem>> -> memref<1x128xi32, #tpu.memory_space<vmem>>
    %dma_start3A_833 = tpu.memref_squeeze %dma_start3A_832 : memref<1x128xi32, #tpu.memory_space<vmem>> -> memref<128xi32, #tpu.memory_space<vmem>>
    %dma_start3A_834 = arith.constant 0 : i32
    %dma_start3A_835 = tpu.memref_slice %arg8[%dma_start3A_829, %dma_start3A_834] : memref<16x128xi32, #tpu.memory_space<vmem>> -> memref<1x128xi32, #tpu.memory_space<vmem>>
    %dma_start3A_836 = tpu.memref_squeeze %dma_start3A_835 : memref<1x128xi32, #tpu.memory_space<vmem>> -> memref<128xi32, #tpu.memory_space<vmem>>
    %dma_start3A_837 = arith.constant 0 : i32
    %dma_start3A_838 = tpu.memref_slice %arg11[%dma_start3A_837] : memref<8192xi32, #tpu.memory_space<vmem_shared>> -> memref<8192xi32, #tpu.memory_space<vmem_shared>>
    tpu.enqueue_indirect_dma source(%dma_start3A_838 : memref<8192xi32, #tpu.memory_space<vmem_shared>>) target(%dma_start3A_833 : memref<128xi32, #tpu.memory_space<vmem>>) offsets(%dma_start3A_836 : memref<128xi32, #tpu.memory_space<vmem>>) semaphore(%arg12 : memref<!tpu.dma_semaphore, #tpu.memory_space<semaphore_mem>>)
    %dma_start3A_839 = arith.constant 13 : i32
    %dma_start3A_840 = arith.constant 13 : i32
    %dma_start3A_841 = arith.constant 0 : i32
    %dma_start3A_842 = tpu.memref_slice %arg9[%dma_start3A_840, %dma_start3A_841] : memref<16x128xi32, #tpu.memory_space<vmem>> -> memref<1x128xi32, #tpu.memory_space<vmem>>
    %dma_start3A_843 = tpu.memref_squeeze %dma_start3A_842 : memref<1x128xi32, #tpu.memory_space<vmem>> -> memref<128xi32, #tpu.memory_space<vmem>>
    %dma_start3A_844 = arith.constant 0 : i32
    %dma_start3A_845 = tpu.memref_slice %arg8[%dma_start3A_839, %dma_start3A_844] : memref<16x128xi32, #tpu.memory_space<vmem>> -> memref<1x128xi32, #tpu.memory_space<vmem>>
    %dma_start3A_846 = tpu.memref_squeeze %dma_start3A_845 : memref<1x128xi32, #tpu.memory_space<vmem>> -> memref<128xi32, #tpu.memory_space<vmem>>
    %dma_start3A_847 = arith.constant 0 : i32
    %dma_start3A_848 = tpu.memref_slice %arg11[%dma_start3A_847] : memref<8192xi32, #tpu.memory_space<vmem_shared>> -> memref<8192xi32, #tpu.memory_space<vmem_shared>>
    tpu.enqueue_indirect_dma source(%dma_start3A_848 : memref<8192xi32, #tpu.memory_space<vmem_shared>>) target(%dma_start3A_843 : memref<128xi32, #tpu.memory_space<vmem>>) offsets(%dma_start3A_846 : memref<128xi32, #tpu.memory_space<vmem>>) semaphore(%arg12 : memref<!tpu.dma_semaphore, #tpu.memory_space<semaphore_mem>>)
    %dma_start3A_849 = arith.constant 14 : i32
    %dma_start3A_850 = arith.constant 14 : i32
    %dma_start3A_851 = arith.constant 0 : i32
    %dma_start3A_852 = tpu.memref_slice %arg9[%dma_start3A_850, %dma_start3A_851] : memref<16x128xi32, #tpu.memory_space<vmem>> -> memref<1x128xi32, #tpu.memory_space<vmem>>
    %dma_start3A_853 = tpu.memref_squeeze %dma_start3A_852 : memref<1x128xi32, #tpu.memory_space<vmem>> -> memref<128xi32, #tpu.memory_space<vmem>>
    %dma_start3A_854 = arith.constant 0 : i32
    %dma_start3A_855 = tpu.memref_slice %arg8[%dma_start3A_849, %dma_start3A_854] : memref<16x128xi32, #tpu.memory_space<vmem>> -> memref<1x128xi32, #tpu.memory_space<vmem>>
    %dma_start3A_856 = tpu.memref_squeeze %dma_start3A_855 : memref<1x128xi32, #tpu.memory_space<vmem>> -> memref<128xi32, #tpu.memory_space<vmem>>
    %dma_start3A_857 = arith.constant 0 : i32
    %dma_start3A_858 = tpu.memref_slice %arg11[%dma_start3A_857] : memref<8192xi32, #tpu.memory_space<vmem_shared>> -> memref<8192xi32, #tpu.memory_space<vmem_shared>>
    tpu.enqueue_indirect_dma source(%dma_start3A_858 : memref<8192xi32, #tpu.memory_space<vmem_shared>>) target(%dma_start3A_853 : memref<128xi32, #tpu.memory_space<vmem>>) offsets(%dma_start3A_856 : memref<128xi32, #tpu.memory_space<vmem>>) semaphore(%arg12 : memref<!tpu.dma_semaphore, #tpu.memory_space<semaphore_mem>>)
    %dma_start3A_859 = arith.constant 15 : i32
    %dma_start3A_860 = arith.constant 15 : i32
    %dma_start3A_861 = arith.constant 0 : i32
    %dma_start3A_862 = tpu.memref_slice %arg9[%dma_start3A_860, %dma_start3A_861] : memref<16x128xi32, #tpu.memory_space<vmem>> -> memref<1x128xi32, #tpu.memory_space<vmem>>
    %dma_start3A_863 = tpu.memref_squeeze %dma_start3A_862 : memref<1x128xi32, #tpu.memory_space<vmem>> -> memref<128xi32, #tpu.memory_space<vmem>>
    %dma_start3A_864 = arith.constant 0 : i32
    %dma_start3A_865 = tpu.memref_slice %arg8[%dma_start3A_859, %dma_start3A_864] : memref<16x128xi32, #tpu.memory_space<vmem>> -> memref<1x128xi32, #tpu.memory_space<vmem>>
    %dma_start3A_866 = tpu.memref_squeeze %dma_start3A_865 : memref<1x128xi32, #tpu.memory_space<vmem>> -> memref<128xi32, #tpu.memory_space<vmem>>
    %dma_start3A_867 = arith.constant 0 : i32
    %dma_start3A_868 = tpu.memref_slice %arg11[%dma_start3A_867] : memref<8192xi32, #tpu.memory_space<vmem_shared>> -> memref<8192xi32, #tpu.memory_space<vmem_shared>>
    tpu.enqueue_indirect_dma source(%dma_start3A_868 : memref<8192xi32, #tpu.memory_space<vmem_shared>>) target(%dma_start3A_863 : memref<128xi32, #tpu.memory_space<vmem>>) offsets(%dma_start3A_866 : memref<128xi32, #tpu.memory_space<vmem>>) semaphore(%arg12 : memref<!tpu.dma_semaphore, #tpu.memory_space<semaphore_mem>>)
    %dma_wait3A_869 = arith.constant 0 : i32
    %dma_wait3A_870 = arith.constant 0 : i32
    %dma_wait3A_871 = arith.constant 0 : i32
    %dma_wait3A_872 = tpu.memref_slice %arg9[%dma_wait3A_870, %dma_wait3A_871] : memref<16x128xi32, #tpu.memory_space<vmem>> -> memref<1x128xi32, #tpu.memory_space<vmem>>
    %dma_wait3A_873 = tpu.memref_squeeze %dma_wait3A_872 : memref<1x128xi32, #tpu.memory_space<vmem>> -> memref<128xi32, #tpu.memory_space<vmem>>
    %dma_wait3A_874 = arith.constant 0 : i32
    %dma_wait3A_875 = tpu.memref_slice %arg8[%dma_wait3A_869, %dma_wait3A_874] : memref<16x128xi32, #tpu.memory_space<vmem>> -> memref<1x128xi32, #tpu.memory_space<vmem>>
    %dma_wait3A_876 = tpu.memref_squeeze %dma_wait3A_875 : memref<1x128xi32, #tpu.memory_space<vmem>> -> memref<128xi32, #tpu.memory_space<vmem>>
    %dma_wait3A_877 = arith.constant 0 : i32
    %dma_wait3A_878 = tpu.memref_slice %arg11[%dma_wait3A_877] : memref<8192xi32, #tpu.memory_space<vmem_shared>> -> memref<8192xi32, #tpu.memory_space<vmem_shared>>
    tpu.wait_indirect_dma semaphore(%arg12 : memref<!tpu.dma_semaphore, #tpu.memory_space<semaphore_mem>>) src(%dma_wait3A_878 : memref<8192xi32, #tpu.memory_space<vmem_shared>>) dst(%dma_wait3A_873 : memref<128xi32, #tpu.memory_space<vmem>>)
    %dma_wait3A_879 = arith.constant 1 : i32
    %dma_wait3A_880 = arith.constant 1 : i32
    %dma_wait3A_881 = arith.constant 0 : i32
    %dma_wait3A_882 = tpu.memref_slice %arg9[%dma_wait3A_880, %dma_wait3A_881] : memref<16x128xi32, #tpu.memory_space<vmem>> -> memref<1x128xi32, #tpu.memory_space<vmem>>
    %dma_wait3A_883 = tpu.memref_squeeze %dma_wait3A_882 : memref<1x128xi32, #tpu.memory_space<vmem>> -> memref<128xi32, #tpu.memory_space<vmem>>
    %dma_wait3A_884 = arith.constant 0 : i32
    %dma_wait3A_885 = tpu.memref_slice %arg8[%dma_wait3A_879, %dma_wait3A_884] : memref<16x128xi32, #tpu.memory_space<vmem>> -> memref<1x128xi32, #tpu.memory_space<vmem>>
    %dma_wait3A_886 = tpu.memref_squeeze %dma_wait3A_885 : memref<1x128xi32, #tpu.memory_space<vmem>> -> memref<128xi32, #tpu.memory_space<vmem>>
    %dma_wait3A_887 = arith.constant 0 : i32
    %dma_wait3A_888 = tpu.memref_slice %arg11[%dma_wait3A_887] : memref<8192xi32, #tpu.memory_space<vmem_shared>> -> memref<8192xi32, #tpu.memory_space<vmem_shared>>
    tpu.wait_indirect_dma semaphore(%arg12 : memref<!tpu.dma_semaphore, #tpu.memory_space<semaphore_mem>>) src(%dma_wait3A_888 : memref<8192xi32, #tpu.memory_space<vmem_shared>>) dst(%dma_wait3A_883 : memref<128xi32, #tpu.memory_space<vmem>>)
    %dma_wait3A_889 = arith.constant 2 : i32
    %dma_wait3A_890 = arith.constant 2 : i32
    %dma_wait3A_891 = arith.constant 0 : i32
    %dma_wait3A_892 = tpu.memref_slice %arg9[%dma_wait3A_890, %dma_wait3A_891] : memref<16x128xi32, #tpu.memory_space<vmem>> -> memref<1x128xi32, #tpu.memory_space<vmem>>
    %dma_wait3A_893 = tpu.memref_squeeze %dma_wait3A_892 : memref<1x128xi32, #tpu.memory_space<vmem>> -> memref<128xi32, #tpu.memory_space<vmem>>
    %dma_wait3A_894 = arith.constant 0 : i32
    %dma_wait3A_895 = tpu.memref_slice %arg8[%dma_wait3A_889, %dma_wait3A_894] : memref<16x128xi32, #tpu.memory_space<vmem>> -> memref<1x128xi32, #tpu.memory_space<vmem>>
    %dma_wait3A_896 = tpu.memref_squeeze %dma_wait3A_895 : memref<1x128xi32, #tpu.memory_space<vmem>> -> memref<128xi32, #tpu.memory_space<vmem>>
    %dma_wait3A_897 = arith.constant 0 : i32
    %dma_wait3A_898 = tpu.memref_slice %arg11[%dma_wait3A_897] : memref<8192xi32, #tpu.memory_space<vmem_shared>> -> memref<8192xi32, #tpu.memory_space<vmem_shared>>
    tpu.wait_indirect_dma semaphore(%arg12 : memref<!tpu.dma_semaphore, #tpu.memory_space<semaphore_mem>>) src(%dma_wait3A_898 : memref<8192xi32, #tpu.memory_space<vmem_shared>>) dst(%dma_wait3A_893 : memref<128xi32, #tpu.memory_space<vmem>>)
    %dma_wait3A_899 = arith.constant 3 : i32
    %dma_wait3A_900 = arith.constant 3 : i32
    %dma_wait3A_901 = arith.constant 0 : i32
    %dma_wait3A_902 = tpu.memref_slice %arg9[%dma_wait3A_900, %dma_wait3A_901] : memref<16x128xi32, #tpu.memory_space<vmem>> -> memref<1x128xi32, #tpu.memory_space<vmem>>
    %dma_wait3A_903 = tpu.memref_squeeze %dma_wait3A_902 : memref<1x128xi32, #tpu.memory_space<vmem>> -> memref<128xi32, #tpu.memory_space<vmem>>
    %dma_wait3A_904 = arith.constant 0 : i32
    %dma_wait3A_905 = tpu.memref_slice %arg8[%dma_wait3A_899, %dma_wait3A_904] : memref<16x128xi32, #tpu.memory_space<vmem>> -> memref<1x128xi32, #tpu.memory_space<vmem>>
    %dma_wait3A_906 = tpu.memref_squeeze %dma_wait3A_905 : memref<1x128xi32, #tpu.memory_space<vmem>> -> memref<128xi32, #tpu.memory_space<vmem>>
    %dma_wait3A_907 = arith.constant 0 : i32
    %dma_wait3A_908 = tpu.memref_slice %arg11[%dma_wait3A_907] : memref<8192xi32, #tpu.memory_space<vmem_shared>> -> memref<8192xi32, #tpu.memory_space<vmem_shared>>
    tpu.wait_indirect_dma semaphore(%arg12 : memref<!tpu.dma_semaphore, #tpu.memory_space<semaphore_mem>>) src(%dma_wait3A_908 : memref<8192xi32, #tpu.memory_space<vmem_shared>>) dst(%dma_wait3A_903 : memref<128xi32, #tpu.memory_space<vmem>>)
    %dma_wait3A_909 = arith.constant 4 : i32
    %dma_wait3A_910 = arith.constant 4 : i32
    %dma_wait3A_911 = arith.constant 0 : i32
    %dma_wait3A_912 = tpu.memref_slice %arg9[%dma_wait3A_910, %dma_wait3A_911] : memref<16x128xi32, #tpu.memory_space<vmem>> -> memref<1x128xi32, #tpu.memory_space<vmem>>
    %dma_wait3A_913 = tpu.memref_squeeze %dma_wait3A_912 : memref<1x128xi32, #tpu.memory_space<vmem>> -> memref<128xi32, #tpu.memory_space<vmem>>
    %dma_wait3A_914 = arith.constant 0 : i32
    %dma_wait3A_915 = tpu.memref_slice %arg8[%dma_wait3A_909, %dma_wait3A_914] : memref<16x128xi32, #tpu.memory_space<vmem>> -> memref<1x128xi32, #tpu.memory_space<vmem>>
    %dma_wait3A_916 = tpu.memref_squeeze %dma_wait3A_915 : memref<1x128xi32, #tpu.memory_space<vmem>> -> memref<128xi32, #tpu.memory_space<vmem>>
    %dma_wait3A_917 = arith.constant 0 : i32
    %dma_wait3A_918 = tpu.memref_slice %arg11[%dma_wait3A_917] : memref<8192xi32, #tpu.memory_space<vmem_shared>> -> memref<8192xi32, #tpu.memory_space<vmem_shared>>
    tpu.wait_indirect_dma semaphore(%arg12 : memref<!tpu.dma_semaphore, #tpu.memory_space<semaphore_mem>>) src(%dma_wait3A_918 : memref<8192xi32, #tpu.memory_space<vmem_shared>>) dst(%dma_wait3A_913 : memref<128xi32, #tpu.memory_space<vmem>>)
    %dma_wait3A_919 = arith.constant 5 : i32
    %dma_wait3A_920 = arith.constant 5 : i32
    %dma_wait3A_921 = arith.constant 0 : i32
    %dma_wait3A_922 = tpu.memref_slice %arg9[%dma_wait3A_920, %dma_wait3A_921] : memref<16x128xi32, #tpu.memory_space<vmem>> -> memref<1x128xi32, #tpu.memory_space<vmem>>
    %dma_wait3A_923 = tpu.memref_squeeze %dma_wait3A_922 : memref<1x128xi32, #tpu.memory_space<vmem>> -> memref<128xi32, #tpu.memory_space<vmem>>
    %dma_wait3A_924 = arith.constant 0 : i32
    %dma_wait3A_925 = tpu.memref_slice %arg8[%dma_wait3A_919, %dma_wait3A_924] : memref<16x128xi32, #tpu.memory_space<vmem>> -> memref<1x128xi32, #tpu.memory_space<vmem>>
    %dma_wait3A_926 = tpu.memref_squeeze %dma_wait3A_925 : memref<1x128xi32, #tpu.memory_space<vmem>> -> memref<128xi32, #tpu.memory_space<vmem>>
    %dma_wait3A_927 = arith.constant 0 : i32
    %dma_wait3A_928 = tpu.memref_slice %arg11[%dma_wait3A_927] : memref<8192xi32, #tpu.memory_space<vmem_shared>> -> memref<8192xi32, #tpu.memory_space<vmem_shared>>
    tpu.wait_indirect_dma semaphore(%arg12 : memref<!tpu.dma_semaphore, #tpu.memory_space<semaphore_mem>>) src(%dma_wait3A_928 : memref<8192xi32, #tpu.memory_space<vmem_shared>>) dst(%dma_wait3A_923 : memref<128xi32, #tpu.memory_space<vmem>>)
    %dma_wait3A_929 = arith.constant 6 : i32
    %dma_wait3A_930 = arith.constant 6 : i32
    %dma_wait3A_931 = arith.constant 0 : i32
    %dma_wait3A_932 = tpu.memref_slice %arg9[%dma_wait3A_930, %dma_wait3A_931] : memref<16x128xi32, #tpu.memory_space<vmem>> -> memref<1x128xi32, #tpu.memory_space<vmem>>
    %dma_wait3A_933 = tpu.memref_squeeze %dma_wait3A_932 : memref<1x128xi32, #tpu.memory_space<vmem>> -> memref<128xi32, #tpu.memory_space<vmem>>
    %dma_wait3A_934 = arith.constant 0 : i32
    %dma_wait3A_935 = tpu.memref_slice %arg8[%dma_wait3A_929, %dma_wait3A_934] : memref<16x128xi32, #tpu.memory_space<vmem>> -> memref<1x128xi32, #tpu.memory_space<vmem>>
    %dma_wait3A_936 = tpu.memref_squeeze %dma_wait3A_935 : memref<1x128xi32, #tpu.memory_space<vmem>> -> memref<128xi32, #tpu.memory_space<vmem>>
    %dma_wait3A_937 = arith.constant 0 : i32
    %dma_wait3A_938 = tpu.memref_slice %arg11[%dma_wait3A_937] : memref<8192xi32, #tpu.memory_space<vmem_shared>> -> memref<8192xi32, #tpu.memory_space<vmem_shared>>
    tpu.wait_indirect_dma semaphore(%arg12 : memref<!tpu.dma_semaphore, #tpu.memory_space<semaphore_mem>>) src(%dma_wait3A_938 : memref<8192xi32, #tpu.memory_space<vmem_shared>>) dst(%dma_wait3A_933 : memref<128xi32, #tpu.memory_space<vmem>>)
    %dma_wait3A_939 = arith.constant 7 : i32
    %dma_wait3A_940 = arith.constant 7 : i32
    %dma_wait3A_941 = arith.constant 0 : i32
    %dma_wait3A_942 = tpu.memref_slice %arg9[%dma_wait3A_940, %dma_wait3A_941] : memref<16x128xi32, #tpu.memory_space<vmem>> -> memref<1x128xi32, #tpu.memory_space<vmem>>
    %dma_wait3A_943 = tpu.memref_squeeze %dma_wait3A_942 : memref<1x128xi32, #tpu.memory_space<vmem>> -> memref<128xi32, #tpu.memory_space<vmem>>
    %dma_wait3A_944 = arith.constant 0 : i32
    %dma_wait3A_945 = tpu.memref_slice %arg8[%dma_wait3A_939, %dma_wait3A_944] : memref<16x128xi32, #tpu.memory_space<vmem>> -> memref<1x128xi32, #tpu.memory_space<vmem>>
    %dma_wait3A_946 = tpu.memref_squeeze %dma_wait3A_945 : memref<1x128xi32, #tpu.memory_space<vmem>> -> memref<128xi32, #tpu.memory_space<vmem>>
    %dma_wait3A_947 = arith.constant 0 : i32
    %dma_wait3A_948 = tpu.memref_slice %arg11[%dma_wait3A_947] : memref<8192xi32, #tpu.memory_space<vmem_shared>> -> memref<8192xi32, #tpu.memory_space<vmem_shared>>
    tpu.wait_indirect_dma semaphore(%arg12 : memref<!tpu.dma_semaphore, #tpu.memory_space<semaphore_mem>>) src(%dma_wait3A_948 : memref<8192xi32, #tpu.memory_space<vmem_shared>>) dst(%dma_wait3A_943 : memref<128xi32, #tpu.memory_space<vmem>>)
    %dma_wait3A_949 = arith.constant 8 : i32
    %dma_wait3A_950 = arith.constant 8 : i32
    %dma_wait3A_951 = arith.constant 0 : i32
    %dma_wait3A_952 = tpu.memref_slice %arg9[%dma_wait3A_950, %dma_wait3A_951] : memref<16x128xi32, #tpu.memory_space<vmem>> -> memref<1x128xi32, #tpu.memory_space<vmem>>
    %dma_wait3A_953 = tpu.memref_squeeze %dma_wait3A_952 : memref<1x128xi32, #tpu.memory_space<vmem>> -> memref<128xi32, #tpu.memory_space<vmem>>
    %dma_wait3A_954 = arith.constant 0 : i32
    %dma_wait3A_955 = tpu.memref_slice %arg8[%dma_wait3A_949, %dma_wait3A_954] : memref<16x128xi32, #tpu.memory_space<vmem>> -> memref<1x128xi32, #tpu.memory_space<vmem>>
    %dma_wait3A_956 = tpu.memref_squeeze %dma_wait3A_955 : memref<1x128xi32, #tpu.memory_space<vmem>> -> memref<128xi32, #tpu.memory_space<vmem>>
    %dma_wait3A_957 = arith.constant 0 : i32
    %dma_wait3A_958 = tpu.memref_slice %arg11[%dma_wait3A_957] : memref<8192xi32, #tpu.memory_space<vmem_shared>> -> memref<8192xi32, #tpu.memory_space<vmem_shared>>
    tpu.wait_indirect_dma semaphore(%arg12 : memref<!tpu.dma_semaphore, #tpu.memory_space<semaphore_mem>>) src(%dma_wait3A_958 : memref<8192xi32, #tpu.memory_space<vmem_shared>>) dst(%dma_wait3A_953 : memref<128xi32, #tpu.memory_space<vmem>>)
    %dma_wait3A_959 = arith.constant 9 : i32
    %dma_wait3A_960 = arith.constant 9 : i32
    %dma_wait3A_961 = arith.constant 0 : i32
    %dma_wait3A_962 = tpu.memref_slice %arg9[%dma_wait3A_960, %dma_wait3A_961] : memref<16x128xi32, #tpu.memory_space<vmem>> -> memref<1x128xi32, #tpu.memory_space<vmem>>
    %dma_wait3A_963 = tpu.memref_squeeze %dma_wait3A_962 : memref<1x128xi32, #tpu.memory_space<vmem>> -> memref<128xi32, #tpu.memory_space<vmem>>
    %dma_wait3A_964 = arith.constant 0 : i32
    %dma_wait3A_965 = tpu.memref_slice %arg8[%dma_wait3A_959, %dma_wait3A_964] : memref<16x128xi32, #tpu.memory_space<vmem>> -> memref<1x128xi32, #tpu.memory_space<vmem>>
    %dma_wait3A_966 = tpu.memref_squeeze %dma_wait3A_965 : memref<1x128xi32, #tpu.memory_space<vmem>> -> memref<128xi32, #tpu.memory_space<vmem>>
    %dma_wait3A_967 = arith.constant 0 : i32
    %dma_wait3A_968 = tpu.memref_slice %arg11[%dma_wait3A_967] : memref<8192xi32, #tpu.memory_space<vmem_shared>> -> memref<8192xi32, #tpu.memory_space<vmem_shared>>
    tpu.wait_indirect_dma semaphore(%arg12 : memref<!tpu.dma_semaphore, #tpu.memory_space<semaphore_mem>>) src(%dma_wait3A_968 : memref<8192xi32, #tpu.memory_space<vmem_shared>>) dst(%dma_wait3A_963 : memref<128xi32, #tpu.memory_space<vmem>>)
    %dma_wait3A_969 = arith.constant 10 : i32
    %dma_wait3A_970 = arith.constant 10 : i32
    %dma_wait3A_971 = arith.constant 0 : i32
    %dma_wait3A_972 = tpu.memref_slice %arg9[%dma_wait3A_970, %dma_wait3A_971] : memref<16x128xi32, #tpu.memory_space<vmem>> -> memref<1x128xi32, #tpu.memory_space<vmem>>
    %dma_wait3A_973 = tpu.memref_squeeze %dma_wait3A_972 : memref<1x128xi32, #tpu.memory_space<vmem>> -> memref<128xi32, #tpu.memory_space<vmem>>
    %dma_wait3A_974 = arith.constant 0 : i32
    %dma_wait3A_975 = tpu.memref_slice %arg8[%dma_wait3A_969, %dma_wait3A_974] : memref<16x128xi32, #tpu.memory_space<vmem>> -> memref<1x128xi32, #tpu.memory_space<vmem>>
    %dma_wait3A_976 = tpu.memref_squeeze %dma_wait3A_975 : memref<1x128xi32, #tpu.memory_space<vmem>> -> memref<128xi32, #tpu.memory_space<vmem>>
    %dma_wait3A_977 = arith.constant 0 : i32
    %dma_wait3A_978 = tpu.memref_slice %arg11[%dma_wait3A_977] : memref<8192xi32, #tpu.memory_space<vmem_shared>> -> memref<8192xi32, #tpu.memory_space<vmem_shared>>
    tpu.wait_indirect_dma semaphore(%arg12 : memref<!tpu.dma_semaphore, #tpu.memory_space<semaphore_mem>>) src(%dma_wait3A_978 : memref<8192xi32, #tpu.memory_space<vmem_shared>>) dst(%dma_wait3A_973 : memref<128xi32, #tpu.memory_space<vmem>>)
    %dma_wait3A_979 = arith.constant 11 : i32
    %dma_wait3A_980 = arith.constant 11 : i32
    %dma_wait3A_981 = arith.constant 0 : i32
    %dma_wait3A_982 = tpu.memref_slice %arg9[%dma_wait3A_980, %dma_wait3A_981] : memref<16x128xi32, #tpu.memory_space<vmem>> -> memref<1x128xi32, #tpu.memory_space<vmem>>
    %dma_wait3A_983 = tpu.memref_squeeze %dma_wait3A_982 : memref<1x128xi32, #tpu.memory_space<vmem>> -> memref<128xi32, #tpu.memory_space<vmem>>
    %dma_wait3A_984 = arith.constant 0 : i32
    %dma_wait3A_985 = tpu.memref_slice %arg8[%dma_wait3A_979, %dma_wait3A_984] : memref<16x128xi32, #tpu.memory_space<vmem>> -> memref<1x128xi32, #tpu.memory_space<vmem>>
    %dma_wait3A_986 = tpu.memref_squeeze %dma_wait3A_985 : memref<1x128xi32, #tpu.memory_space<vmem>> -> memref<128xi32, #tpu.memory_space<vmem>>
    %dma_wait3A_987 = arith.constant 0 : i32
    %dma_wait3A_988 = tpu.memref_slice %arg11[%dma_wait3A_987] : memref<8192xi32, #tpu.memory_space<vmem_shared>> -> memref<8192xi32, #tpu.memory_space<vmem_shared>>
    tpu.wait_indirect_dma semaphore(%arg12 : memref<!tpu.dma_semaphore, #tpu.memory_space<semaphore_mem>>) src(%dma_wait3A_988 : memref<8192xi32, #tpu.memory_space<vmem_shared>>) dst(%dma_wait3A_983 : memref<128xi32, #tpu.memory_space<vmem>>)
    %dma_wait3A_989 = arith.constant 12 : i32
    %dma_wait3A_990 = arith.constant 12 : i32
    %dma_wait3A_991 = arith.constant 0 : i32
    %dma_wait3A_992 = tpu.memref_slice %arg9[%dma_wait3A_990, %dma_wait3A_991] : memref<16x128xi32, #tpu.memory_space<vmem>> -> memref<1x128xi32, #tpu.memory_space<vmem>>
    %dma_wait3A_993 = tpu.memref_squeeze %dma_wait3A_992 : memref<1x128xi32, #tpu.memory_space<vmem>> -> memref<128xi32, #tpu.memory_space<vmem>>
    %dma_wait3A_994 = arith.constant 0 : i32
    %dma_wait3A_995 = tpu.memref_slice %arg8[%dma_wait3A_989, %dma_wait3A_994] : memref<16x128xi32, #tpu.memory_space<vmem>> -> memref<1x128xi32, #tpu.memory_space<vmem>>
    %dma_wait3A_996 = tpu.memref_squeeze %dma_wait3A_995 : memref<1x128xi32, #tpu.memory_space<vmem>> -> memref<128xi32, #tpu.memory_space<vmem>>
    %dma_wait3A_997 = arith.constant 0 : i32
    %dma_wait3A_998 = tpu.memref_slice %arg11[%dma_wait3A_997] : memref<8192xi32, #tpu.memory_space<vmem_shared>> -> memref<8192xi32, #tpu.memory_space<vmem_shared>>
    tpu.wait_indirect_dma semaphore(%arg12 : memref<!tpu.dma_semaphore, #tpu.memory_space<semaphore_mem>>) src(%dma_wait3A_998 : memref<8192xi32, #tpu.memory_space<vmem_shared>>) dst(%dma_wait3A_993 : memref<128xi32, #tpu.memory_space<vmem>>)
    %dma_wait3A_999 = arith.constant 13 : i32
    %dma_wait3A_1000 = arith.constant 13 : i32
    %dma_wait3A_1001 = arith.constant 0 : i32
    %dma_wait3A_1002 = tpu.memref_slice %arg9[%dma_wait3A_1000, %dma_wait3A_1001] : memref<16x128xi32, #tpu.memory_space<vmem>> -> memref<1x128xi32, #tpu.memory_space<vmem>>
    %dma_wait3A_1003 = tpu.memref_squeeze %dma_wait3A_1002 : memref<1x128xi32, #tpu.memory_space<vmem>> -> memref<128xi32, #tpu.memory_space<vmem>>
    %dma_wait3A_1004 = arith.constant 0 : i32
    %dma_wait3A_1005 = tpu.memref_slice %arg8[%dma_wait3A_999, %dma_wait3A_1004] : memref<16x128xi32, #tpu.memory_space<vmem>> -> memref<1x128xi32, #tpu.memory_space<vmem>>
    %dma_wait3A_1006 = tpu.memref_squeeze %dma_wait3A_1005 : memref<1x128xi32, #tpu.memory_space<vmem>> -> memref<128xi32, #tpu.memory_space<vmem>>
    %dma_wait3A_1007 = arith.constant 0 : i32
    %dma_wait3A_1008 = tpu.memref_slice %arg11[%dma_wait3A_1007] : memref<8192xi32, #tpu.memory_space<vmem_shared>> -> memref<8192xi32, #tpu.memory_space<vmem_shared>>
    tpu.wait_indirect_dma semaphore(%arg12 : memref<!tpu.dma_semaphore, #tpu.memory_space<semaphore_mem>>) src(%dma_wait3A_1008 : memref<8192xi32, #tpu.memory_space<vmem_shared>>) dst(%dma_wait3A_1003 : memref<128xi32, #tpu.memory_space<vmem>>)
    %dma_wait3A_1009 = arith.constant 14 : i32
    %dma_wait3A_1010 = arith.constant 14 : i32
    %dma_wait3A_1011 = arith.constant 0 : i32
    %dma_wait3A_1012 = tpu.memref_slice %arg9[%dma_wait3A_1010, %dma_wait3A_1011] : memref<16x128xi32, #tpu.memory_space<vmem>> -> memref<1x128xi32, #tpu.memory_space<vmem>>
    %dma_wait3A_1013 = tpu.memref_squeeze %dma_wait3A_1012 : memref<1x128xi32, #tpu.memory_space<vmem>> -> memref<128xi32, #tpu.memory_space<vmem>>
    %dma_wait3A_1014 = arith.constant 0 : i32
    %dma_wait3A_1015 = tpu.memref_slice %arg8[%dma_wait3A_1009, %dma_wait3A_1014] : memref<16x128xi32, #tpu.memory_space<vmem>> -> memref<1x128xi32, #tpu.memory_space<vmem>>
    %dma_wait3A_1016 = tpu.memref_squeeze %dma_wait3A_1015 : memref<1x128xi32, #tpu.memory_space<vmem>> -> memref<128xi32, #tpu.memory_space<vmem>>
    %dma_wait3A_1017 = arith.constant 0 : i32
    %dma_wait3A_1018 = tpu.memref_slice %arg11[%dma_wait3A_1017] : memref<8192xi32, #tpu.memory_space<vmem_shared>> -> memref<8192xi32, #tpu.memory_space<vmem_shared>>
    tpu.wait_indirect_dma semaphore(%arg12 : memref<!tpu.dma_semaphore, #tpu.memory_space<semaphore_mem>>) src(%dma_wait3A_1018 : memref<8192xi32, #tpu.memory_space<vmem_shared>>) dst(%dma_wait3A_1013 : memref<128xi32, #tpu.memory_space<vmem>>)
    %dma_wait3A_1019 = arith.constant 15 : i32
    %dma_wait3A_1020 = arith.constant 15 : i32
    %dma_wait3A_1021 = arith.constant 0 : i32
    %dma_wait3A_1022 = tpu.memref_slice %arg9[%dma_wait3A_1020, %dma_wait3A_1021] : memref<16x128xi32, #tpu.memory_space<vmem>> -> memref<1x128xi32, #tpu.memory_space<vmem>>
    %dma_wait3A_1023 = tpu.memref_squeeze %dma_wait3A_1022 : memref<1x128xi32, #tpu.memory_space<vmem>> -> memref<128xi32, #tpu.memory_space<vmem>>
    %dma_wait3A_1024 = arith.constant 0 : i32
    %dma_wait3A_1025 = tpu.memref_slice %arg8[%dma_wait3A_1019, %dma_wait3A_1024] : memref<16x128xi32, #tpu.memory_space<vmem>> -> memref<1x128xi32, #tpu.memory_space<vmem>>
    %dma_wait3A_1026 = tpu.memref_squeeze %dma_wait3A_1025 : memref<1x128xi32, #tpu.memory_space<vmem>> -> memref<128xi32, #tpu.memory_space<vmem>>
    %dma_wait3A_1027 = arith.constant 0 : i32
    %dma_wait3A_1028 = tpu.memref_slice %arg11[%dma_wait3A_1027] : memref<8192xi32, #tpu.memory_space<vmem_shared>> -> memref<8192xi32, #tpu.memory_space<vmem_shared>>
    tpu.wait_indirect_dma semaphore(%arg12 : memref<!tpu.dma_semaphore, #tpu.memory_space<semaphore_mem>>) src(%dma_wait3A_1028 : memref<8192xi32, #tpu.memory_space<vmem_shared>>) dst(%dma_wait3A_1023 : memref<128xi32, #tpu.memory_space<vmem>>)
    %broadcast_in_dim3A_1029 = arith.constant 0 : i32
    %broadcast_in_dim3A_1030 = vector.broadcast %broadcast_in_dim3A_1029 : i32 to vector<16xi32>
    %get3A = arith.constant 0 : i32
    %get3A_1031 = arith.index_cast %get3A : i32 to index
    %get3A_1032 = arith.constant 0 : index
    %get3A_1033 = tpu.vector_load %arg9[%get3A_1031, %get3A_1032] {strides = array<i32>} : memref<16x128xi32, #tpu.memory_space<vmem>>, vector<1x16xi32>,
    %get3A_1034 = vector.shape_cast %get3A_1033 : vector<1x16xi32> to vector<16xi32>
    %add3A_1035 = arith.addi %broadcast_in_dim3A_1030, %get3A_1034 : vector<16xi32>
    %get3A_1036 = arith.constant 2 : i32
    %get3A_1037 = arith.index_cast %get3A_1036 : i32 to index
    %get3A_1038 = arith.constant 0 : index
    %get3A_1039 = tpu.vector_load %arg9[%get3A_1037, %get3A_1038] {strides = array<i32>} : memref<16x128xi32, #tpu.memory_space<vmem>>, vector<1x16xi32>,
    %get3A_1040 = vector.shape_cast %get3A_1039 : vector<1x16xi32> to vector<16xi32>
    %add3A_1041 = arith.addi %add3A_1035, %get3A_1040 : vector<16xi32>
    %get3A_1042 = arith.constant 4 : i32
    %get3A_1043 = arith.index_cast %get3A_1042 : i32 to index
    %get3A_1044 = arith.constant 0 : index
    %get3A_1045 = tpu.vector_load %arg9[%get3A_1043, %get3A_1044] {strides = array<i32>} : memref<16x128xi32, #tpu.memory_space<vmem>>, vector<1x16xi32>,
    %get3A_1046 = vector.shape_cast %get3A_1045 : vector<1x16xi32> to vector<16xi32>
    %add3A_1047 = arith.addi %add3A_1041, %get3A_1046 : vector<16xi32>
    %get3A_1048 = arith.constant 6 : i32
    %get3A_1049 = arith.index_cast %get3A_1048 : i32 to index
    %get3A_1050 = arith.constant 0 : index
    %get3A_1051 = tpu.vector_load %arg9[%get3A_1049, %get3A_1050] {strides = array<i32>} : memref<16x128xi32, #tpu.memory_space<vmem>>, vector<1x16xi32>,
    %get3A_1052 = vector.shape_cast %get3A_1051 : vector<1x16xi32> to vector<16xi32>
    %add3A_1053 = arith.addi %add3A_1047, %get3A_1052 : vector<16xi32>
    %get3A_1054 = arith.constant 8 : i32
    %get3A_1055 = arith.index_cast %get3A_1054 : i32 to index
    %get3A_1056 = arith.constant 0 : index
    %get3A_1057 = tpu.vector_load %arg9[%get3A_1055, %get3A_1056] {strides = array<i32>} : memref<16x128xi32, #tpu.memory_space<vmem>>, vector<1x16xi32>,
    %get3A_1058 = vector.shape_cast %get3A_1057 : vector<1x16xi32> to vector<16xi32>
    %add3A_1059 = arith.addi %add3A_1053, %get3A_1058 : vector<16xi32>
    %get3A_1060 = arith.constant 10 : i32
    %get3A_1061 = arith.index_cast %get3A_1060 : i32 to index
    %get3A_1062 = arith.constant 0 : index
    %get3A_1063 = tpu.vector_load %arg9[%get3A_1061, %get3A_1062] {strides = array<i32>} : memref<16x128xi32, #tpu.memory_space<vmem>>, vector<1x16xi32>,
    %get3A_1064 = vector.shape_cast %get3A_1063 : vector<1x16xi32> to vector<16xi32>
    %add3A_1065 = arith.addi %add3A_1059, %get3A_1064 : vector<16xi32>
    %get3A_1066 = arith.constant 12 : i32
    %get3A_1067 = arith.index_cast %get3A_1066 : i32 to index
    %get3A_1068 = arith.constant 0 : index
    %get3A_1069 = tpu.vector_load %arg9[%get3A_1067, %get3A_1068] {strides = array<i32>} : memref<16x128xi32, #tpu.memory_space<vmem>>, vector<1x16xi32>,
    %get3A_1070 = vector.shape_cast %get3A_1069 : vector<1x16xi32> to vector<16xi32>
    %add3A_1071 = arith.addi %add3A_1065, %get3A_1070 : vector<16xi32>
    %get3A_1072 = arith.constant 14 : i32
    %get3A_1073 = arith.index_cast %get3A_1072 : i32 to index
    %get3A_1074 = arith.constant 0 : index
    %get3A_1075 = tpu.vector_load %arg9[%get3A_1073, %get3A_1074] {strides = array<i32>} : memref<16x128xi32, #tpu.memory_space<vmem>>, vector<1x16xi32>,
    %get3A_1076 = vector.shape_cast %get3A_1075 : vector<1x16xi32> to vector<16xi32>
    %add3A_1077 = arith.addi %add3A_1071, %get3A_1076 : vector<16xi32>
    %swap3A_1078 = arith.constant 0 : index
    %swap3A_1079 = tpu.vector_load %arg10[%swap3A_1078] {strides = array<i32>} : memref<256xi32, #tpu.memory_space<vmem>>, vector<16xi32>,
    %swap3A_1080 = vector.shape_cast %swap3A_1079 : vector<16xi32> to vector<16xi32>
    %swap3A_1081 = vector.shape_cast %add3A_1077 : vector<16xi32> to vector<16xi32>
    tpu.vector_store %arg10[%swap3A_1078], %swap3A_1081 {strides = array<i32>} : memref<256xi32, #tpu.memory_space<vmem>>, vector<16xi32>,
    %broadcast_in_dim3A_1082 = arith.constant 0 : i32
    %broadcast_in_dim3A_1083 = vector.broadcast %broadcast_in_dim3A_1082 : i32 to vector<16xi32>
    %get3A_1084 = arith.constant 0 : i32
    %get3A_1085 = arith.index_cast %get3A_1084 : i32 to index
    %get3A_1086 = arith.constant 16 : index
    %get3A_1087 = tpu.vector_load %arg9[%get3A_1085, %get3A_1086] {strides = array<i32>} : memref<16x128xi32, #tpu.memory_space<vmem>>, vector<1x16xi32>,
    %get3A_1088 = vector.shape_cast %get3A_1087 : vector<1x16xi32> to vector<16xi32>
    %add3A_1089 = arith.addi %broadcast_in_dim3A_1083, %get3A_1088 : vector<16xi32>
    %get3A_1090 = arith.constant 2 : i32
    %get3A_1091 = arith.index_cast %get3A_1090 : i32 to index
    %get3A_1092 = arith.constant 16 : index
    %get3A_1093 = tpu.vector_load %arg9[%get3A_1091, %get3A_1092] {strides = array<i32>} : memref<16x128xi32, #tpu.memory_space<vmem>>, vector<1x16xi32>,
    %get3A_1094 = vector.shape_cast %get3A_1093 : vector<1x16xi32> to vector<16xi32>
    %add3A_1095 = arith.addi %add3A_1089, %get3A_1094 : vector<16xi32>
    %get3A_1096 = arith.constant 4 : i32
    %get3A_1097 = arith.index_cast %get3A_1096 : i32 to index
    %get3A_1098 = arith.constant 16 : index
    %get3A_1099 = tpu.vector_load %arg9[%get3A_1097, %get3A_1098] {strides = array<i32>} : memref<16x128xi32, #tpu.memory_space<vmem>>, vector<1x16xi32>,
    %get3A_1100 = vector.shape_cast %get3A_1099 : vector<1x16xi32> to vector<16xi32>
    %add3A_1101 = arith.addi %add3A_1095, %get3A_1100 : vector<16xi32>
    %get3A_1102 = arith.constant 6 : i32
    %get3A_1103 = arith.index_cast %get3A_1102 : i32 to index
    %get3A_1104 = arith.constant 16 : index
    %get3A_1105 = tpu.vector_load %arg9[%get3A_1103, %get3A_1104] {strides = array<i32>} : memref<16x128xi32, #tpu.memory_space<vmem>>, vector<1x16xi32>,
    %get3A_1106 = vector.shape_cast %get3A_1105 : vector<1x16xi32> to vector<16xi32>
    %add3A_1107 = arith.addi %add3A_1101, %get3A_1106 : vector<16xi32>
    %get3A_1108 = arith.constant 8 : i32
    %get3A_1109 = arith.index_cast %get3A_1108 : i32 to index
    %get3A_1110 = arith.constant 16 : index
    %get3A_1111 = tpu.vector_load %arg9[%get3A_1109, %get3A_1110] {strides = array<i32>} : memref<16x128xi32, #tpu.memory_space<vmem>>, vector<1x16xi32>,
    %get3A_1112 = vector.shape_cast %get3A_1111 : vector<1x16xi32> to vector<16xi32>
    %add3A_1113 = arith.addi %add3A_1107, %get3A_1112 : vector<16xi32>
    %get3A_1114 = arith.constant 10 : i32
    %get3A_1115 = arith.index_cast %get3A_1114 : i32 to index
    %get3A_1116 = arith.constant 16 : index
    %get3A_1117 = tpu.vector_load %arg9[%get3A_1115, %get3A_1116] {strides = array<i32>} : memref<16x128xi32, #tpu.memory_space<vmem>>, vector<1x16xi32>,
    %get3A_1118 = vector.shape_cast %get3A_1117 : vector<1x16xi32> to vector<16xi32>
    %add3A_1119 = arith.addi %add3A_1113, %get3A_1118 : vector<16xi32>
    %get3A_1120 = arith.constant 12 : i32
    %get3A_1121 = arith.index_cast %get3A_1120 : i32 to index
    %get3A_1122 = arith.constant 16 : index
    %get3A_1123 = tpu.vector_load %arg9[%get3A_1121, %get3A_1122] {strides = array<i32>} : memref<16x128xi32, #tpu.memory_space<vmem>>, vector<1x16xi32>,
    %get3A_1124 = vector.shape_cast %get3A_1123 : vector<1x16xi32> to vector<16xi32>
    %add3A_1125 = arith.addi %add3A_1119, %get3A_1124 : vector<16xi32>
    %get3A_1126 = arith.constant 14 : i32
    %get3A_1127 = arith.index_cast %get3A_1126 : i32 to index
    %get3A_1128 = arith.constant 16 : index
    %get3A_1129 = tpu.vector_load %arg9[%get3A_1127, %get3A_1128] {strides = array<i32>} : memref<16x128xi32, #tpu.memory_space<vmem>>, vector<1x16xi32>,
    %get3A_1130 = vector.shape_cast %get3A_1129 : vector<1x16xi32> to vector<16xi32>
    %add3A_1131 = arith.addi %add3A_1125, %get3A_1130 : vector<16xi32>
    %swap3A_1132 = arith.constant 16 : index
    %swap3A_1133 = tpu.vector_load %arg10[%swap3A_1132] {strides = array<i32>} : memref<256xi32, #tpu.memory_space<vmem>>, vector<16xi32>,
    %swap3A_1134 = vector.shape_cast %swap3A_1133 : vector<16xi32> to vector<16xi32>
    %swap3A_1135 = vector.shape_cast %add3A_1131 : vector<16xi32> to vector<16xi32>
    tpu.vector_store %arg10[%swap3A_1132], %swap3A_1135 {strides = array<i32>} : memref<256xi32, #tpu.memory_space<vmem>>, vector<16xi32>,
    %broadcast_in_dim3A_1136 = arith.constant 0 : i32
    %broadcast_in_dim3A_1137 = vector.broadcast %broadcast_in_dim3A_1136 : i32 to vector<16xi32>
    %get3A_1138 = arith.constant 0 : i32
    %get3A_1139 = arith.index_cast %get3A_1138 : i32 to index
    %get3A_1140 = arith.constant 32 : index
    %get3A_1141 = tpu.vector_load %arg9[%get3A_1139, %get3A_1140] {strides = array<i32>} : memref<16x128xi32, #tpu.memory_space<vmem>>, vector<1x16xi32>,
    %get3A_1142 = vector.shape_cast %get3A_1141 : vector<1x16xi32> to vector<16xi32>
    %add3A_1143 = arith.addi %broadcast_in_dim3A_1137, %get3A_1142 : vector<16xi32>
    %get3A_1144 = arith.constant 2 : i32
    %get3A_1145 = arith.index_cast %get3A_1144 : i32 to index
    %get3A_1146 = arith.constant 32 : index
    %get3A_1147 = tpu.vector_load %arg9[%get3A_1145, %get3A_1146] {strides = array<i32>} : memref<16x128xi32, #tpu.memory_space<vmem>>, vector<1x16xi32>,
    %get3A_1148 = vector.shape_cast %get3A_1147 : vector<1x16xi32> to vector<16xi32>
    %add3A_1149 = arith.addi %add3A_1143, %get3A_1148 : vector<16xi32>
    %get3A_1150 = arith.constant 4 : i32
    %get3A_1151 = arith.index_cast %get3A_1150 : i32 to index
    %get3A_1152 = arith.constant 32 : index
    %get3A_1153 = tpu.vector_load %arg9[%get3A_1151, %get3A_1152] {strides = array<i32>} : memref<16x128xi32, #tpu.memory_space<vmem>>, vector<1x16xi32>,
    %get3A_1154 = vector.shape_cast %get3A_1153 : vector<1x16xi32> to vector<16xi32>
    %add3A_1155 = arith.addi %add3A_1149, %get3A_1154 : vector<16xi32>
    %get3A_1156 = arith.constant 6 : i32
    %get3A_1157 = arith.index_cast %get3A_1156 : i32 to index
    %get3A_1158 = arith.constant 32 : index
    %get3A_1159 = tpu.vector_load %arg9[%get3A_1157, %get3A_1158] {strides = array<i32>} : memref<16x128xi32, #tpu.memory_space<vmem>>, vector<1x16xi32>,
    %get3A_1160 = vector.shape_cast %get3A_1159 : vector<1x16xi32> to vector<16xi32>
    %add3A_1161 = arith.addi %add3A_1155, %get3A_1160 : vector<16xi32>
    %get3A_1162 = arith.constant 8 : i32
    %get3A_1163 = arith.index_cast %get3A_1162 : i32 to index
    %get3A_1164 = arith.constant 32 : index
    %get3A_1165 = tpu.vector_load %arg9[%get3A_1163, %get3A_1164] {strides = array<i32>} : memref<16x128xi32, #tpu.memory_space<vmem>>, vector<1x16xi32>,
    %get3A_1166 = vector.shape_cast %get3A_1165 : vector<1x16xi32> to vector<16xi32>
    %add3A_1167 = arith.addi %add3A_1161, %get3A_1166 : vector<16xi32>
    %get3A_1168 = arith.constant 10 : i32
    %get3A_1169 = arith.index_cast %get3A_1168 : i32 to index
    %get3A_1170 = arith.constant 32 : index
    %get3A_1171 = tpu.vector_load %arg9[%get3A_1169, %get3A_1170] {strides = array<i32>} : memref<16x128xi32, #tpu.memory_space<vmem>>, vector<1x16xi32>,
    %get3A_1172 = vector.shape_cast %get3A_1171 : vector<1x16xi32> to vector<16xi32>
    %add3A_1173 = arith.addi %add3A_1167, %get3A_1172 : vector<16xi32>
    %get3A_1174 = arith.constant 12 : i32
    %get3A_1175 = arith.index_cast %get3A_1174 : i32 to index
    %get3A_1176 = arith.constant 32 : index
    %get3A_1177 = tpu.vector_load %arg9[%get3A_1175, %get3A_1176] {strides = array<i32>} : memref<16x128xi32, #tpu.memory_space<vmem>>, vector<1x16xi32>,
    %get3A_1178 = vector.shape_cast %get3A_1177 : vector<1x16xi32> to vector<16xi32>
    %add3A_1179 = arith.addi %add3A_1173, %get3A_1178 : vector<16xi32>
    %get3A_1180 = arith.constant 14 : i32
    %get3A_1181 = arith.index_cast %get3A_1180 : i32 to index
    %get3A_1182 = arith.constant 32 : index
    %get3A_1183 = tpu.vector_load %arg9[%get3A_1181, %get3A_1182] {strides = array<i32>} : memref<16x128xi32, #tpu.memory_space<vmem>>, vector<1x16xi32>,
    %get3A_1184 = vector.shape_cast %get3A_1183 : vector<1x16xi32> to vector<16xi32>
    %add3A_1185 = arith.addi %add3A_1179, %get3A_1184 : vector<16xi32>
    %swap3A_1186 = arith.constant 32 : index
    %swap3A_1187 = tpu.vector_load %arg10[%swap3A_1186] {strides = array<i32>} : memref<256xi32, #tpu.memory_space<vmem>>, vector<16xi32>,
    %swap3A_1188 = vector.shape_cast %swap3A_1187 : vector<16xi32> to vector<16xi32>
    %swap3A_1189 = vector.shape_cast %add3A_1185 : vector<16xi32> to vector<16xi32>
    tpu.vector_store %arg10[%swap3A_1186], %swap3A_1189 {strides = array<i32>} : memref<256xi32, #tpu.memory_space<vmem>>, vector<16xi32>,
    %broadcast_in_dim3A_1190 = arith.constant 0 : i32
    %broadcast_in_dim3A_1191 = vector.broadcast %broadcast_in_dim3A_1190 : i32 to vector<16xi32>
    %get3A_1192 = arith.constant 0 : i32
    %get3A_1193 = arith.index_cast %get3A_1192 : i32 to index
    %get3A_1194 = arith.constant 48 : index
    %get3A_1195 = tpu.vector_load %arg9[%get3A_1193, %get3A_1194] {strides = array<i32>} : memref<16x128xi32, #tpu.memory_space<vmem>>, vector<1x16xi32>,
    %get3A_1196 = vector.shape_cast %get3A_1195 : vector<1x16xi32> to vector<16xi32>
    %add3A_1197 = arith.addi %broadcast_in_dim3A_1191, %get3A_1196 : vector<16xi32>
    %get3A_1198 = arith.constant 2 : i32
    %get3A_1199 = arith.index_cast %get3A_1198 : i32 to index
    %get3A_1200 = arith.constant 48 : index
    %get3A_1201 = tpu.vector_load %arg9[%get3A_1199, %get3A_1200] {strides = array<i32>} : memref<16x128xi32, #tpu.memory_space<vmem>>, vector<1x16xi32>,
    %get3A_1202 = vector.shape_cast %get3A_1201 : vector<1x16xi32> to vector<16xi32>
    %add3A_1203 = arith.addi %add3A_1197, %get3A_1202 : vector<16xi32>
    %get3A_1204 = arith.constant 4 : i32
    %get3A_1205 = arith.index_cast %get3A_1204 : i32 to index
    %get3A_1206 = arith.constant 48 : index
    %get3A_1207 = tpu.vector_load %arg9[%get3A_1205, %get3A_1206] {strides = array<i32>} : memref<16x128xi32, #tpu.memory_space<vmem>>, vector<1x16xi32>,
    %get3A_1208 = vector.shape_cast %get3A_1207 : vector<1x16xi32> to vector<16xi32>
    %add3A_1209 = arith.addi %add3A_1203, %get3A_1208 : vector<16xi32>
    %get3A_1210 = arith.constant 6 : i32
    %get3A_1211 = arith.index_cast %get3A_1210 : i32 to index
    %get3A_1212 = arith.constant 48 : index
    %get3A_1213 = tpu.vector_load %arg9[%get3A_1211, %get3A_1212] {strides = array<i32>} : memref<16x128xi32, #tpu.memory_space<vmem>>, vector<1x16xi32>,
    %get3A_1214 = vector.shape_cast %get3A_1213 : vector<1x16xi32> to vector<16xi32>
    %add3A_1215 = arith.addi %add3A_1209, %get3A_1214 : vector<16xi32>
    %get3A_1216 = arith.constant 8 : i32
    %get3A_1217 = arith.index_cast %get3A_1216 : i32 to index
    %get3A_1218 = arith.constant 48 : index
    %get3A_1219 = tpu.vector_load %arg9[%get3A_1217, %get3A_1218] {strides = array<i32>} : memref<16x128xi32, #tpu.memory_space<vmem>>, vector<1x16xi32>,
    %get3A_1220 = vector.shape_cast %get3A_1219 : vector<1x16xi32> to vector<16xi32>
    %add3A_1221 = arith.addi %add3A_1215, %get3A_1220 : vector<16xi32>
    %get3A_1222 = arith.constant 10 : i32
    %get3A_1223 = arith.index_cast %get3A_1222 : i32 to index
    %get3A_1224 = arith.constant 48 : index
    %get3A_1225 = tpu.vector_load %arg9[%get3A_1223, %get3A_1224] {strides = array<i32>} : memref<16x128xi32, #tpu.memory_space<vmem>>, vector<1x16xi32>,
    %get3A_1226 = vector.shape_cast %get3A_1225 : vector<1x16xi32> to vector<16xi32>
    %add3A_1227 = arith.addi %add3A_1221, %get3A_1226 : vector<16xi32>
    %get3A_1228 = arith.constant 12 : i32
    %get3A_1229 = arith.index_cast %get3A_1228 : i32 to index
    %get3A_1230 = arith.constant 48 : index
    %get3A_1231 = tpu.vector_load %arg9[%get3A_1229, %get3A_1230] {strides = array<i32>} : memref<16x128xi32, #tpu.memory_space<vmem>>, vector<1x16xi32>,
    %get3A_1232 = vector.shape_cast %get3A_1231 : vector<1x16xi32> to vector<16xi32>
    %add3A_1233 = arith.addi %add3A_1227, %get3A_1232 : vector<16xi32>
    %get3A_1234 = arith.constant 14 : i32
    %get3A_1235 = arith.index_cast %get3A_1234 : i32 to index
    %get3A_1236 = arith.constant 48 : index
    %get3A_1237 = tpu.vector_load %arg9[%get3A_1235, %get3A_1236] {strides = array<i32>} : memref<16x128xi32, #tpu.memory_space<vmem>>, vector<1x16xi32>,
    %get3A_1238 = vector.shape_cast %get3A_1237 : vector<1x16xi32> to vector<16xi32>
    %add3A_1239 = arith.addi %add3A_1233, %get3A_1238 : vector<16xi32>
    %swap3A_1240 = arith.constant 48 : index
    %swap3A_1241 = tpu.vector_load %arg10[%swap3A_1240] {strides = array<i32>} : memref<256xi32, #tpu.memory_space<vmem>>, vector<16xi32>,
    %swap3A_1242 = vector.shape_cast %swap3A_1241 : vector<16xi32> to vector<16xi32>
    %swap3A_1243 = vector.shape_cast %add3A_1239 : vector<16xi32> to vector<16xi32>
    tpu.vector_store %arg10[%swap3A_1240], %swap3A_1243 {strides = array<i32>} : memref<256xi32, #tpu.memory_space<vmem>>, vector<16xi32>,
    %broadcast_in_dim3A_1244 = arith.constant 0 : i32
    %broadcast_in_dim3A_1245 = vector.broadcast %broadcast_in_dim3A_1244 : i32 to vector<16xi32>
    %get3A_1246 = arith.constant 0 : i32
    %get3A_1247 = arith.index_cast %get3A_1246 : i32 to index
    %get3A_1248 = arith.constant 64 : index
    %get3A_1249 = tpu.vector_load %arg9[%get3A_1247, %get3A_1248] {strides = array<i32>} : memref<16x128xi32, #tpu.memory_space<vmem>>, vector<1x16xi32>,
    %get3A_1250 = vector.shape_cast %get3A_1249 : vector<1x16xi32> to vector<16xi32>
    %add3A_1251 = arith.addi %broadcast_in_dim3A_1245, %get3A_1250 : vector<16xi32>
    %get3A_1252 = arith.constant 2 : i32
    %get3A_1253 = arith.index_cast %get3A_1252 : i32 to index
    %get3A_1254 = arith.constant 64 : index
    %get3A_1255 = tpu.vector_load %arg9[%get3A_1253, %get3A_1254] {strides = array<i32>} : memref<16x128xi32, #tpu.memory_space<vmem>>, vector<1x16xi32>,
    %get3A_1256 = vector.shape_cast %get3A_1255 : vector<1x16xi32> to vector<16xi32>
    %add3A_1257 = arith.addi %add3A_1251, %get3A_1256 : vector<16xi32>
    %get3A_1258 = arith.constant 4 : i32
    %get3A_1259 = arith.index_cast %get3A_1258 : i32 to index
    %get3A_1260 = arith.constant 64 : index
    %get3A_1261 = tpu.vector_load %arg9[%get3A_1259, %get3A_1260] {strides = array<i32>} : memref<16x128xi32, #tpu.memory_space<vmem>>, vector<1x16xi32>,
    %get3A_1262 = vector.shape_cast %get3A_1261 : vector<1x16xi32> to vector<16xi32>
    %add3A_1263 = arith.addi %add3A_1257, %get3A_1262 : vector<16xi32>
    %get3A_1264 = arith.constant 6 : i32
    %get3A_1265 = arith.index_cast %get3A_1264 : i32 to index
    %get3A_1266 = arith.constant 64 : index
    %get3A_1267 = tpu.vector_load %arg9[%get3A_1265, %get3A_1266] {strides = array<i32>} : memref<16x128xi32, #tpu.memory_space<vmem>>, vector<1x16xi32>,
    %get3A_1268 = vector.shape_cast %get3A_1267 : vector<1x16xi32> to vector<16xi32>
    %add3A_1269 = arith.addi %add3A_1263, %get3A_1268 : vector<16xi32>
    %get3A_1270 = arith.constant 8 : i32
    %get3A_1271 = arith.index_cast %get3A_1270 : i32 to index
    %get3A_1272 = arith.constant 64 : index
    %get3A_1273 = tpu.vector_load %arg9[%get3A_1271, %get3A_1272] {strides = array<i32>} : memref<16x128xi32, #tpu.memory_space<vmem>>, vector<1x16xi32>,
    %get3A_1274 = vector.shape_cast %get3A_1273 : vector<1x16xi32> to vector<16xi32>
    %add3A_1275 = arith.addi %add3A_1269, %get3A_1274 : vector<16xi32>
    %get3A_1276 = arith.constant 10 : i32
    %get3A_1277 = arith.index_cast %get3A_1276 : i32 to index
    %get3A_1278 = arith.constant 64 : index
    %get3A_1279 = tpu.vector_load %arg9[%get3A_1277, %get3A_1278] {strides = array<i32>} : memref<16x128xi32, #tpu.memory_space<vmem>>, vector<1x16xi32>,
    %get3A_1280 = vector.shape_cast %get3A_1279 : vector<1x16xi32> to vector<16xi32>
    %add3A_1281 = arith.addi %add3A_1275, %get3A_1280 : vector<16xi32>
    %get3A_1282 = arith.constant 12 : i32
    %get3A_1283 = arith.index_cast %get3A_1282 : i32 to index
    %get3A_1284 = arith.constant 64 : index
    %get3A_1285 = tpu.vector_load %arg9[%get3A_1283, %get3A_1284] {strides = array<i32>} : memref<16x128xi32, #tpu.memory_space<vmem>>, vector<1x16xi32>,
    %get3A_1286 = vector.shape_cast %get3A_1285 : vector<1x16xi32> to vector<16xi32>
    %add3A_1287 = arith.addi %add3A_1281, %get3A_1286 : vector<16xi32>
    %get3A_1288 = arith.constant 14 : i32
    %get3A_1289 = arith.index_cast %get3A_1288 : i32 to index
    %get3A_1290 = arith.constant 64 : index
    %get3A_1291 = tpu.vector_load %arg9[%get3A_1289, %get3A_1290] {strides = array<i32>} : memref<16x128xi32, #tpu.memory_space<vmem>>, vector<1x16xi32>,
    %get3A_1292 = vector.shape_cast %get3A_1291 : vector<1x16xi32> to vector<16xi32>
    %add3A_1293 = arith.addi %add3A_1287, %get3A_1292 : vector<16xi32>
    %swap3A_1294 = arith.constant 64 : index
    %swap3A_1295 = tpu.vector_load %arg10[%swap3A_1294] {strides = array<i32>} : memref<256xi32, #tpu.memory_space<vmem>>, vector<16xi32>,
    %swap3A_1296 = vector.shape_cast %swap3A_1295 : vector<16xi32> to vector<16xi32>
    %swap3A_1297 = vector.shape_cast %add3A_1293 : vector<16xi32> to vector<16xi32>
    tpu.vector_store %arg10[%swap3A_1294], %swap3A_1297 {strides = array<i32>} : memref<256xi32, #tpu.memory_space<vmem>>, vector<16xi32>,
    %broadcast_in_dim3A_1298 = arith.constant 0 : i32
    %broadcast_in_dim3A_1299 = vector.broadcast %broadcast_in_dim3A_1298 : i32 to vector<16xi32>
    %get3A_1300 = arith.constant 0 : i32
    %get3A_1301 = arith.index_cast %get3A_1300 : i32 to index
    %get3A_1302 = arith.constant 80 : index
    %get3A_1303 = tpu.vector_load %arg9[%get3A_1301, %get3A_1302] {strides = array<i32>} : memref<16x128xi32, #tpu.memory_space<vmem>>, vector<1x16xi32>,
    %get3A_1304 = vector.shape_cast %get3A_1303 : vector<1x16xi32> to vector<16xi32>
    %add3A_1305 = arith.addi %broadcast_in_dim3A_1299, %get3A_1304 : vector<16xi32>
    %get3A_1306 = arith.constant 2 : i32
    %get3A_1307 = arith.index_cast %get3A_1306 : i32 to index
    %get3A_1308 = arith.constant 80 : index
    %get3A_1309 = tpu.vector_load %arg9[%get3A_1307, %get3A_1308] {strides = array<i32>} : memref<16x128xi32, #tpu.memory_space<vmem>>, vector<1x16xi32>,
    %get3A_1310 = vector.shape_cast %get3A_1309 : vector<1x16xi32> to vector<16xi32>
    %add3A_1311 = arith.addi %add3A_1305, %get3A_1310 : vector<16xi32>
    %get3A_1312 = arith.constant 4 : i32
    %get3A_1313 = arith.index_cast %get3A_1312 : i32 to index
    %get3A_1314 = arith.constant 80 : index
    %get3A_1315 = tpu.vector_load %arg9[%get3A_1313, %get3A_1314] {strides = array<i32>} : memref<16x128xi32, #tpu.memory_space<vmem>>, vector<1x16xi32>,
    %get3A_1316 = vector.shape_cast %get3A_1315 : vector<1x16xi32> to vector<16xi32>
    %add3A_1317 = arith.addi %add3A_1311, %get3A_1316 : vector<16xi32>
    %get3A_1318 = arith.constant 6 : i32
    %get3A_1319 = arith.index_cast %get3A_1318 : i32 to index
    %get3A_1320 = arith.constant 80 : index
    %get3A_1321 = tpu.vector_load %arg9[%get3A_1319, %get3A_1320] {strides = array<i32>} : memref<16x128xi32, #tpu.memory_space<vmem>>, vector<1x16xi32>,
    %get3A_1322 = vector.shape_cast %get3A_1321 : vector<1x16xi32> to vector<16xi32>
    %add3A_1323 = arith.addi %add3A_1317, %get3A_1322 : vector<16xi32>
    %get3A_1324 = arith.constant 8 : i32
    %get3A_1325 = arith.index_cast %get3A_1324 : i32 to index
    %get3A_1326 = arith.constant 80 : index
    %get3A_1327 = tpu.vector_load %arg9[%get3A_1325, %get3A_1326] {strides = array<i32>} : memref<16x128xi32, #tpu.memory_space<vmem>>, vector<1x16xi32>,
    %get3A_1328 = vector.shape_cast %get3A_1327 : vector<1x16xi32> to vector<16xi32>
    %add3A_1329 = arith.addi %add3A_1323, %get3A_1328 : vector<16xi32>
    %get3A_1330 = arith.constant 10 : i32
    %get3A_1331 = arith.index_cast %get3A_1330 : i32 to index
    %get3A_1332 = arith.constant 80 : index
    %get3A_1333 = tpu.vector_load %arg9[%get3A_1331, %get3A_1332] {strides = array<i32>} : memref<16x128xi32, #tpu.memory_space<vmem>>, vector<1x16xi32>,
    %get3A_1334 = vector.shape_cast %get3A_1333 : vector<1x16xi32> to vector<16xi32>
    %add3A_1335 = arith.addi %add3A_1329, %get3A_1334 : vector<16xi32>
    %get3A_1336 = arith.constant 12 : i32
    %get3A_1337 = arith.index_cast %get3A_1336 : i32 to index
    %get3A_1338 = arith.constant 80 : index
    %get3A_1339 = tpu.vector_load %arg9[%get3A_1337, %get3A_1338] {strides = array<i32>} : memref<16x128xi32, #tpu.memory_space<vmem>>, vector<1x16xi32>,
    %get3A_1340 = vector.shape_cast %get3A_1339 : vector<1x16xi32> to vector<16xi32>
    %add3A_1341 = arith.addi %add3A_1335, %get3A_1340 : vector<16xi32>
    %get3A_1342 = arith.constant 14 : i32
    %get3A_1343 = arith.index_cast %get3A_1342 : i32 to index
    %get3A_1344 = arith.constant 80 : index
    %get3A_1345 = tpu.vector_load %arg9[%get3A_1343, %get3A_1344] {strides = array<i32>} : memref<16x128xi32, #tpu.memory_space<vmem>>, vector<1x16xi32>,
    %get3A_1346 = vector.shape_cast %get3A_1345 : vector<1x16xi32> to vector<16xi32>
    %add3A_1347 = arith.addi %add3A_1341, %get3A_1346 : vector<16xi32>
    %swap3A_1348 = arith.constant 80 : index
    %swap3A_1349 = tpu.vector_load %arg10[%swap3A_1348] {strides = array<i32>} : memref<256xi32, #tpu.memory_space<vmem>>, vector<16xi32>,
    %swap3A_1350 = vector.shape_cast %swap3A_1349 : vector<16xi32> to vector<16xi32>
    %swap3A_1351 = vector.shape_cast %add3A_1347 : vector<16xi32> to vector<16xi32>
    tpu.vector_store %arg10[%swap3A_1348], %swap3A_1351 {strides = array<i32>} : memref<256xi32, #tpu.memory_space<vmem>>, vector<16xi32>,
    %broadcast_in_dim3A_1352 = arith.constant 0 : i32
    %broadcast_in_dim3A_1353 = vector.broadcast %broadcast_in_dim3A_1352 : i32 to vector<16xi32>
    %get3A_1354 = arith.constant 0 : i32
    %get3A_1355 = arith.index_cast %get3A_1354 : i32 to index
    %get3A_1356 = arith.constant 96 : index
    %get3A_1357 = tpu.vector_load %arg9[%get3A_1355, %get3A_1356] {strides = array<i32>} : memref<16x128xi32, #tpu.memory_space<vmem>>, vector<1x16xi32>,
    %get3A_1358 = vector.shape_cast %get3A_1357 : vector<1x16xi32> to vector<16xi32>
    %add3A_1359 = arith.addi %broadcast_in_dim3A_1353, %get3A_1358 : vector<16xi32>
    %get3A_1360 = arith.constant 2 : i32
    %get3A_1361 = arith.index_cast %get3A_1360 : i32 to index
    %get3A_1362 = arith.constant 96 : index
    %get3A_1363 = tpu.vector_load %arg9[%get3A_1361, %get3A_1362] {strides = array<i32>} : memref<16x128xi32, #tpu.memory_space<vmem>>, vector<1x16xi32>,
    %get3A_1364 = vector.shape_cast %get3A_1363 : vector<1x16xi32> to vector<16xi32>
    %add3A_1365 = arith.addi %add3A_1359, %get3A_1364 : vector<16xi32>
    %get3A_1366 = arith.constant 4 : i32
    %get3A_1367 = arith.index_cast %get3A_1366 : i32 to index
    %get3A_1368 = arith.constant 96 : index
    %get3A_1369 = tpu.vector_load %arg9[%get3A_1367, %get3A_1368] {strides = array<i32>} : memref<16x128xi32, #tpu.memory_space<vmem>>, vector<1x16xi32>,
    %get3A_1370 = vector.shape_cast %get3A_1369 : vector<1x16xi32> to vector<16xi32>
    %add3A_1371 = arith.addi %add3A_1365, %get3A_1370 : vector<16xi32>
    %get3A_1372 = arith.constant 6 : i32
    %get3A_1373 = arith.index_cast %get3A_1372 : i32 to index
    %get3A_1374 = arith.constant 96 : index
    %get3A_1375 = tpu.vector_load %arg9[%get3A_1373, %get3A_1374] {strides = array<i32>} : memref<16x128xi32, #tpu.memory_space<vmem>>, vector<1x16xi32>,
    %get3A_1376 = vector.shape_cast %get3A_1375 : vector<1x16xi32> to vector<16xi32>
    %add3A_1377 = arith.addi %add3A_1371, %get3A_1376 : vector<16xi32>
    %get3A_1378 = arith.constant 8 : i32
    %get3A_1379 = arith.index_cast %get3A_1378 : i32 to index
    %get3A_1380 = arith.constant 96 : index
    %get3A_1381 = tpu.vector_load %arg9[%get3A_1379, %get3A_1380] {strides = array<i32>} : memref<16x128xi32, #tpu.memory_space<vmem>>, vector<1x16xi32>,
    %get3A_1382 = vector.shape_cast %get3A_1381 : vector<1x16xi32> to vector<16xi32>
    %add3A_1383 = arith.addi %add3A_1377, %get3A_1382 : vector<16xi32>
    %get3A_1384 = arith.constant 10 : i32
    %get3A_1385 = arith.index_cast %get3A_1384 : i32 to index
    %get3A_1386 = arith.constant 96 : index
    %get3A_1387 = tpu.vector_load %arg9[%get3A_1385, %get3A_1386] {strides = array<i32>} : memref<16x128xi32, #tpu.memory_space<vmem>>, vector<1x16xi32>,
    %get3A_1388 = vector.shape_cast %get3A_1387 : vector<1x16xi32> to vector<16xi32>
    %add3A_1389 = arith.addi %add3A_1383, %get3A_1388 : vector<16xi32>
    %get3A_1390 = arith.constant 12 : i32
    %get3A_1391 = arith.index_cast %get3A_1390 : i32 to index
    %get3A_1392 = arith.constant 96 : index
    %get3A_1393 = tpu.vector_load %arg9[%get3A_1391, %get3A_1392] {strides = array<i32>} : memref<16x128xi32, #tpu.memory_space<vmem>>, vector<1x16xi32>,
    %get3A_1394 = vector.shape_cast %get3A_1393 : vector<1x16xi32> to vector<16xi32>
    %add3A_1395 = arith.addi %add3A_1389, %get3A_1394 : vector<16xi32>
    %get3A_1396 = arith.constant 14 : i32
    %get3A_1397 = arith.index_cast %get3A_1396 : i32 to index
    %get3A_1398 = arith.constant 96 : index
    %get3A_1399 = tpu.vector_load %arg9[%get3A_1397, %get3A_1398] {strides = array<i32>} : memref<16x128xi32, #tpu.memory_space<vmem>>, vector<1x16xi32>,
    %get3A_1400 = vector.shape_cast %get3A_1399 : vector<1x16xi32> to vector<16xi32>
    %add3A_1401 = arith.addi %add3A_1395, %get3A_1400 : vector<16xi32>
    %swap3A_1402 = arith.constant 96 : index
    %swap3A_1403 = tpu.vector_load %arg10[%swap3A_1402] {strides = array<i32>} : memref<256xi32, #tpu.memory_space<vmem>>, vector<16xi32>,
    %swap3A_1404 = vector.shape_cast %swap3A_1403 : vector<16xi32> to vector<16xi32>
    %swap3A_1405 = vector.shape_cast %add3A_1401 : vector<16xi32> to vector<16xi32>
    tpu.vector_store %arg10[%swap3A_1402], %swap3A_1405 {strides = array<i32>} : memref<256xi32, #tpu.memory_space<vmem>>, vector<16xi32>,
    %broadcast_in_dim3A_1406 = arith.constant 0 : i32
    %broadcast_in_dim3A_1407 = vector.broadcast %broadcast_in_dim3A_1406 : i32 to vector<16xi32>
    %get3A_1408 = arith.constant 0 : i32
    %get3A_1409 = arith.index_cast %get3A_1408 : i32 to index
    %get3A_1410 = arith.constant 112 : index
    %get3A_1411 = tpu.vector_load %arg9[%get3A_1409, %get3A_1410] {strides = array<i32>} : memref<16x128xi32, #tpu.memory_space<vmem>>, vector<1x16xi32>,
    %get3A_1412 = vector.shape_cast %get3A_1411 : vector<1x16xi32> to vector<16xi32>
    %add3A_1413 = arith.addi %broadcast_in_dim3A_1407, %get3A_1412 : vector<16xi32>
    %get3A_1414 = arith.constant 2 : i32
    %get3A_1415 = arith.index_cast %get3A_1414 : i32 to index
    %get3A_1416 = arith.constant 112 : index
    %get3A_1417 = tpu.vector_load %arg9[%get3A_1415, %get3A_1416] {strides = array<i32>} : memref<16x128xi32, #tpu.memory_space<vmem>>, vector<1x16xi32>,
    %get3A_1418 = vector.shape_cast %get3A_1417 : vector<1x16xi32> to vector<16xi32>
    %add3A_1419 = arith.addi %add3A_1413, %get3A_1418 : vector<16xi32>
    %get3A_1420 = arith.constant 4 : i32
    %get3A_1421 = arith.index_cast %get3A_1420 : i32 to index
    %get3A_1422 = arith.constant 112 : index
    %get3A_1423 = tpu.vector_load %arg9[%get3A_1421, %get3A_1422] {strides = array<i32>} : memref<16x128xi32, #tpu.memory_space<vmem>>, vector<1x16xi32>,
    %get3A_1424 = vector.shape_cast %get3A_1423 : vector<1x16xi32> to vector<16xi32>
    %add3A_1425 = arith.addi %add3A_1419, %get3A_1424 : vector<16xi32>
    %get3A_1426 = arith.constant 6 : i32
    %get3A_1427 = arith.index_cast %get3A_1426 : i32 to index
    %get3A_1428 = arith.constant 112 : index
    %get3A_1429 = tpu.vector_load %arg9[%get3A_1427, %get3A_1428] {strides = array<i32>} : memref<16x128xi32, #tpu.memory_space<vmem>>, vector<1x16xi32>,
    %get3A_1430 = vector.shape_cast %get3A_1429 : vector<1x16xi32> to vector<16xi32>
    %add3A_1431 = arith.addi %add3A_1425, %get3A_1430 : vector<16xi32>
    %get3A_1432 = arith.constant 8 : i32
    %get3A_1433 = arith.index_cast %get3A_1432 : i32 to index
    %get3A_1434 = arith.constant 112 : index
    %get3A_1435 = tpu.vector_load %arg9[%get3A_1433, %get3A_1434] {strides = array<i32>} : memref<16x128xi32, #tpu.memory_space<vmem>>, vector<1x16xi32>,
    %get3A_1436 = vector.shape_cast %get3A_1435 : vector<1x16xi32> to vector<16xi32>
    %add3A_1437 = arith.addi %add3A_1431, %get3A_1436 : vector<16xi32>
    %get3A_1438 = arith.constant 10 : i32
    %get3A_1439 = arith.index_cast %get3A_1438 : i32 to index
    %get3A_1440 = arith.constant 112 : index
    %get3A_1441 = tpu.vector_load %arg9[%get3A_1439, %get3A_1440] {strides = array<i32>} : memref<16x128xi32, #tpu.memory_space<vmem>>, vector<1x16xi32>,
    %get3A_1442 = vector.shape_cast %get3A_1441 : vector<1x16xi32> to vector<16xi32>
    %add3A_1443 = arith.addi %add3A_1437, %get3A_1442 : vector<16xi32>
    %get3A_1444 = arith.constant 12 : i32
    %get3A_1445 = arith.index_cast %get3A_1444 : i32 to index
    %get3A_1446 = arith.constant 112 : index
    %get3A_1447 = tpu.vector_load %arg9[%get3A_1445, %get3A_1446] {strides = array<i32>} : memref<16x128xi32, #tpu.memory_space<vmem>>, vector<1x16xi32>,
    %get3A_1448 = vector.shape_cast %get3A_1447 : vector<1x16xi32> to vector<16xi32>
    %add3A_1449 = arith.addi %add3A_1443, %get3A_1448 : vector<16xi32>
    %get3A_1450 = arith.constant 14 : i32
    %get3A_1451 = arith.index_cast %get3A_1450 : i32 to index
    %get3A_1452 = arith.constant 112 : index
    %get3A_1453 = tpu.vector_load %arg9[%get3A_1451, %get3A_1452] {strides = array<i32>} : memref<16x128xi32, #tpu.memory_space<vmem>>, vector<1x16xi32>,
    %get3A_1454 = vector.shape_cast %get3A_1453 : vector<1x16xi32> to vector<16xi32>
    %add3A_1455 = arith.addi %add3A_1449, %get3A_1454 : vector<16xi32>
    %swap3A_1456 = arith.constant 112 : index
    %swap3A_1457 = tpu.vector_load %arg10[%swap3A_1456] {strides = array<i32>} : memref<256xi32, #tpu.memory_space<vmem>>, vector<16xi32>,
    %swap3A_1458 = vector.shape_cast %swap3A_1457 : vector<16xi32> to vector<16xi32>
    %swap3A_1459 = vector.shape_cast %add3A_1455 : vector<16xi32> to vector<16xi32>
    tpu.vector_store %arg10[%swap3A_1456], %swap3A_1459 {strides = array<i32>} : memref<256xi32, #tpu.memory_space<vmem>>, vector<16xi32>,
    %broadcast_in_dim3A_1460 = arith.constant 0 : i32
    %broadcast_in_dim3A_1461 = vector.broadcast %broadcast_in_dim3A_1460 : i32 to vector<16xi32>
    %get3A_1462 = arith.constant 1 : i32
    %get3A_1463 = arith.index_cast %get3A_1462 : i32 to index
    %get3A_1464 = arith.constant 0 : index
    %get3A_1465 = tpu.vector_load %arg9[%get3A_1463, %get3A_1464] {strides = array<i32>} : memref<16x128xi32, #tpu.memory_space<vmem>>, vector<1x16xi32>,
    %get3A_1466 = vector.shape_cast %get3A_1465 : vector<1x16xi32> to vector<16xi32>
    %add3A_1467 = arith.addi %broadcast_in_dim3A_1461, %get3A_1466 : vector<16xi32>
    %get3A_1468 = arith.constant 3 : i32
    %get3A_1469 = arith.index_cast %get3A_1468 : i32 to index
    %get3A_1470 = arith.constant 0 : index
    %get3A_1471 = tpu.vector_load %arg9[%get3A_1469, %get3A_1470] {strides = array<i32>} : memref<16x128xi32, #tpu.memory_space<vmem>>, vector<1x16xi32>,
    %get3A_1472 = vector.shape_cast %get3A_1471 : vector<1x16xi32> to vector<16xi32>
    %add3A_1473 = arith.addi %add3A_1467, %get3A_1472 : vector<16xi32>
    %get3A_1474 = arith.constant 5 : i32
    %get3A_1475 = arith.index_cast %get3A_1474 : i32 to index
    %get3A_1476 = arith.constant 0 : index
    %get3A_1477 = tpu.vector_load %arg9[%get3A_1475, %get3A_1476] {strides = array<i32>} : memref<16x128xi32, #tpu.memory_space<vmem>>, vector<1x16xi32>,
    %get3A_1478 = vector.shape_cast %get3A_1477 : vector<1x16xi32> to vector<16xi32>
    %add3A_1479 = arith.addi %add3A_1473, %get3A_1478 : vector<16xi32>
    %get3A_1480 = arith.constant 7 : i32
    %get3A_1481 = arith.index_cast %get3A_1480 : i32 to index
    %get3A_1482 = arith.constant 0 : index
    %get3A_1483 = tpu.vector_load %arg9[%get3A_1481, %get3A_1482] {strides = array<i32>} : memref<16x128xi32, #tpu.memory_space<vmem>>, vector<1x16xi32>,
    %get3A_1484 = vector.shape_cast %get3A_1483 : vector<1x16xi32> to vector<16xi32>
    %add3A_1485 = arith.addi %add3A_1479, %get3A_1484 : vector<16xi32>
    %get3A_1486 = arith.constant 9 : i32
    %get3A_1487 = arith.index_cast %get3A_1486 : i32 to index
    %get3A_1488 = arith.constant 0 : index
    %get3A_1489 = tpu.vector_load %arg9[%get3A_1487, %get3A_1488] {strides = array<i32>} : memref<16x128xi32, #tpu.memory_space<vmem>>, vector<1x16xi32>,
    %get3A_1490 = vector.shape_cast %get3A_1489 : vector<1x16xi32> to vector<16xi32>
    %add3A_1491 = arith.addi %add3A_1485, %get3A_1490 : vector<16xi32>
    %get3A_1492 = arith.constant 11 : i32
    %get3A_1493 = arith.index_cast %get3A_1492 : i32 to index
    %get3A_1494 = arith.constant 0 : index
    %get3A_1495 = tpu.vector_load %arg9[%get3A_1493, %get3A_1494] {strides = array<i32>} : memref<16x128xi32, #tpu.memory_space<vmem>>, vector<1x16xi32>,
    %get3A_1496 = vector.shape_cast %get3A_1495 : vector<1x16xi32> to vector<16xi32>
    %add3A_1497 = arith.addi %add3A_1491, %get3A_1496 : vector<16xi32>
    %get3A_1498 = arith.constant 13 : i32
    %get3A_1499 = arith.index_cast %get3A_1498 : i32 to index
    %get3A_1500 = arith.constant 0 : index
    %get3A_1501 = tpu.vector_load %arg9[%get3A_1499, %get3A_1500] {strides = array<i32>} : memref<16x128xi32, #tpu.memory_space<vmem>>, vector<1x16xi32>,
    %get3A_1502 = vector.shape_cast %get3A_1501 : vector<1x16xi32> to vector<16xi32>
    %add3A_1503 = arith.addi %add3A_1497, %get3A_1502 : vector<16xi32>
    %get3A_1504 = arith.constant 15 : i32
    %get3A_1505 = arith.index_cast %get3A_1504 : i32 to index
    %get3A_1506 = arith.constant 0 : index
    %get3A_1507 = tpu.vector_load %arg9[%get3A_1505, %get3A_1506] {strides = array<i32>} : memref<16x128xi32, #tpu.memory_space<vmem>>, vector<1x16xi32>,
    %get3A_1508 = vector.shape_cast %get3A_1507 : vector<1x16xi32> to vector<16xi32>
    %add3A_1509 = arith.addi %add3A_1503, %get3A_1508 : vector<16xi32>
    %swap3A_1510 = arith.constant 128 : index
    %swap3A_1511 = tpu.vector_load %arg10[%swap3A_1510] {strides = array<i32>} : memref<256xi32, #tpu.memory_space<vmem>>, vector<16xi32>,
    %swap3A_1512 = vector.shape_cast %swap3A_1511 : vector<16xi32> to vector<16xi32>
    %swap3A_1513 = vector.shape_cast %add3A_1509 : vector<16xi32> to vector<16xi32>
    tpu.vector_store %arg10[%swap3A_1510], %swap3A_1513 {strides = array<i32>} : memref<256xi32, #tpu.memory_space<vmem>>, vector<16xi32>,
    %broadcast_in_dim3A_1514 = arith.constant 0 : i32
    %broadcast_in_dim3A_1515 = vector.broadcast %broadcast_in_dim3A_1514 : i32 to vector<16xi32>
    %get3A_1516 = arith.constant 1 : i32
    %get3A_1517 = arith.index_cast %get3A_1516 : i32 to index
    %get3A_1518 = arith.constant 16 : index
    %get3A_1519 = tpu.vector_load %arg9[%get3A_1517, %get3A_1518] {strides = array<i32>} : memref<16x128xi32, #tpu.memory_space<vmem>>, vector<1x16xi32>,
    %get3A_1520 = vector.shape_cast %get3A_1519 : vector<1x16xi32> to vector<16xi32>
    %add3A_1521 = arith.addi %broadcast_in_dim3A_1515, %get3A_1520 : vector<16xi32>
    %get3A_1522 = arith.constant 3 : i32
    %get3A_1523 = arith.index_cast %get3A_1522 : i32 to index
    %get3A_1524 = arith.constant 16 : index
    %get3A_1525 = tpu.vector_load %arg9[%get3A_1523, %get3A_1524] {strides = array<i32>} : memref<16x128xi32, #tpu.memory_space<vmem>>, vector<1x16xi32>,
    %get3A_1526 = vector.shape_cast %get3A_1525 : vector<1x16xi32> to vector<16xi32>
    %add3A_1527 = arith.addi %add3A_1521, %get3A_1526 : vector<16xi32>
    %get3A_1528 = arith.constant 5 : i32
    %get3A_1529 = arith.index_cast %get3A_1528 : i32 to index
    %get3A_1530 = arith.constant 16 : index
    %get3A_1531 = tpu.vector_load %arg9[%get3A_1529, %get3A_1530] {strides = array<i32>} : memref<16x128xi32, #tpu.memory_space<vmem>>, vector<1x16xi32>,
    %get3A_1532 = vector.shape_cast %get3A_1531 : vector<1x16xi32> to vector<16xi32>
    %add3A_1533 = arith.addi %add3A_1527, %get3A_1532 : vector<16xi32>
    %get3A_1534 = arith.constant 7 : i32
    %get3A_1535 = arith.index_cast %get3A_1534 : i32 to index
    %get3A_1536 = arith.constant 16 : index
    %get3A_1537 = tpu.vector_load %arg9[%get3A_1535, %get3A_1536] {strides = array<i32>} : memref<16x128xi32, #tpu.memory_space<vmem>>, vector<1x16xi32>,
    %get3A_1538 = vector.shape_cast %get3A_1537 : vector<1x16xi32> to vector<16xi32>
    %add3A_1539 = arith.addi %add3A_1533, %get3A_1538 : vector<16xi32>
    %get3A_1540 = arith.constant 9 : i32
    %get3A_1541 = arith.index_cast %get3A_1540 : i32 to index
    %get3A_1542 = arith.constant 16 : index
    %get3A_1543 = tpu.vector_load %arg9[%get3A_1541, %get3A_1542] {strides = array<i32>} : memref<16x128xi32, #tpu.memory_space<vmem>>, vector<1x16xi32>,
    %get3A_1544 = vector.shape_cast %get3A_1543 : vector<1x16xi32> to vector<16xi32>
    %add3A_1545 = arith.addi %add3A_1539, %get3A_1544 : vector<16xi32>
    %get3A_1546 = arith.constant 11 : i32
    %get3A_1547 = arith.index_cast %get3A_1546 : i32 to index
    %get3A_1548 = arith.constant 16 : index
    %get3A_1549 = tpu.vector_load %arg9[%get3A_1547, %get3A_1548] {strides = array<i32>} : memref<16x128xi32, #tpu.memory_space<vmem>>, vector<1x16xi32>,
    %get3A_1550 = vector.shape_cast %get3A_1549 : vector<1x16xi32> to vector<16xi32>
    %add3A_1551 = arith.addi %add3A_1545, %get3A_1550 : vector<16xi32>
    %get3A_1552 = arith.constant 13 : i32
    %get3A_1553 = arith.index_cast %get3A_1552 : i32 to index
    %get3A_1554 = arith.constant 16 : index
    %get3A_1555 = tpu.vector_load %arg9[%get3A_1553, %get3A_1554] {strides = array<i32>} : memref<16x128xi32, #tpu.memory_space<vmem>>, vector<1x16xi32>,
    %get3A_1556 = vector.shape_cast %get3A_1555 : vector<1x16xi32> to vector<16xi32>
    %add3A_1557 = arith.addi %add3A_1551, %get3A_1556 : vector<16xi32>
    %get3A_1558 = arith.constant 15 : i32
    %get3A_1559 = arith.index_cast %get3A_1558 : i32 to index
    %get3A_1560 = arith.constant 16 : index
    %get3A_1561 = tpu.vector_load %arg9[%get3A_1559, %get3A_1560] {strides = array<i32>} : memref<16x128xi32, #tpu.memory_space<vmem>>, vector<1x16xi32>,
    %get3A_1562 = vector.shape_cast %get3A_1561 : vector<1x16xi32> to vector<16xi32>
    %add3A_1563 = arith.addi %add3A_1557, %get3A_1562 : vector<16xi32>
    %swap3A_1564 = arith.constant 144 : index
    %swap3A_1565 = tpu.vector_load %arg10[%swap3A_1564] {strides = array<i32>} : memref<256xi32, #tpu.memory_space<vmem>>, vector<16xi32>,
    %swap3A_1566 = vector.shape_cast %swap3A_1565 : vector<16xi32> to vector<16xi32>
    %swap3A_1567 = vector.shape_cast %add3A_1563 : vector<16xi32> to vector<16xi32>
    tpu.vector_store %arg10[%swap3A_1564], %swap3A_1567 {strides = array<i32>} : memref<256xi32, #tpu.memory_space<vmem>>, vector<16xi32>,
    %broadcast_in_dim3A_1568 = arith.constant 0 : i32
    %broadcast_in_dim3A_1569 = vector.broadcast %broadcast_in_dim3A_1568 : i32 to vector<16xi32>
    %get3A_1570 = arith.constant 1 : i32
    %get3A_1571 = arith.index_cast %get3A_1570 : i32 to index
    %get3A_1572 = arith.constant 32 : index
    %get3A_1573 = tpu.vector_load %arg9[%get3A_1571, %get3A_1572] {strides = array<i32>} : memref<16x128xi32, #tpu.memory_space<vmem>>, vector<1x16xi32>,
    %get3A_1574 = vector.shape_cast %get3A_1573 : vector<1x16xi32> to vector<16xi32>
    %add3A_1575 = arith.addi %broadcast_in_dim3A_1569, %get3A_1574 : vector<16xi32>
    %get3A_1576 = arith.constant 3 : i32
    %get3A_1577 = arith.index_cast %get3A_1576 : i32 to index
    %get3A_1578 = arith.constant 32 : index
    %get3A_1579 = tpu.vector_load %arg9[%get3A_1577, %get3A_1578] {strides = array<i32>} : memref<16x128xi32, #tpu.memory_space<vmem>>, vector<1x16xi32>,
    %get3A_1580 = vector.shape_cast %get3A_1579 : vector<1x16xi32> to vector<16xi32>
    %add3A_1581 = arith.addi %add3A_1575, %get3A_1580 : vector<16xi32>
    %get3A_1582 = arith.constant 5 : i32
    %get3A_1583 = arith.index_cast %get3A_1582 : i32 to index
    %get3A_1584 = arith.constant 32 : index
    %get3A_1585 = tpu.vector_load %arg9[%get3A_1583, %get3A_1584] {strides = array<i32>} : memref<16x128xi32, #tpu.memory_space<vmem>>, vector<1x16xi32>,
    %get3A_1586 = vector.shape_cast %get3A_1585 : vector<1x16xi32> to vector<16xi32>
    %add3A_1587 = arith.addi %add3A_1581, %get3A_1586 : vector<16xi32>
    %get3A_1588 = arith.constant 7 : i32
    %get3A_1589 = arith.index_cast %get3A_1588 : i32 to index
    %get3A_1590 = arith.constant 32 : index
    %get3A_1591 = tpu.vector_load %arg9[%get3A_1589, %get3A_1590] {strides = array<i32>} : memref<16x128xi32, #tpu.memory_space<vmem>>, vector<1x16xi32>,
    %get3A_1592 = vector.shape_cast %get3A_1591 : vector<1x16xi32> to vector<16xi32>
    %add3A_1593 = arith.addi %add3A_1587, %get3A_1592 : vector<16xi32>
    %get3A_1594 = arith.constant 9 : i32
    %get3A_1595 = arith.index_cast %get3A_1594 : i32 to index
    %get3A_1596 = arith.constant 32 : index
    %get3A_1597 = tpu.vector_load %arg9[%get3A_1595, %get3A_1596] {strides = array<i32>} : memref<16x128xi32, #tpu.memory_space<vmem>>, vector<1x16xi32>,
    %get3A_1598 = vector.shape_cast %get3A_1597 : vector<1x16xi32> to vector<16xi32>
    %add3A_1599 = arith.addi %add3A_1593, %get3A_1598 : vector<16xi32>
    %get3A_1600 = arith.constant 11 : i32
    %get3A_1601 = arith.index_cast %get3A_1600 : i32 to index
    %get3A_1602 = arith.constant 32 : index
    %get3A_1603 = tpu.vector_load %arg9[%get3A_1601, %get3A_1602] {strides = array<i32>} : memref<16x128xi32, #tpu.memory_space<vmem>>, vector<1x16xi32>,
    %get3A_1604 = vector.shape_cast %get3A_1603 : vector<1x16xi32> to vector<16xi32>
    %add3A_1605 = arith.addi %add3A_1599, %get3A_1604 : vector<16xi32>
    %get3A_1606 = arith.constant 13 : i32
    %get3A_1607 = arith.index_cast %get3A_1606 : i32 to index
    %get3A_1608 = arith.constant 32 : index
    %get3A_1609 = tpu.vector_load %arg9[%get3A_1607, %get3A_1608] {strides = array<i32>} : memref<16x128xi32, #tpu.memory_space<vmem>>, vector<1x16xi32>,
    %get3A_1610 = vector.shape_cast %get3A_1609 : vector<1x16xi32> to vector<16xi32>
    %add3A_1611 = arith.addi %add3A_1605, %get3A_1610 : vector<16xi32>
    %get3A_1612 = arith.constant 15 : i32
    %get3A_1613 = arith.index_cast %get3A_1612 : i32 to index
    %get3A_1614 = arith.constant 32 : index
    %get3A_1615 = tpu.vector_load %arg9[%get3A_1613, %get3A_1614] {strides = array<i32>} : memref<16x128xi32, #tpu.memory_space<vmem>>, vector<1x16xi32>,
    %get3A_1616 = vector.shape_cast %get3A_1615 : vector<1x16xi32> to vector<16xi32>
    %add3A_1617 = arith.addi %add3A_1611, %get3A_1616 : vector<16xi32>
    %swap3A_1618 = arith.constant 160 : index
    %swap3A_1619 = tpu.vector_load %arg10[%swap3A_1618] {strides = array<i32>} : memref<256xi32, #tpu.memory_space<vmem>>, vector<16xi32>,
    %swap3A_1620 = vector.shape_cast %swap3A_1619 : vector<16xi32> to vector<16xi32>
    %swap3A_1621 = vector.shape_cast %add3A_1617 : vector<16xi32> to vector<16xi32>
    tpu.vector_store %arg10[%swap3A_1618], %swap3A_1621 {strides = array<i32>} : memref<256xi32, #tpu.memory_space<vmem>>, vector<16xi32>,
    %broadcast_in_dim3A_1622 = arith.constant 0 : i32
    %broadcast_in_dim3A_1623 = vector.broadcast %broadcast_in_dim3A_1622 : i32 to vector<16xi32>
    %get3A_1624 = arith.constant 1 : i32
    %get3A_1625 = arith.index_cast %get3A_1624 : i32 to index
    %get3A_1626 = arith.constant 48 : index
    %get3A_1627 = tpu.vector_load %arg9[%get3A_1625, %get3A_1626] {strides = array<i32>} : memref<16x128xi32, #tpu.memory_space<vmem>>, vector<1x16xi32>,
    %get3A_1628 = vector.shape_cast %get3A_1627 : vector<1x16xi32> to vector<16xi32>
    %add3A_1629 = arith.addi %broadcast_in_dim3A_1623, %get3A_1628 : vector<16xi32>
    %get3A_1630 = arith.constant 3 : i32
    %get3A_1631 = arith.index_cast %get3A_1630 : i32 to index
    %get3A_1632 = arith.constant 48 : index
    %get3A_1633 = tpu.vector_load %arg9[%get3A_1631, %get3A_1632] {strides = array<i32>} : memref<16x128xi32, #tpu.memory_space<vmem>>, vector<1x16xi32>,
    %get3A_1634 = vector.shape_cast %get3A_1633 : vector<1x16xi32> to vector<16xi32>
    %add3A_1635 = arith.addi %add3A_1629, %get3A_1634 : vector<16xi32>
    %get3A_1636 = arith.constant 5 : i32
    %get3A_1637 = arith.index_cast %get3A_1636 : i32 to index
    %get3A_1638 = arith.constant 48 : index
    %get3A_1639 = tpu.vector_load %arg9[%get3A_1637, %get3A_1638] {strides = array<i32>} : memref<16x128xi32, #tpu.memory_space<vmem>>, vector<1x16xi32>,
    %get3A_1640 = vector.shape_cast %get3A_1639 : vector<1x16xi32> to vector<16xi32>
    %add3A_1641 = arith.addi %add3A_1635, %get3A_1640 : vector<16xi32>
    %get3A_1642 = arith.constant 7 : i32
    %get3A_1643 = arith.index_cast %get3A_1642 : i32 to index
    %get3A_1644 = arith.constant 48 : index
    %get3A_1645 = tpu.vector_load %arg9[%get3A_1643, %get3A_1644] {strides = array<i32>} : memref<16x128xi32, #tpu.memory_space<vmem>>, vector<1x16xi32>,
    %get3A_1646 = vector.shape_cast %get3A_1645 : vector<1x16xi32> to vector<16xi32>
    %add3A_1647 = arith.addi %add3A_1641, %get3A_1646 : vector<16xi32>
    %get3A_1648 = arith.constant 9 : i32
    %get3A_1649 = arith.index_cast %get3A_1648 : i32 to index
    %get3A_1650 = arith.constant 48 : index
    %get3A_1651 = tpu.vector_load %arg9[%get3A_1649, %get3A_1650] {strides = array<i32>} : memref<16x128xi32, #tpu.memory_space<vmem>>, vector<1x16xi32>,
    %get3A_1652 = vector.shape_cast %get3A_1651 : vector<1x16xi32> to vector<16xi32>
    %add3A_1653 = arith.addi %add3A_1647, %get3A_1652 : vector<16xi32>
    %get3A_1654 = arith.constant 11 : i32
    %get3A_1655 = arith.index_cast %get3A_1654 : i32 to index
    %get3A_1656 = arith.constant 48 : index
    %get3A_1657 = tpu.vector_load %arg9[%get3A_1655, %get3A_1656] {strides = array<i32>} : memref<16x128xi32, #tpu.memory_space<vmem>>, vector<1x16xi32>,
    %get3A_1658 = vector.shape_cast %get3A_1657 : vector<1x16xi32> to vector<16xi32>
    %add3A_1659 = arith.addi %add3A_1653, %get3A_1658 : vector<16xi32>
    %get3A_1660 = arith.constant 13 : i32
    %get3A_1661 = arith.index_cast %get3A_1660 : i32 to index
    %get3A_1662 = arith.constant 48 : index
    %get3A_1663 = tpu.vector_load %arg9[%get3A_1661, %get3A_1662] {strides = array<i32>} : memref<16x128xi32, #tpu.memory_space<vmem>>, vector<1x16xi32>,
    %get3A_1664 = vector.shape_cast %get3A_1663 : vector<1x16xi32> to vector<16xi32>
    %add3A_1665 = arith.addi %add3A_1659, %get3A_1664 : vector<16xi32>
    %get3A_1666 = arith.constant 15 : i32
    %get3A_1667 = arith.index_cast %get3A_1666 : i32 to index
    %get3A_1668 = arith.constant 48 : index
    %get3A_1669 = tpu.vector_load %arg9[%get3A_1667, %get3A_1668] {strides = array<i32>} : memref<16x128xi32, #tpu.memory_space<vmem>>, vector<1x16xi32>,
    %get3A_1670 = vector.shape_cast %get3A_1669 : vector<1x16xi32> to vector<16xi32>
    %add3A_1671 = arith.addi %add3A_1665, %get3A_1670 : vector<16xi32>
    %swap3A_1672 = arith.constant 176 : index
    %swap3A_1673 = tpu.vector_load %arg10[%swap3A_1672] {strides = array<i32>} : memref<256xi32, #tpu.memory_space<vmem>>, vector<16xi32>,
    %swap3A_1674 = vector.shape_cast %swap3A_1673 : vector<16xi32> to vector<16xi32>
    %swap3A_1675 = vector.shape_cast %add3A_1671 : vector<16xi32> to vector<16xi32>
    tpu.vector_store %arg10[%swap3A_1672], %swap3A_1675 {strides = array<i32>} : memref<256xi32, #tpu.memory_space<vmem>>, vector<16xi32>,
    %broadcast_in_dim3A_1676 = arith.constant 0 : i32
    %broadcast_in_dim3A_1677 = vector.broadcast %broadcast_in_dim3A_1676 : i32 to vector<16xi32>
    %get3A_1678 = arith.constant 1 : i32
    %get3A_1679 = arith.index_cast %get3A_1678 : i32 to index
    %get3A_1680 = arith.constant 64 : index
    %get3A_1681 = tpu.vector_load %arg9[%get3A_1679, %get3A_1680] {strides = array<i32>} : memref<16x128xi32, #tpu.memory_space<vmem>>, vector<1x16xi32>,
    %get3A_1682 = vector.shape_cast %get3A_1681 : vector<1x16xi32> to vector<16xi32>
    %add3A_1683 = arith.addi %broadcast_in_dim3A_1677, %get3A_1682 : vector<16xi32>
    %get3A_1684 = arith.constant 3 : i32
    %get3A_1685 = arith.index_cast %get3A_1684 : i32 to index
    %get3A_1686 = arith.constant 64 : index
    %get3A_1687 = tpu.vector_load %arg9[%get3A_1685, %get3A_1686] {strides = array<i32>} : memref<16x128xi32, #tpu.memory_space<vmem>>, vector<1x16xi32>,
    %get3A_1688 = vector.shape_cast %get3A_1687 : vector<1x16xi32> to vector<16xi32>
    %add3A_1689 = arith.addi %add3A_1683, %get3A_1688 : vector<16xi32>
    %get3A_1690 = arith.constant 5 : i32
    %get3A_1691 = arith.index_cast %get3A_1690 : i32 to index
    %get3A_1692 = arith.constant 64 : index
    %get3A_1693 = tpu.vector_load %arg9[%get3A_1691, %get3A_1692] {strides = array<i32>} : memref<16x128xi32, #tpu.memory_space<vmem>>, vector<1x16xi32>,
    %get3A_1694 = vector.shape_cast %get3A_1693 : vector<1x16xi32> to vector<16xi32>
    %add3A_1695 = arith.addi %add3A_1689, %get3A_1694 : vector<16xi32>
    %get3A_1696 = arith.constant 7 : i32
    %get3A_1697 = arith.index_cast %get3A_1696 : i32 to index
    %get3A_1698 = arith.constant 64 : index
    %get3A_1699 = tpu.vector_load %arg9[%get3A_1697, %get3A_1698] {strides = array<i32>} : memref<16x128xi32, #tpu.memory_space<vmem>>, vector<1x16xi32>,
    %get3A_1700 = vector.shape_cast %get3A_1699 : vector<1x16xi32> to vector<16xi32>
    %add3A_1701 = arith.addi %add3A_1695, %get3A_1700 : vector<16xi32>
    %get3A_1702 = arith.constant 9 : i32
    %get3A_1703 = arith.index_cast %get3A_1702 : i32 to index
    %get3A_1704 = arith.constant 64 : index
    %get3A_1705 = tpu.vector_load %arg9[%get3A_1703, %get3A_1704] {strides = array<i32>} : memref<16x128xi32, #tpu.memory_space<vmem>>, vector<1x16xi32>,
    %get3A_1706 = vector.shape_cast %get3A_1705 : vector<1x16xi32> to vector<16xi32>
    %add3A_1707 = arith.addi %add3A_1701, %get3A_1706 : vector<16xi32>
    %get3A_1708 = arith.constant 11 : i32
    %get3A_1709 = arith.index_cast %get3A_1708 : i32 to index
    %get3A_1710 = arith.constant 64 : index
    %get3A_1711 = tpu.vector_load %arg9[%get3A_1709, %get3A_1710] {strides = array<i32>} : memref<16x128xi32, #tpu.memory_space<vmem>>, vector<1x16xi32>,
    %get3A_1712 = vector.shape_cast %get3A_1711 : vector<1x16xi32> to vector<16xi32>
    %add3A_1713 = arith.addi %add3A_1707, %get3A_1712 : vector<16xi32>
    %get3A_1714 = arith.constant 13 : i32
    %get3A_1715 = arith.index_cast %get3A_1714 : i32 to index
    %get3A_1716 = arith.constant 64 : index
    %get3A_1717 = tpu.vector_load %arg9[%get3A_1715, %get3A_1716] {strides = array<i32>} : memref<16x128xi32, #tpu.memory_space<vmem>>, vector<1x16xi32>,
    %get3A_1718 = vector.shape_cast %get3A_1717 : vector<1x16xi32> to vector<16xi32>
    %add3A_1719 = arith.addi %add3A_1713, %get3A_1718 : vector<16xi32>
    %get3A_1720 = arith.constant 15 : i32
    %get3A_1721 = arith.index_cast %get3A_1720 : i32 to index
    %get3A_1722 = arith.constant 64 : index
    %get3A_1723 = tpu.vector_load %arg9[%get3A_1721, %get3A_1722] {strides = array<i32>} : memref<16x128xi32, #tpu.memory_space<vmem>>, vector<1x16xi32>,
    %get3A_1724 = vector.shape_cast %get3A_1723 : vector<1x16xi32> to vector<16xi32>
    %add3A_1725 = arith.addi %add3A_1719, %get3A_1724 : vector<16xi32>
    %swap3A_1726 = arith.constant 192 : index
    %swap3A_1727 = tpu.vector_load %arg10[%swap3A_1726] {strides = array<i32>} : memref<256xi32, #tpu.memory_space<vmem>>, vector<16xi32>,
    %swap3A_1728 = vector.shape_cast %swap3A_1727 : vector<16xi32> to vector<16xi32>
    %swap3A_1729 = vector.shape_cast %add3A_1725 : vector<16xi32> to vector<16xi32>
    tpu.vector_store %arg10[%swap3A_1726], %swap3A_1729 {strides = array<i32>} : memref<256xi32, #tpu.memory_space<vmem>>, vector<16xi32>,
    %broadcast_in_dim3A_1730 = arith.constant 0 : i32
    %broadcast_in_dim3A_1731 = vector.broadcast %broadcast_in_dim3A_1730 : i32 to vector<16xi32>
    %get3A_1732 = arith.constant 1 : i32
    %get3A_1733 = arith.index_cast %get3A_1732 : i32 to index
    %get3A_1734 = arith.constant 80 : index
    %get3A_1735 = tpu.vector_load %arg9[%get3A_1733, %get3A_1734] {strides = array<i32>} : memref<16x128xi32, #tpu.memory_space<vmem>>, vector<1x16xi32>,
    %get3A_1736 = vector.shape_cast %get3A_1735 : vector<1x16xi32> to vector<16xi32>
    %add3A_1737 = arith.addi %broadcast_in_dim3A_1731, %get3A_1736 : vector<16xi32>
    %get3A_1738 = arith.constant 3 : i32
    %get3A_1739 = arith.index_cast %get3A_1738 : i32 to index
    %get3A_1740 = arith.constant 80 : index
    %get3A_1741 = tpu.vector_load %arg9[%get3A_1739, %get3A_1740] {strides = array<i32>} : memref<16x128xi32, #tpu.memory_space<vmem>>, vector<1x16xi32>,
    %get3A_1742 = vector.shape_cast %get3A_1741 : vector<1x16xi32> to vector<16xi32>
    %add3A_1743 = arith.addi %add3A_1737, %get3A_1742 : vector<16xi32>
    %get3A_1744 = arith.constant 5 : i32
    %get3A_1745 = arith.index_cast %get3A_1744 : i32 to index
    %get3A_1746 = arith.constant 80 : index
    %get3A_1747 = tpu.vector_load %arg9[%get3A_1745, %get3A_1746] {strides = array<i32>} : memref<16x128xi32, #tpu.memory_space<vmem>>, vector<1x16xi32>,
    %get3A_1748 = vector.shape_cast %get3A_1747 : vector<1x16xi32> to vector<16xi32>
    %add3A_1749 = arith.addi %add3A_1743, %get3A_1748 : vector<16xi32>
    %get3A_1750 = arith.constant 7 : i32
    %get3A_1751 = arith.index_cast %get3A_1750 : i32 to index
    %get3A_1752 = arith.constant 80 : index
    %get3A_1753 = tpu.vector_load %arg9[%get3A_1751, %get3A_1752] {strides = array<i32>} : memref<16x128xi32, #tpu.memory_space<vmem>>, vector<1x16xi32>,
    %get3A_1754 = vector.shape_cast %get3A_1753 : vector<1x16xi32> to vector<16xi32>
    %add3A_1755 = arith.addi %add3A_1749, %get3A_1754 : vector<16xi32>
    %get3A_1756 = arith.constant 9 : i32
    %get3A_1757 = arith.index_cast %get3A_1756 : i32 to index
    %get3A_1758 = arith.constant 80 : index
    %get3A_1759 = tpu.vector_load %arg9[%get3A_1757, %get3A_1758] {strides = array<i32>} : memref<16x128xi32, #tpu.memory_space<vmem>>, vector<1x16xi32>,
    %get3A_1760 = vector.shape_cast %get3A_1759 : vector<1x16xi32> to vector<16xi32>
    %add3A_1761 = arith.addi %add3A_1755, %get3A_1760 : vector<16xi32>
    %get3A_1762 = arith.constant 11 : i32
    %get3A_1763 = arith.index_cast %get3A_1762 : i32 to index
    %get3A_1764 = arith.constant 80 : index
    %get3A_1765 = tpu.vector_load %arg9[%get3A_1763, %get3A_1764] {strides = array<i32>} : memref<16x128xi32, #tpu.memory_space<vmem>>, vector<1x16xi32>,
    %get3A_1766 = vector.shape_cast %get3A_1765 : vector<1x16xi32> to vector<16xi32>
    %add3A_1767 = arith.addi %add3A_1761, %get3A_1766 : vector<16xi32>
    %get3A_1768 = arith.constant 13 : i32
    %get3A_1769 = arith.index_cast %get3A_1768 : i32 to index
    %get3A_1770 = arith.constant 80 : index
    %get3A_1771 = tpu.vector_load %arg9[%get3A_1769, %get3A_1770] {strides = array<i32>} : memref<16x128xi32, #tpu.memory_space<vmem>>, vector<1x16xi32>,
    %get3A_1772 = vector.shape_cast %get3A_1771 : vector<1x16xi32> to vector<16xi32>
    %add3A_1773 = arith.addi %add3A_1767, %get3A_1772 : vector<16xi32>
    %get3A_1774 = arith.constant 15 : i32
    %get3A_1775 = arith.index_cast %get3A_1774 : i32 to index
    %get3A_1776 = arith.constant 80 : index
    %get3A_1777 = tpu.vector_load %arg9[%get3A_1775, %get3A_1776] {strides = array<i32>} : memref<16x128xi32, #tpu.memory_space<vmem>>, vector<1x16xi32>,
    %get3A_1778 = vector.shape_cast %get3A_1777 : vector<1x16xi32> to vector<16xi32>
    %add3A_1779 = arith.addi %add3A_1773, %get3A_1778 : vector<16xi32>
    %swap3A_1780 = arith.constant 208 : index
    %swap3A_1781 = tpu.vector_load %arg10[%swap3A_1780] {strides = array<i32>} : memref<256xi32, #tpu.memory_space<vmem>>, vector<16xi32>,
    %swap3A_1782 = vector.shape_cast %swap3A_1781 : vector<16xi32> to vector<16xi32>
    %swap3A_1783 = vector.shape_cast %add3A_1779 : vector<16xi32> to vector<16xi32>
    tpu.vector_store %arg10[%swap3A_1780], %swap3A_1783 {strides = array<i32>} : memref<256xi32, #tpu.memory_space<vmem>>, vector<16xi32>,
    %broadcast_in_dim3A_1784 = arith.constant 0 : i32
    %broadcast_in_dim3A_1785 = vector.broadcast %broadcast_in_dim3A_1784 : i32 to vector<16xi32>
    %get3A_1786 = arith.constant 1 : i32
    %get3A_1787 = arith.index_cast %get3A_1786 : i32 to index
    %get3A_1788 = arith.constant 96 : index
    %get3A_1789 = tpu.vector_load %arg9[%get3A_1787, %get3A_1788] {strides = array<i32>} : memref<16x128xi32, #tpu.memory_space<vmem>>, vector<1x16xi32>,
    %get3A_1790 = vector.shape_cast %get3A_1789 : vector<1x16xi32> to vector<16xi32>
    %add3A_1791 = arith.addi %broadcast_in_dim3A_1785, %get3A_1790 : vector<16xi32>
    %get3A_1792 = arith.constant 3 : i32
    %get3A_1793 = arith.index_cast %get3A_1792 : i32 to index
    %get3A_1794 = arith.constant 96 : index
    %get3A_1795 = tpu.vector_load %arg9[%get3A_1793, %get3A_1794] {strides = array<i32>} : memref<16x128xi32, #tpu.memory_space<vmem>>, vector<1x16xi32>,
    %get3A_1796 = vector.shape_cast %get3A_1795 : vector<1x16xi32> to vector<16xi32>
    %add3A_1797 = arith.addi %add3A_1791, %get3A_1796 : vector<16xi32>
    %get3A_1798 = arith.constant 5 : i32
    %get3A_1799 = arith.index_cast %get3A_1798 : i32 to index
    %get3A_1800 = arith.constant 96 : index
    %get3A_1801 = tpu.vector_load %arg9[%get3A_1799, %get3A_1800] {strides = array<i32>} : memref<16x128xi32, #tpu.memory_space<vmem>>, vector<1x16xi32>,
    %get3A_1802 = vector.shape_cast %get3A_1801 : vector<1x16xi32> to vector<16xi32>
    %add3A_1803 = arith.addi %add3A_1797, %get3A_1802 : vector<16xi32>
    %get3A_1804 = arith.constant 7 : i32
    %get3A_1805 = arith.index_cast %get3A_1804 : i32 to index
    %get3A_1806 = arith.constant 96 : index
    %get3A_1807 = tpu.vector_load %arg9[%get3A_1805, %get3A_1806] {strides = array<i32>} : memref<16x128xi32, #tpu.memory_space<vmem>>, vector<1x16xi32>,
    %get3A_1808 = vector.shape_cast %get3A_1807 : vector<1x16xi32> to vector<16xi32>
    %add3A_1809 = arith.addi %add3A_1803, %get3A_1808 : vector<16xi32>
    %get3A_1810 = arith.constant 9 : i32
    %get3A_1811 = arith.index_cast %get3A_1810 : i32 to index
    %get3A_1812 = arith.constant 96 : index
    %get3A_1813 = tpu.vector_load %arg9[%get3A_1811, %get3A_1812] {strides = array<i32>} : memref<16x128xi32, #tpu.memory_space<vmem>>, vector<1x16xi32>,
    %get3A_1814 = vector.shape_cast %get3A_1813 : vector<1x16xi32> to vector<16xi32>
    %add3A_1815 = arith.addi %add3A_1809, %get3A_1814 : vector<16xi32>
    %get3A_1816 = arith.constant 11 : i32
    %get3A_1817 = arith.index_cast %get3A_1816 : i32 to index
    %get3A_1818 = arith.constant 96 : index
    %get3A_1819 = tpu.vector_load %arg9[%get3A_1817, %get3A_1818] {strides = array<i32>} : memref<16x128xi32, #tpu.memory_space<vmem>>, vector<1x16xi32>,
    %get3A_1820 = vector.shape_cast %get3A_1819 : vector<1x16xi32> to vector<16xi32>
    %add3A_1821 = arith.addi %add3A_1815, %get3A_1820 : vector<16xi32>
    %get3A_1822 = arith.constant 13 : i32
    %get3A_1823 = arith.index_cast %get3A_1822 : i32 to index
    %get3A_1824 = arith.constant 96 : index
    %get3A_1825 = tpu.vector_load %arg9[%get3A_1823, %get3A_1824] {strides = array<i32>} : memref<16x128xi32, #tpu.memory_space<vmem>>, vector<1x16xi32>,
    %get3A_1826 = vector.shape_cast %get3A_1825 : vector<1x16xi32> to vector<16xi32>
    %add3A_1827 = arith.addi %add3A_1821, %get3A_1826 : vector<16xi32>
    %get3A_1828 = arith.constant 15 : i32
    %get3A_1829 = arith.index_cast %get3A_1828 : i32 to index
    %get3A_1830 = arith.constant 96 : index
    %get3A_1831 = tpu.vector_load %arg9[%get3A_1829, %get3A_1830] {strides = array<i32>} : memref<16x128xi32, #tpu.memory_space<vmem>>, vector<1x16xi32>,
    %get3A_1832 = vector.shape_cast %get3A_1831 : vector<1x16xi32> to vector<16xi32>
    %add3A_1833 = arith.addi %add3A_1827, %get3A_1832 : vector<16xi32>
    %swap3A_1834 = arith.constant 224 : index
    %swap3A_1835 = tpu.vector_load %arg10[%swap3A_1834] {strides = array<i32>} : memref<256xi32, #tpu.memory_space<vmem>>, vector<16xi32>,
    %swap3A_1836 = vector.shape_cast %swap3A_1835 : vector<16xi32> to vector<16xi32>
    %swap3A_1837 = vector.shape_cast %add3A_1833 : vector<16xi32> to vector<16xi32>
    tpu.vector_store %arg10[%swap3A_1834], %swap3A_1837 {strides = array<i32>} : memref<256xi32, #tpu.memory_space<vmem>>, vector<16xi32>,
    %broadcast_in_dim3A_1838 = arith.constant 0 : i32
    %broadcast_in_dim3A_1839 = vector.broadcast %broadcast_in_dim3A_1838 : i32 to vector<16xi32>
    %get3A_1840 = arith.constant 1 : i32
    %get3A_1841 = arith.index_cast %get3A_1840 : i32 to index
    %get3A_1842 = arith.constant 112 : index
    %get3A_1843 = tpu.vector_load %arg9[%get3A_1841, %get3A_1842] {strides = array<i32>} : memref<16x128xi32, #tpu.memory_space<vmem>>, vector<1x16xi32>,
    %get3A_1844 = vector.shape_cast %get3A_1843 : vector<1x16xi32> to vector<16xi32>
    %add3A_1845 = arith.addi %broadcast_in_dim3A_1839, %get3A_1844 : vector<16xi32>
    %get3A_1846 = arith.constant 3 : i32
    %get3A_1847 = arith.index_cast %get3A_1846 : i32 to index
    %get3A_1848 = arith.constant 112 : index
    %get3A_1849 = tpu.vector_load %arg9[%get3A_1847, %get3A_1848] {strides = array<i32>} : memref<16x128xi32, #tpu.memory_space<vmem>>, vector<1x16xi32>,
    %get3A_1850 = vector.shape_cast %get3A_1849 : vector<1x16xi32> to vector<16xi32>
    %add3A_1851 = arith.addi %add3A_1845, %get3A_1850 : vector<16xi32>
    %get3A_1852 = arith.constant 5 : i32
    %get3A_1853 = arith.index_cast %get3A_1852 : i32 to index
    %get3A_1854 = arith.constant 112 : index
    %get3A_1855 = tpu.vector_load %arg9[%get3A_1853, %get3A_1854] {strides = array<i32>} : memref<16x128xi32, #tpu.memory_space<vmem>>, vector<1x16xi32>,
    %get3A_1856 = vector.shape_cast %get3A_1855 : vector<1x16xi32> to vector<16xi32>
    %add3A_1857 = arith.addi %add3A_1851, %get3A_1856 : vector<16xi32>
    %get3A_1858 = arith.constant 7 : i32
    %get3A_1859 = arith.index_cast %get3A_1858 : i32 to index
    %get3A_1860 = arith.constant 112 : index
    %get3A_1861 = tpu.vector_load %arg9[%get3A_1859, %get3A_1860] {strides = array<i32>} : memref<16x128xi32, #tpu.memory_space<vmem>>, vector<1x16xi32>,
    %get3A_1862 = vector.shape_cast %get3A_1861 : vector<1x16xi32> to vector<16xi32>
    %add3A_1863 = arith.addi %add3A_1857, %get3A_1862 : vector<16xi32>
    %get3A_1864 = arith.constant 9 : i32
    %get3A_1865 = arith.index_cast %get3A_1864 : i32 to index
    %get3A_1866 = arith.constant 112 : index
    %get3A_1867 = tpu.vector_load %arg9[%get3A_1865, %get3A_1866] {strides = array<i32>} : memref<16x128xi32, #tpu.memory_space<vmem>>, vector<1x16xi32>,
    %get3A_1868 = vector.shape_cast %get3A_1867 : vector<1x16xi32> to vector<16xi32>
    %add3A_1869 = arith.addi %add3A_1863, %get3A_1868 : vector<16xi32>
    %get3A_1870 = arith.constant 11 : i32
    %get3A_1871 = arith.index_cast %get3A_1870 : i32 to index
    %get3A_1872 = arith.constant 112 : index
    %get3A_1873 = tpu.vector_load %arg9[%get3A_1871, %get3A_1872] {strides = array<i32>} : memref<16x128xi32, #tpu.memory_space<vmem>>, vector<1x16xi32>,
    %get3A_1874 = vector.shape_cast %get3A_1873 : vector<1x16xi32> to vector<16xi32>
    %add3A_1875 = arith.addi %add3A_1869, %get3A_1874 : vector<16xi32>
    %get3A_1876 = arith.constant 13 : i32
    %get3A_1877 = arith.index_cast %get3A_1876 : i32 to index
    %get3A_1878 = arith.constant 112 : index
    %get3A_1879 = tpu.vector_load %arg9[%get3A_1877, %get3A_1878] {strides = array<i32>} : memref<16x128xi32, #tpu.memory_space<vmem>>, vector<1x16xi32>,
    %get3A_1880 = vector.shape_cast %get3A_1879 : vector<1x16xi32> to vector<16xi32>
    %add3A_1881 = arith.addi %add3A_1875, %get3A_1880 : vector<16xi32>
    %get3A_1882 = arith.constant 15 : i32
    %get3A_1883 = arith.index_cast %get3A_1882 : i32 to index
    %get3A_1884 = arith.constant 112 : index
    %get3A_1885 = tpu.vector_load %arg9[%get3A_1883, %get3A_1884] {strides = array<i32>} : memref<16x128xi32, #tpu.memory_space<vmem>>, vector<1x16xi32>,
    %get3A_1886 = vector.shape_cast %get3A_1885 : vector<1x16xi32> to vector<16xi32>
    %add3A_1887 = arith.addi %add3A_1881, %get3A_1886 : vector<16xi32>
    %swap3A_1888 = arith.constant 240 : index
    %swap3A_1889 = tpu.vector_load %arg10[%swap3A_1888] {strides = array<i32>} : memref<256xi32, #tpu.memory_space<vmem>>, vector<16xi32>,
    %swap3A_1890 = vector.shape_cast %swap3A_1889 : vector<16xi32> to vector<16xi32>
    %swap3A_1891 = vector.shape_cast %add3A_1887 : vector<16xi32> to vector<16xi32>
    tpu.vector_store %arg10[%swap3A_1888], %swap3A_1891 {strides = array<i32>} : memref<256xi32, #tpu.memory_space<vmem>>, vector<16xi32>,
    %mul3A_1892 = arith.constant 4096 : i32
    %mul3A_1893 = arith.muli %arg0, %mul3A_1892 : i32
    %mul3A_1894 = arith.constant 256 : i32
    %mul3A_1895 = arith.muli %arg1, %mul3A_1894 : i32
    %add3A_1896 = arith.addi %mul3A_1893, %mul3A_1895 : i32
    "tpu.region"() ({
      %run_scoped3A_1897 = tpu.sem_alloc : memref<!tpu.dma_semaphore, #tpu.memory_space<semaphore_mem>>
      %dma_start3A_1898 = tpu.memref_slice %arg4[%add3A_1896] : memref<8192xi32, #tpu.memory_space<hbm>> -> memref<256xi32, #tpu.memory_space<hbm>>
      %dma_start3A_1899 = tpu.memref_slice %arg4[%add3A_1896] : memref<8192xi32, #tpu.memory_space<hbm>> -> memref<256xi32, #tpu.memory_space<hbm>>
      tpu.enqueue_dma source(%arg10 : memref<256xi32, #tpu.memory_space<vmem>>) target(%dma_start3A_1899 : memref<256xi32, #tpu.memory_space<hbm>>) target_semaphore(%run_scoped3A_1897 : memref<!tpu.dma_semaphore, #tpu.memory_space<semaphore_mem>>)
      %dma_wait3A_1900 = tpu.memref_slice %arg4[%add3A_1896] : memref<8192xi32, #tpu.memory_space<hbm>> -> memref<256xi32, #tpu.memory_space<hbm>>
      %dma_wait3A_1901 = tpu.memref_slice %arg4[%add3A_1896] : memref<8192xi32, #tpu.memory_space<hbm>> -> memref<256xi32, #tpu.memory_space<hbm>>
      tpu.wait_dma2 semaphore(%run_scoped3A_1897 : memref<!tpu.dma_semaphore, #tpu.memory_space<semaphore_mem>>) src(%arg10 : memref<256xi32, #tpu.memory_space<vmem>>) dst(%dma_wait3A_1901 : memref<256xi32, #tpu.memory_space<hbm>>)
      tpu.yield
    }) : () -> ()
    return
  }
}

module attributes {stable_mosaic.version = 14 : i64} {
  func.func @_hash_kernel(%arg0: memref<2048x1024xf32, #tpu.memory_space<vmem>>, %arg1: memref<4096x1024xf32, #tpu.memory_space<vmem>>, %arg2: memref<1024x80xf32, #tpu.memory_space<vmem>>, %arg3: memref<80x8xf32, #tpu.memory_space<vmem>>, %arg4: memref<2048x8xi32, #tpu.memory_space<vmem>>, %arg5: memref<8x4096xi32, #tpu.memory_space<vmem>>) attributes {dimension_semantics = [], scalar_prefetch = 0 : i64, scratch_operands = 0 : i64, tpu.core_type = #tpu.core_type<tc>} {
    %get3A = arith.constant 0 : index
    %get3A_0 = arith.constant 0 : index
    %get3A_1 = vector.load %arg0[%get3A, %get3A_0] : memref<2048x1024xf32, #tpu.memory_space<vmem>>, vector<2048x1024xf32>
    %get3A_2 = arith.constant 0 : index
    %get3A_3 = arith.constant 0 : index
    %get3A_4 = vector.load %arg2[%get3A_2, %get3A_3] : memref<1024x80xf32, #tpu.memory_space<vmem>>, vector<1024x80xf32>
    %dot_general3A = arith.constant dense<0.000000e+00> : vector<2048x80xf32>
    %dot_general3A_5 = tpu.matmul %get3A_1, %get3A_4, %dot_general3A {dimension_numbers = #tpu.dot_dimension_numbers<[1], [0], [0], [1], [0, 0, 1, 1], [], []>, transpose_lhs_hint = false} : vector<2048x1024xf32>, vector<1024x80xf32>, vector<2048x80xf32> -> vector<2048x80xf32>
    %get3A_6 = arith.constant 0 : index
    %get3A_7 = arith.constant 0 : index
    %get3A_8 = vector.load %arg1[%get3A_6, %get3A_7] : memref<4096x1024xf32, #tpu.memory_space<vmem>>, vector<4096x1024xf32>
    %get3A_9 = arith.constant 0 : index
    %get3A_10 = arith.constant 0 : index
    %get3A_11 = vector.load %arg2[%get3A_9, %get3A_10] : memref<1024x80xf32, #tpu.memory_space<vmem>>, vector<1024x80xf32>
    %dot_general3A_12 = arith.constant dense<0.000000e+00> : vector<4096x80xf32>
    %dot_general3A_13 = tpu.matmul %get3A_8, %get3A_11, %dot_general3A_12 {dimension_numbers = #tpu.dot_dimension_numbers<[1], [0], [0], [1], [0, 0, 1, 1], [], []>, transpose_lhs_hint = false} : vector<4096x1024xf32>, vector<1024x80xf32>, vector<4096x80xf32> -> vector<4096x80xf32>
    %get3A_14 = arith.constant 0 : index
    %get3A_15 = arith.constant 0 : index
    %get3A_16 = vector.load %arg3[%get3A_14, %get3A_15] : memref<80x8xf32, #tpu.memory_space<vmem>>, vector<80x8xf32>
    %gt3A = arith.constant 0.000000e+00 : f32
    %gt3A_17 = vector.broadcast %gt3A : f32 to vector<2048x80xf32>
    %gt3A_18 = arith.cmpf ogt, %dot_general3A_5, %gt3A_17 : vector<2048x80xf32>
    %convert_element_type3A = arith.extui %gt3A_18 : vector<2048x80xi1> to vector<2048x80xi32>
    %convert_element_type3A_19 = arith.sitofp %convert_element_type3A : vector<2048x80xi32> to vector<2048x80xf32>
    %dot_general3A_20 = arith.constant dense<0.000000e+00> : vector<2048x8xf32>
    %dot_general3A_21 = tpu.matmul %convert_element_type3A_19, %get3A_16, %dot_general3A_20 {dimension_numbers = #tpu.dot_dimension_numbers<[1], [0], [0], [1], [0, 0, 1, 1], [], []>, precision = #tpu.contract_precision<fp32>, transpose_lhs_hint = false} : vector<2048x80xf32>, vector<80x8xf32>, vector<2048x8xf32> -> vector<2048x8xf32>
    %convert_element_type3A_22 = arith.fptosi %dot_general3A_21 : vector<2048x8xf32> to vector<2048x8xi32>
    %gt3A_23 = arith.constant 0.000000e+00 : f32
    %gt3A_24 = vector.broadcast %gt3A_23 : f32 to vector<4096x80xf32>
    %gt3A_25 = arith.cmpf ogt, %dot_general3A_13, %gt3A_24 : vector<4096x80xf32>
    %convert_element_type3A_26 = arith.extui %gt3A_25 : vector<4096x80xi1> to vector<4096x80xi32>
    %convert_element_type3A_27 = arith.sitofp %convert_element_type3A_26 : vector<4096x80xi32> to vector<4096x80xf32>
    %dot_general3A_28 = arith.constant dense<0.000000e+00> : vector<4096x8xf32>
    %dot_general3A_29 = tpu.matmul %convert_element_type3A_27, %get3A_16, %dot_general3A_28 {dimension_numbers = #tpu.dot_dimension_numbers<[1], [0], [0], [1], [0, 0, 1, 1], [], []>, precision = #tpu.contract_precision<fp32>, transpose_lhs_hint = false} : vector<4096x80xf32>, vector<80x8xf32>, vector<4096x8xf32> -> vector<4096x8xf32>
    %convert_element_type3A_30 = arith.fptosi %dot_general3A_29 : vector<4096x8xf32> to vector<4096x8xi32>
    %iota3A = tpu.iota {dimensions = array<i32: 1>} : vector<2048x8xi32>
    %mul3A = arith.constant 1024 : i32
    %mul3A_31 = vector.broadcast %mul3A : i32 to vector<2048x8xi32>
    %mul3A_32 = arith.muli %mul3A_31, %iota3A : vector<2048x8xi32>
    %add3A = arith.addi %convert_element_type3A_22, %mul3A_32 : vector<2048x8xi32>
    %swap3A = arith.constant 0 : index
    %swap3A_33 = arith.constant 0 : index
    %swap3A_34 = vector.load %arg4[%swap3A, %swap3A_33] : memref<2048x8xi32, #tpu.memory_space<vmem>>, vector<2048x8xi32>
    tpu.vector_store %arg4[%swap3A, %swap3A_33], %add3A {strides = array<i32>} : memref<2048x8xi32, #tpu.memory_space<vmem>>, vector<2048x8xi32>,
    %transpose3A = tpu.transpose %convert_element_type3A_30, [1, 0] : vector<4096x8xi32> -> vector<8x4096xi32>
    %iota3A_35 = tpu.iota {dimensions = array<i32: 0>} : vector<8x4096xi32>
    %mul3A_36 = arith.constant 1024 : i32
    %mul3A_37 = vector.broadcast %mul3A_36 : i32 to vector<8x4096xi32>
    %mul3A_38 = arith.muli %mul3A_37, %iota3A_35 : vector<8x4096xi32>
    %add3A_39 = arith.addi %transpose3A, %mul3A_38 : vector<8x4096xi32>
    %swap3A_40 = arith.constant 0 : index
    %swap3A_41 = arith.constant 0 : index
    %swap3A_42 = vector.load %arg5[%swap3A_40, %swap3A_41] : memref<8x4096xi32, #tpu.memory_space<vmem>>, vector<8x4096xi32>
    tpu.vector_store %arg5[%swap3A_40, %swap3A_41], %add3A_39 {strides = array<i32>} : memref<8x4096xi32, #tpu.memory_space<vmem>>, vector<8x4096xi32>,
    return
  }
}

module attributes {stable_mosaic.version = 14 : i64} {
  func.func @_hidden_kernel(%arg0: memref<2x4096xi32, #tpu.memory_space<vmem>>, %arg1: memref<2048x1024xf32, #tpu.memory_space<vmem>>, %arg2: memref<4096x1024xf32, #tpu.memory_space<vmem>>, %arg3: memref<1x4096xf32, #tpu.memory_space<vmem>>, %arg4: memref<2048x1024xbf16, #tpu.memory_space<vmem>>, %arg5: memref<1024x4096xbf16, #tpu.memory_space<vmem>>) attributes {dimension_semantics = [], scalar_prefetch = 0 : i64, scratch_operands = 0 : i64, tpu.core_type = #tpu.core_type<tc>} {
    %get3A = arith.constant 0 : index
    %get3A_0 = arith.constant 0 : index
    %get3A_1 = vector.load %arg0[%get3A, %get3A_0] : memref<2x4096xi32, #tpu.memory_space<vmem>>, vector<2x4096xi32>
    %reduce_sum3A = arith.constant dense<0> : vector<4096xi32>
    %reduce_sum3A_2 = vector.multi_reduction <add>, %get3A_1, %reduce_sum3A [0] : vector<2x4096xi32> to vector<4096xi32>
    %broadcast_in_dim3A = vector.shape_cast %reduce_sum3A_2 : vector<4096xi32> to vector<1x4096xi32>
    %iota3A = tpu.iota {dimensions = array<i32: 1>} : vector<1x4096xi32>
    %mul3A = arith.constant 4096 : i32
    %mul3A_3 = vector.broadcast %mul3A : i32 to vector<1x4096xi32>
    %mul3A_4 = arith.muli %broadcast_in_dim3A, %mul3A_3 : vector<1x4096xi32>
    %sub3A = arith.constant 4095 : i32
    %sub3A_5 = vector.broadcast %sub3A : i32 to vector<1x4096xi32>
    %sub3A_6 = arith.subi %sub3A_5, %iota3A : vector<1x4096xi32>
    %add3A = arith.addi %mul3A_4, %sub3A_6 : vector<1x4096xi32>
    %scan3A = arith.constant 0 : i32
    %scan3A_7 = arith.constant 134217728 : i32
    %scan3A_8 = arith.constant 0 : i32
    %scan3A_9 = arith.constant 27 : i32
    %scan3A_10 = arith.addi %scan3A_8, %scan3A_9 : i32
    %scan3A_11 = arith.constant 1 : i32
    %scan3A_12:2 = scf.for %scan3A_94 = %scan3A_8 to %scan3A_10 step %scan3A_11 iter_args(%scan3A_95 = %scan3A, %scan3A_96 = %scan3A_7) -> (i32, i32)  : i32 {
      %add3A_97 = arith.addi %scan3A_95, %scan3A_96 : i32
      %shift_right_arithmetic3A = arith.constant 1 : i32
      %shift_right_arithmetic3A_98 = arith.shrsi %add3A_97, %shift_right_arithmetic3A : i32
      %ge3A_99 = vector.broadcast %shift_right_arithmetic3A_98 : i32 to vector<1x4096xi32>
      %ge3A_100 = arith.cmpi sge, %add3A, %ge3A_99 : vector<1x4096xi32>
      %convert_element_type3A_101 = arith.extui %ge3A_100 : vector<1x4096xi1> to vector<1x4096xi32>
      %reduce_sum3A_102 = vector.shape_cast %convert_element_type3A_101 : vector<1x4096xi32> to vector<1x1x4096xi32>
      %reduce_sum3A_103 = arith.constant dense<0> : vector<1xi32>
      %reduce_sum3A_104 = vector.multi_reduction <add>, %reduce_sum3A_102, %reduce_sum3A_103 [1, 2] : vector<1x1x4096xi32> to vector<1xi32>
      %reduce_sum3A_105 = vector.shape_cast %reduce_sum3A_104 : vector<1xi32> to vector<1x1x1xi32>
      %reduce_sum3A_106 = vector.extract %reduce_sum3A_105[0, 0, 0] : i32 from vector<1x1x1xi32>
      %ge3A_107 = arith.constant 1024 : i32
      %ge3A_108 = arith.cmpi sge, %reduce_sum3A_106, %ge3A_107 : i32
      %select_n3A = arith.select %ge3A_108, %shift_right_arithmetic3A_98, %scan3A_95 : i32
      %select_n3A_109 = arith.select %ge3A_108, %scan3A_96, %shift_right_arithmetic3A_98 : i32
      scf.yield %select_n3A, %select_n3A_109 : i32, i32
    }
    %ge3A = vector.broadcast %scan3A_12#0 : i32 to vector<1x4096xi32>
    %ge3A_13 = arith.cmpi sge, %add3A, %ge3A : vector<1x4096xi32>
    %convert_element_type3A = arith.extui %ge3A_13 : vector<1x4096xi1> to vector<1x4096xi32>
    %convert_element_type3A_14 = arith.sitofp %convert_element_type3A : vector<1x4096xi32> to vector<1x4096xf32>
    %convert_element_type3A_15 = arith.truncf %convert_element_type3A_14 : vector<1x4096xf32> to vector<1x4096xbf16>
    %iota3A_16 = tpu.iota {dimensions = array<i32: 0>} : vector<4096x1024xi32>
    %iota3A_17 = tpu.iota {dimensions = array<i32: 1>} : vector<4096x1024xi32>
    %add3A_18 = arith.constant 0 : i32
    %add3A_19 = vector.broadcast %add3A_18 : i32 to vector<4096x1024xi32>
    %add3A_20 = arith.addi %iota3A_17, %add3A_19 : vector<4096x1024xi32>
    %lt3A = arith.cmpi slt, %iota3A_16, %add3A_20 : vector<4096x1024xi32>
    %convert_element_type3A_21 = arith.extui %lt3A : vector<4096x1024xi1> to vector<4096x1024xi32>
    %convert_element_type3A_22 = arith.sitofp %convert_element_type3A_21 : vector<4096x1024xi32> to vector<4096x1024xf32>
    %convert_element_type3A_23 = arith.truncf %convert_element_type3A_22 : vector<4096x1024xf32> to vector<4096x1024xbf16>
    %dot_general3A = arith.constant dense<0.000000e+00> : vector<1x1024xf32>
    %dot_general3A_24 = tpu.matmul %convert_element_type3A_15, %convert_element_type3A_23, %dot_general3A {dimension_numbers = #tpu.dot_dimension_numbers<[1], [0], [0], [1], [0, 0, 1, 1], [], []>, transpose_lhs_hint = false} : vector<1x4096xbf16>, vector<4096x1024xbf16>, vector<1x1024xf32> -> vector<1x1024xf32>
    %iota3A_25 = tpu.iota {dimensions = array<i32: 0>} : vector<4096x1024xi32>
    %iota3A_26 = tpu.iota {dimensions = array<i32: 1>} : vector<4096x1024xi32>
    %add3A_27 = arith.constant 1024 : i32
    %add3A_28 = vector.broadcast %add3A_27 : i32 to vector<4096x1024xi32>
    %add3A_29 = arith.addi %iota3A_26, %add3A_28 : vector<4096x1024xi32>
    %lt3A_30 = arith.cmpi slt, %iota3A_25, %add3A_29 : vector<4096x1024xi32>
    %convert_element_type3A_31 = arith.extui %lt3A_30 : vector<4096x1024xi1> to vector<4096x1024xi32>
    %convert_element_type3A_32 = arith.sitofp %convert_element_type3A_31 : vector<4096x1024xi32> to vector<4096x1024xf32>
    %convert_element_type3A_33 = arith.truncf %convert_element_type3A_32 : vector<4096x1024xf32> to vector<4096x1024xbf16>
    %dot_general3A_34 = arith.constant dense<0.000000e+00> : vector<1x1024xf32>
    %dot_general3A_35 = tpu.matmul %convert_element_type3A_15, %convert_element_type3A_33, %dot_general3A_34 {dimension_numbers = #tpu.dot_dimension_numbers<[1], [0], [0], [1], [0, 0, 1, 1], [], []>, transpose_lhs_hint = false} : vector<1x4096xbf16>, vector<4096x1024xbf16>, vector<1x1024xf32> -> vector<1x1024xf32>
    %iota3A_36 = tpu.iota {dimensions = array<i32: 0>} : vector<4096x1024xi32>
    %iota3A_37 = tpu.iota {dimensions = array<i32: 1>} : vector<4096x1024xi32>
    %add3A_38 = arith.constant 2048 : i32
    %add3A_39 = vector.broadcast %add3A_38 : i32 to vector<4096x1024xi32>
    %add3A_40 = arith.addi %iota3A_37, %add3A_39 : vector<4096x1024xi32>
    %lt3A_41 = arith.cmpi slt, %iota3A_36, %add3A_40 : vector<4096x1024xi32>
    %convert_element_type3A_42 = arith.extui %lt3A_41 : vector<4096x1024xi1> to vector<4096x1024xi32>
    %convert_element_type3A_43 = arith.sitofp %convert_element_type3A_42 : vector<4096x1024xi32> to vector<4096x1024xf32>
    %convert_element_type3A_44 = arith.truncf %convert_element_type3A_43 : vector<4096x1024xf32> to vector<4096x1024xbf16>
    %dot_general3A_45 = arith.constant dense<0.000000e+00> : vector<1x1024xf32>
    %dot_general3A_46 = tpu.matmul %convert_element_type3A_15, %convert_element_type3A_44, %dot_general3A_45 {dimension_numbers = #tpu.dot_dimension_numbers<[1], [0], [0], [1], [0, 0, 1, 1], [], []>, transpose_lhs_hint = false} : vector<1x4096xbf16>, vector<4096x1024xbf16>, vector<1x1024xf32> -> vector<1x1024xf32>
    %iota3A_47 = tpu.iota {dimensions = array<i32: 0>} : vector<4096x1024xi32>
    %iota3A_48 = tpu.iota {dimensions = array<i32: 1>} : vector<4096x1024xi32>
    %add3A_49 = arith.constant 3072 : i32
    %add3A_50 = vector.broadcast %add3A_49 : i32 to vector<4096x1024xi32>
    %add3A_51 = arith.addi %iota3A_48, %add3A_50 : vector<4096x1024xi32>
    %lt3A_52 = arith.cmpi slt, %iota3A_47, %add3A_51 : vector<4096x1024xi32>
    %convert_element_type3A_53 = arith.extui %lt3A_52 : vector<4096x1024xi1> to vector<4096x1024xi32>
    %convert_element_type3A_54 = arith.sitofp %convert_element_type3A_53 : vector<4096x1024xi32> to vector<4096x1024xf32>
    %convert_element_type3A_55 = arith.truncf %convert_element_type3A_54 : vector<4096x1024xf32> to vector<4096x1024xbf16>
    %dot_general3A_56 = arith.constant dense<0.000000e+00> : vector<1x1024xf32>
    %dot_general3A_57 = tpu.matmul %convert_element_type3A_15, %convert_element_type3A_55, %dot_general3A_56 {dimension_numbers = #tpu.dot_dimension_numbers<[1], [0], [0], [1], [0, 0, 1, 1], [], []>, transpose_lhs_hint = false} : vector<1x4096xbf16>, vector<4096x1024xbf16>, vector<1x1024xf32> -> vector<1x1024xf32>
    %concatenate3A = tpu.concatenate %dot_general3A_24, %dot_general3A_35, %dot_general3A_46, %dot_general3A_57 in 1 : vector<1x1024xf32>, vector<1x1024xf32>, vector<1x1024xf32>, vector<1x1024xf32> -> vector<1x4096xf32>
    %convert_element_type3A_58 = arith.fptosi %concatenate3A : vector<1x4096xf32> to vector<1x4096xi32>
    %iota3A_59 = tpu.iota {dimensions = array<i32: 0>} : vector<1024x4096xi32>
    %eq3A = vector.broadcast %convert_element_type3A_58 : vector<1x4096xi32> to vector<1024x4096xi32>
    %eq3A_60 = arith.cmpi eq, %eq3A, %iota3A_59 : vector<1024x4096xi32>
    %and3A = vector.broadcast %ge3A_13 : vector<1x4096xi1> to vector<1024x4096xi1>
    %and3A_61 = arith.andi %eq3A_60, %and3A : vector<1024x4096xi1>
    %convert_element_type3A_62 = arith.extui %and3A_61 : vector<1024x4096xi1> to vector<1024x4096xi32>
    %convert_element_type3A_63 = arith.sitofp %convert_element_type3A_62 : vector<1024x4096xi32> to vector<1024x4096xf32>
    %convert_element_type3A_64 = arith.truncf %convert_element_type3A_63 : vector<1024x4096xf32> to vector<1024x4096xbf16>
    %swap3A = arith.constant 0 : index
    %swap3A_65 = arith.constant 0 : index
    %swap3A_66 = vector.load %arg5[%swap3A, %swap3A_65] : memref<1024x4096xbf16, #tpu.memory_space<vmem>>, vector<1024x4096xbf16>
    tpu.vector_store %arg5[%swap3A, %swap3A_65], %convert_element_type3A_64 {strides = array<i32>} : memref<1024x4096xbf16, #tpu.memory_space<vmem>>, vector<1024x4096xbf16>,
    %get3A_67 = arith.constant 0 : index
    %get3A_68 = arith.constant 0 : index
    %get3A_69 = vector.load %arg2[%get3A_67, %get3A_68] : memref<4096x1024xf32, #tpu.memory_space<vmem>>, vector<4096x1024xf32>
    %convert_element_type3A_70 = arith.truncf %get3A_69 : vector<4096x1024xf32> to vector<4096x1024xbf16>
    %dot_general3A_71 = arith.constant dense<0.000000e+00> : vector<1024x1024xf32>
    %dot_general3A_72 = tpu.matmul %convert_element_type3A_64, %convert_element_type3A_70, %dot_general3A_71 {dimension_numbers = #tpu.dot_dimension_numbers<[1], [0], [0], [1], [0, 0, 1, 1], [], []>, transpose_lhs_hint = false} : vector<1024x4096xbf16>, vector<4096x1024xbf16>, vector<1024x1024xf32> -> vector<1024x1024xf32>
    %convert_element_type3A_73 = arith.truncf %dot_general3A_72 : vector<1024x1024xf32> to vector<1024x1024xbf16>
    %get3A_74 = arith.constant 0 : index
    %get3A_75 = arith.constant 0 : index
    %get3A_76 = vector.load %arg3[%get3A_74, %get3A_75] : memref<1x4096xf32, #tpu.memory_space<vmem>>, vector<1x4096xf32>
    %convert_element_type3A_77 = arith.truncf %get3A_76 : vector<1x4096xf32> to vector<1x4096xbf16>
    %dot_general3A_78 = arith.constant dense<0.000000e+00> : vector<1x1024xf32>
    %dot_general3A_79 = tpu.matmul %convert_element_type3A_77, %convert_element_type3A_64, %dot_general3A_78 {dimension_numbers = #tpu.dot_dimension_numbers<[1], [1], [0], [0], [0, 0, 1, 0], [], []>, transpose_lhs_hint = false} : vector<1x4096xbf16>, vector<1024x4096xbf16>, vector<1x1024xf32> -> vector<1x1024xf32>
    %get3A_80 = arith.constant 0 : index
    %get3A_81 = arith.constant 0 : index
    %get3A_82 = vector.load %arg1[%get3A_80, %get3A_81] : memref<2048x1024xf32, #tpu.memory_space<vmem>>, vector<2048x1024xf32>
    %convert_element_type3A_83 = arith.truncf %get3A_82 : vector<2048x1024xf32> to vector<2048x1024xbf16>
    %dot_general3A_84 = arith.constant dense<0.000000e+00> : vector<2048x1024xf32>
    %dot_general3A_85 = tpu.matmul %convert_element_type3A_83, %convert_element_type3A_73, %dot_general3A_84 {dimension_numbers = #tpu.dot_dimension_numbers<[1], [1], [0], [0], [0, 0, 1, 0], [], []>, transpose_lhs_hint = false} : vector<2048x1024xbf16>, vector<1024x1024xbf16>, vector<2048x1024xf32> -> vector<2048x1024xf32>
    %add3A_86 = vector.broadcast %dot_general3A_79 : vector<1x1024xf32> to vector<2048x1024xf32>
    %add3A_87 = arith.addf %dot_general3A_85, %add3A_86 : vector<2048x1024xf32>
    %max3A = arith.constant 0.000000e+00 : f32
    %max3A_88 = vector.broadcast %max3A : f32 to vector<2048x1024xf32>
    %max3A_89 = arith.maximumf %add3A_87, %max3A_88 : vector<2048x1024xf32>
    %convert_element_type3A_90 = arith.truncf %max3A_89 : vector<2048x1024xf32> to vector<2048x1024xbf16>
    %swap3A_91 = arith.constant 0 : index
    %swap3A_92 = arith.constant 0 : index
    %swap3A_93 = vector.load %arg4[%swap3A_91, %swap3A_92] : memref<2048x1024xbf16, #tpu.memory_space<vmem>>, vector<2048x1024xbf16>
    tpu.vector_store %arg4[%swap3A_91, %swap3A_92], %convert_element_type3A_90 {strides = array<i32>} : memref<2048x1024xbf16, #tpu.memory_space<vmem>>, vector<2048x1024xbf16>,
    return
  }
}

module attributes {stable_mosaic.version = 14 : i64} {
  func.func @_out_kernel(%arg0: i32, %arg1: memref<2048x1024xbf16, #tpu.memory_space<vmem>>, %arg2: memref<512x4096xf32, #tpu.memory_space<vmem>>, %arg3: memref<1024x4096xbf16, #tpu.memory_space<vmem>>, %arg4: memref<1x512xf32, #tpu.memory_space<vmem>>, %arg5: memref<2048x512xf32, #tpu.memory_space<vmem>>) attributes {dimension_semantics = [#tpu.dimension_semantics<arbitrary>], iteration_bounds = array<i64: 32>, scalar_prefetch = 0 : i64, scratch_operands = 0 : i64, tpu.core_type = #tpu.core_type<tc>, window_params = [{pipeline_mode = #tpu.pipeline_mode<synchronous>, transform_indices = @transform_0, window_bounds = array<i64: 2048, 1024>}, {transform_indices = @transform_1, window_bounds = array<i64: 512, 4096>}, {pipeline_mode = #tpu.pipeline_mode<synchronous>, transform_indices = @transform_2, window_bounds = array<i64: 1024, 4096>}, {transform_indices = @transform_3, window_bounds = array<i64: 1, 512>}, {transform_indices = @transform_4, window_bounds = array<i64: 2048, 512>}]} {
    %get3A = arith.constant 0 : index
    %get3A_0 = arith.constant 0 : index
    %get3A_1 = vector.load %arg2[%get3A, %get3A_0] : memref<512x4096xf32, #tpu.memory_space<vmem>>, vector<512x4096xf32>
    %convert_element_type3A = arith.truncf %get3A_1 : vector<512x4096xf32> to vector<512x4096xbf16>
    %get3A_2 = arith.constant 0 : index
    %get3A_3 = arith.constant 0 : index
    %get3A_4 = vector.load %arg3[%get3A_2, %get3A_3] : memref<1024x4096xbf16, #tpu.memory_space<vmem>>, vector<1024x4096xbf16>
    %dot_general3A = arith.constant dense<0.000000e+00> : vector<512x1024xf32>
    %dot_general3A_5 = tpu.matmul %convert_element_type3A, %get3A_4, %dot_general3A {dimension_numbers = #tpu.dot_dimension_numbers<[1], [1], [0], [0], [0, 0, 1, 0], [], []>, transpose_lhs_hint = false} : vector<512x4096xbf16>, vector<1024x4096xbf16>, vector<512x1024xf32> -> vector<512x1024xf32>
    %convert_element_type3A_6 = arith.truncf %dot_general3A_5 : vector<512x1024xf32> to vector<512x1024xbf16>
    %get3A_7 = arith.constant 0 : index
    %get3A_8 = arith.constant 0 : index
    %get3A_9 = vector.load %arg1[%get3A_7, %get3A_8] : memref<2048x1024xbf16, #tpu.memory_space<vmem>>, vector<2048x1024xbf16>
    %dot_general3A_10 = arith.constant dense<0.000000e+00> : vector<2048x512xf32>
    %dot_general3A_11 = tpu.matmul %get3A_9, %convert_element_type3A_6, %dot_general3A_10 {dimension_numbers = #tpu.dot_dimension_numbers<[1], [1], [0], [0], [0, 0, 1, 0], [], []>, transpose_lhs_hint = false} : vector<2048x1024xbf16>, vector<512x1024xbf16>, vector<2048x512xf32> -> vector<2048x512xf32>
    %get3A_12 = arith.constant 0 : index
    %get3A_13 = arith.constant 0 : index
    %get3A_14 = vector.load %arg4[%get3A_12, %get3A_13] : memref<1x512xf32, #tpu.memory_space<vmem>>, vector<1x512xf32>
    %add3A = vector.broadcast %get3A_14 : vector<1x512xf32> to vector<2048x512xf32>
    %add3A_15 = arith.addf %dot_general3A_11, %add3A : vector<2048x512xf32>
    %swap3A = arith.constant 0 : index
    %swap3A_16 = arith.constant 0 : index
    %swap3A_17 = vector.load %arg5[%swap3A, %swap3A_16] : memref<2048x512xf32, #tpu.memory_space<vmem>>, vector<2048x512xf32>
    tpu.vector_store %arg5[%swap3A, %swap3A_16], %add3A_15 {strides = array<i32>} : memref<2048x512xf32, #tpu.memory_space<vmem>>, vector<2048x512xf32>,
    return
  }
  func.func @transform_0(%arg0: i32) -> (i32, i32) {
    %c0_i32 = arith.constant 0 : i32
    %c0_i32_0 = arith.constant 0 : i32
    %c0_i32_1 = arith.constant 0 : i32
    return %c0_i32, %c0_i32_0 : i32, i32
  }
  func.func @transform_1(%arg0: i32) -> (i32, i32) {
    %c0_i32 = arith.constant 0 : i32
    %c0_i32_0 = arith.constant 0 : i32
    return %arg0, %c0_i32 : i32, i32
  }
  func.func @transform_2(%arg0: i32) -> (i32, i32) {
    %c0_i32 = arith.constant 0 : i32
    %c0_i32_0 = arith.constant 0 : i32
    %c0_i32_1 = arith.constant 0 : i32
    return %c0_i32, %c0_i32_0 : i32, i32
  }
  func.func @transform_3(%arg0: i32) -> (i32, i32) {
    %c0_i32 = arith.constant 0 : i32
    %c0_i32_0 = arith.constant 0 : i32
    return %c0_i32, %arg0 : i32, i32
  }
  func.func @transform_4(%arg0: i32) -> (i32, i32) {
    %c0_i32 = arith.constant 0 : i32
    %c0_i32_0 = arith.constant 0 : i32
    return %c0_i32, %arg0 : i32, i32
  }
}

</mosaic_0001>

<sc_bundles>
// kernel: kernel.6.cloned.1.call-start
scs
__scs_entry_jumppad:
0x0: {  	(pc) =	sbr.rel $0x88, $3  }
0x1: {  	(tag) =	ssettag $0x0;
	lr =	simm.s32 $0x1  }
0x2: {  	[smem:$0x3F9B] =	sst lr;
	_ =	strace $0xD0000000  }
0x3: {  	_ = 	snop  }
0x4: {  	_ = 	snop  }
0x5: {  	_ = 	snop  }
0x6: {  	_ = 	snop  }
0x7: {  	_ = 	snop  }
__scs_overlays_trampoline_lowered:
0x8: {  	[smem:$0x3FAA] =	sst s0  }
0x9: {  	[smem:$0x3FAB] =	sst s1  }
0xa: {  	[smem:$0x3FAC] =	sst s2  }
0xb: {  	[smem:$0x3FAD] =	sst s3  }
0xc: {  	[smem:$0x3FAE] =	sst s4  }
0xd: {  	[smem:$0x3FAF] =	sst s5  }
0xe: {  	[smem:$0x3FB0] =	sst s6  }
0xf: {  	[smem:$0x3FB1] =	sst s7  }
0x10: {  	[smem:$0x3FB2] =	sst s8  }
0x11: {  	[smem:$0x3FB3] =	sst s9;
	s0 =	simm.s32 @!p0 $0x0  }
0x12: {  	s1 =	sld [smem:$0x3F99];
	s0 =	simm.s32 @p0 $0x1  }
0x13: {  	[smem:$0x3FB4] =	sst s0;
	s0 =	simm.s32 @!p1 $0x0  }
0x14: {  	s2 =	sld [smem:$0x3F98];
	s0 =	simm.s32 @p1 $0x1  }
0x15: {  	[smem:$0x3FB5] =	sst s0;
	s0 =	simm.s32 @!p2 $0x0  }
0x16: {  	s3 =	sld [smem:$0x3FDB];
	s0 =	simm.s32 @p2 $0x1  }
0x17: {  	s4 =	simm.s32 $0x1BF5;
	[smem:$0x3FB7] =	sst s0  }
0x18: {  	s0 =	sld [smem:$0x3F9A];
	_ =	swait.ge [sflag:s4], $0x0  }
0x19: {  	s7 =	sld [smem:$0x3F9B]  }
0x1a: {  	s8 =	sadd.s32 $0xFFFFE003, lr  }
0x1b: {  	s9 =	sadd.s32 $0xFFFFFEF7, lr;
	s5 =	simm.s32 $0xFFFFFFFF;
	p2 =	slt.u32 s8, $0xFFFFF086  }
0x1c: {  	p1 =	slt.u32 s9, $0xF7A;
	s5 =	simm.s32 @!p2 $0x0  }
0x1d: {  	s5 =	simm.s32 @p1 $0x1;
	p0 =	seq.s32 s7, s2  }
0x1e: {  	s7 =	smul.u32 @!p0 $0xF7A, s2;
	p2 =	seq.s32 @!p0 s5, $0x0  }
0x1f: {  	s9 =	smul.u32 $0xF7A, s1;
	s8 =	simm.s32 @!p0 $0x1BF5;
	p2 =	por !p2, p0  }
0x20: {  	[sflag:s8] =	ssyncset.s32 @!p0 $0xFFFFF086;
	s6 =	sadd.s32 @!p0 s3, s7;
	s7 =	simm.s32 @!p0 $0x108  }
0x21: {  	s3 =	sadd.s32 s3, s9;
	s6 =	sadd.s32 @!p0 $0x88, s6;
	s7 =	simm.s32 @p2 $0x1082  }
0x22: {  	[simem:s7], [sflag:s8] =	dma.local @!p0 [hbm:s6], $0xF7A  }
0x23: {  	s9 =	sor.u32 $0xD0000000, s2;
	s6 =	simm.s32 $0x108;
	_ =	swait.ge @!p0 [sflag:s8], $0x0  }
0x24: {  	s3 =	sadd.s32 $0x88, s3;
	s6 =	simm.s32 @!p1 $0x1082;
	[sflag:s4] =	ssyncset.s32 $0xFFFFF086  }
0x25: {  	[simem:s6], [sflag:s4] =	dma.local [hbm:s3], $0xF7A  }
0x26: {  	[smem:$0x3F9B] =	sst s1;
	(tag) =	ssettag s2;
	_ =	strace s9  }
0x27: {  	s1 =	sld [smem:$0x3FAB]  }
0x28: {  	s2 =	sld [smem:$0x3FAC]  }
0x29: {  	s4 =	sld [smem:$0x3FAE]  }
0x2a: {  	p0 =	seq.s32 s5, $0x0;
	s5 =	sld [smem:$0x3FAF]  }
0x2b: {  	s6 =	sld [smem:$0x3FB0]  }
0x2c: {  	s7 =	sld [smem:$0x3FB1]  }
0x2d: {  	s3 =	simm.s32 $0x108;
	s8 =	sld [smem:$0x3FB2]  }
0x2e: {  	s3 =	simm.s32 @!p0 $0x1082;
	s9 =	sld [smem:$0x3FB3]  }
0x2f: {  	lr =	sadd.s32 s0, s3;
	s0 =	sld [smem:$0x3FAA]  }
0x30: {  	s3 =	sld [smem:$0x3FAD]  }
0x31: {  	[smem:$0x3FB6] =	sst s10  }
0x32: {  	s10 =	sld [smem:$0x3FB4];
	_ =	sdelay $0x3  }
0x33: {  	p0 =	seq.s32 s10, $0x1;
	s10 =	sld [smem:$0x3FB6];
	_ =	sdelay $0x3  }
0x34: {  	[smem:$0x3FB6] =	sst s10  }
0x35: {  	s10 =	sld [smem:$0x3FB5];
	_ =	sdelay $0x3  }
0x36: {  	p1 =	seq.s32 s10, $0x1;
	s10 =	sld [smem:$0x3FB6];
	_ =	sdelay $0x3  }
0x37: {  	[smem:$0x3FB6] =	sst s10  }
0x38: {  	s10 =	sld [smem:$0x3FB7]  }
0x39: {  	_ = 	snop;
	(pc) =	sbr.ind lr, $3  }
0x3a: {  	_ = 	snop  }
0x3b: {  	_ = 	snop  }
0x3c: {  	p2 =	seq.s32 s10, $0x1;
	s10 =	sld [smem:$0x3FB6]  }
0x3d: {  	_ =	shalt  }
0x3e: {  	_ =	shalt  }
0x3f: {  	_ =	shalt  }
0x40: {  	_ =	shalt  }
0x41: {  	_ =	shalt  }
0x42: {  	_ =	shalt  }
0x43: {  	_ =	shalt  }
0x44: {  	_ =	shalt  }
0x45: {  	_ =	shalt  }
0x46: {  	_ =	shalt  }
0x47: {  	_ =	shalt  }
0x48: {  	_ =	shalt  }
0x49: {  	_ =	shalt  }
0x4a: {  	_ =	shalt  }
0x4b: {  	_ =	shalt  }
0x4c: {  	_ =	shalt  }
0x4d: {  	_ =	shalt  }
0x4e: {  	_ =	shalt  }
0x4f: {  	_ =	shalt  }
0x50: {  	_ =	shalt  }
0x51: {  	_ =	shalt  }
0x52: {  	_ =	shalt  }
0x53: {  	_ =	shalt  }
0x54: {  	_ =	shalt  }
0x55: {  	_ =	shalt  }
0x56: {  	_ =	shalt  }
0x57: {  	_ =	shalt  }
0x58: {  	_ =	shalt  }
0x59: {  	_ =	shalt  }
0x5a: {  	_ =	shalt  }
0x5b: {  	_ =	shalt  }
0x5c: {  	_ =	shalt  }
0x5d: {  	_ =	shalt  }
0x5e: {  	_ =	shalt  }
0x5f: {  	_ =	shalt  }
0x60: {  	_ =	shalt  }
0x61: {  	_ =	shalt  }
0x62: {  	_ =	shalt  }
0x63: {  	_ =	shalt  }
0x64: {  	_ =	shalt  }
0x65: {  	_ =	shalt  }
0x66: {  	_ =	shalt  }
0x67: {  	_ =	shalt  }
0x68: {  	_ =	shalt  }
0x69: {  	_ =	shalt  }
0x6a: {  	_ =	shalt  }
0x6b: {  	_ =	shalt  }
0x6c: {  	_ =	shalt  }
0x6d: {  	_ =	shalt  }
0x6e: {  	_ =	shalt  }
0x6f: {  	_ =	shalt  }
0x70: {  	_ =	shalt  }
0x71: {  	_ =	shalt  }
0x72: {  	_ =	shalt  }
0x73: {  	_ =	shalt  }
0x74: {  	_ =	shalt  }
0x75: {  	_ =	shalt  }
0x76: {  	_ =	shalt  }
0x77: {  	_ =	shalt  }
0x78: {  	_ =	shalt  }
0x79: {  	_ =	shalt  }
0x7a: {  	_ =	shalt  }
0x7b: {  	_ =	shalt  }
0x7c: {  	_ =	shalt  }
0x7d: {  	_ =	shalt  }
0x7e: {  	_ =	shalt  }
0x7f: {  	_ =	shalt  }
0x80: {  	_ =	shalt  }
0x81: {  	_ =	shalt  }
0x82: {  	_ =	shalt  }
0x83: {  	_ =	shalt  }
0x84: {  	_ =	shalt  }
0x85: {  	_ =	shalt  }
0x86: {  	_ =	shalt  }
0x87: {  	_ =	shalt  }
.Lfunc_end0:
.L_simem_size_0:
called_computation_lowered:
.L_overlay_start_0:
0x88: {  	s2 =	sld [smem:$0x3FD9]  }
0x89: {  	s3 =	sld [smem:$0x3FFE];
	_ =	sdelay $0x1  }
0x8a: {  	s1 =	srdreg.scid  }
0x8b: {  	s0 =	sand.u32 $0x1, s1  }
0x8c: {  	s17 =	sshll.u32 s0, $0xA;
	s2 =	sadd.s32 s3, s2  }
0x8d: {  	s2 =	sadd.s32 s2, s17  }
0x8e: {  	[smem:$0x3FC2] =	sst s2  }
0x8f: {  	_ = 	snop  }
0x90: {  	s2 =	sld [smem:$0x3FD0];
	(tm) =	ssettm $0x1  }
0x91: {  	s18 =	sld [smem:$0x3FFB];
	_ =	sdelay $0x3  }
0x92: {  	_ =	strace s18  }
0x93: {  	s3 =	sld [smem:$0x3FFC];
	_ =	sdelay $0x3  }
0x94: {  	_ =	strace s3  }
0x95: {  	s3 =	sld [smem:$0x3FFD];
	_ =	sdelay $0x3  }
0x96: {  	_ =	strace s3  }
0x97: {  	_ =	strace $0x8FFFFFFF  }
0x98: {  	s19 =	sld [smem:$0x3FDB];
	_ =	sdelay $0x1  }
0x99: {  	s4 =	simm.s32 $_scs_section_size  }
0x9a: {  	s5 =	simm.s32 $_size__tile_overlayer_lowered;
	s6 =	simm.s32 $_tile_overlayer_lowered  }
0x9b: {  	s22 =	simm.s32 $0x1BFF;
	s21 =	sshll.u32 s6, $0x1;
	s3 =	sadd.s32 s4, s19  }
0x9c: {  	s7 =	simm.s32 $0x0;
	s20 =	sshll.u32 s5, $0x1;
	s5 =	sadd.s32 s21, s3  }
0x9d: {  	[timem:s7], [sflag:s22] =	dma.local [hbm:s5], s20  }
0x9e: {  	_ =	swait.ge [sflag:s22], s20  }
0x9f: {  	s4 =	ssub.s32 $0x0, s20;
	[sflag:s22] =	ssyncset.done $0x0  }
0xa0: {  	[sflag:s22] =	ssyncadd.s32 s4;
	_ =	sdelay $0x1  }
0xa1: {  	s23 =	simm.s32 $0x1B8B  }
0xa2: {  	_ =	swait.ge [sflag:s23], $0x1  }
0xa3: {  	[sflag:s23] =	ssyncset.done $0x0  }
0xa4: {  	s25 =	simm.s32 $0x1B8E;
	s24 =	sld [smem:$0x3FFE];
	[sflag:s23] =	ssyncadd.s32 $0xFFFFFFFF  }
0xa5: {  	s26 =	simm.s32 $execute0_lowered;
	[smem:$0x3FD2] =	sst s25  }
0xa6: {  	s5 =	sshll.u32 s26, $0x1;
	_ =	strace $0x80000046;
	[dreg:$0x1] =	wrdreg $0xFFFFFFFF  }
0xa7: {  	s28 =	simm.s32 $_size_execute0_lowered;
	s3 =	sadd.s32 s3, s5;
	[dreg:$0x0] =	wrdreg $0x0  }
0xa8: {  	s5 =	sshll.u32 s28, $0x1;
	[dreg:$0x2] =	wrdreg s3  }
0xa9: {  	[dreg:$0x3] =	wrdreg s5  }
0xaa: {  	[dreg:$0x4] =	wrdreg $0xC0  }
0xab: {  	_ =	task [dreg:s7], $0x5FFFF  }
0xac: {  	[dreg:$0x1] =	wrdreg $0xFFFFFFFF  }
0xad: {  	[dreg:$0x0] =	wrdreg $0x60  }
0xae: {  	[dreg:$0x2] =	wrdreg s24  }
0xaf: {  	[dreg:$0x3] =	wrdreg s2  }
0xb0: {  	[dreg:$0x4] =	wrdreg $0x15800  }
0xb1: {  	[dreg:$0x5] =	wrdreg $0x9  }
0xb2: {  	_ =	task.clear_ibuf [dreg:s7], $0x6FFFF;
	_ =	strace $0x90000046  }
0xb3: {  	s29 =	simm.s32 $0x9;
	_ =	strace $0x80000048  }
0xb4: {  	_ =	swait.ge [sflag:s29], $0x1  }
0xb5: {  	[sflag:s29] =	ssyncadd.s32 $0xFFFFFFFF  }
0xb6: {  	_ =	strace $0x90000048  }
0xb7: {  	_ =	sfence  }
0xb8: {  	s30 =	sld [smem:$0x0];
	_ =	sdelay $0x2  }
0xb9: {  	s31 =	sshll.u32 s1, $0xD;
	s1 =	sshrl.u32 s1, $0x2  }
0xba: {  	s3 =	sand.u32 $0x4000, s31;
	s1 =	sadd.s32 s1, s30  }
0xbb: {  	s0 =	sor.u32 s3, s0;
	s1 =	sshll.u32 s1, $0x11  }
0xbc: {  	s0 =	sor.u32 s1, s0  }
0xbd: {  	s0 =	sadd.s32 $0x8F2B, s0  }
0xbe: {  	[sflag:s0] =	ssyncadd.remote.s32 $0x1  }
0xbf: {  	_ =	sfence.sel $0xFFFF  }
0xc0: {  	[dreg:$0x0] =	wrdreg $0xFFFFFFFF;
	(pc) =	sbr.abs _section_cstart, $3  }
0xc1: {  	[dreg:$0x1] =	wrdreg $0xFFFFFFFF  }
0xc2: {  	_ =	task.clear_ibuf [dreg:s7], $0x2FFFF;
	_ =	strace $0x9FFFFFFF  }
0xc3: {  	(tm) =	ssettm $0x7FFFFFFF  }
tec
execute0_lowered:
.L_overlay_start_1:
0x0: {  	(tag) =	ssettag $0x1  }
0x1: {  	s1 =	rddreg [dreg:$0x0];
	s2 =	srdreg.scid  }
0x2: {  	s4 =	rddreg [dreg:$0x1];
	s0 =	stileid.u32;
	s3 =	simm.s32 $0x0  }
0x3: {  	s5 =	sand.u32 $0x1, s2;
	s2 =	rddreg [dreg:$0x2];
	s6 =	sshll.u32 s0, $0x9  }
0x4: {  	[smem:$0x7FF] =	sst s3;
	s8 =	sshll.u32 s0, $0x8;
	s7 =	sshll.u32 s5, $0xD  }
0x5: {  	s4 =	sadd.s32 s4, s8;
	s7 =	sor.u32 s6, s7;
	s6 =	sadd.s32 s6, s2  }
0x6: {  	_ =	strace $0x80000047;
	s17 =	sadd.s32 $0x10, s4;
	[dreg:$0x4] =	wrdreg s6  }
0x7: {  	s18 =	sadd.s32 $0x20, s4;
	[dreg:$0x9] =	wrdreg s17  }
0x8: {  	s19 =	sadd.s32 $0x30, s4;
	[dreg:$0xa] =	wrdreg s18  }
0x9: {  	s20 =	sadd.s32 $0x40, s4;
	[dreg:$0xb] =	wrdreg s19  }
0xa: {  	s21 =	sadd.s32 $0x50, s4;
	[dreg:$0xc] =	wrdreg s20  }
0xb: {  	s22 =	sadd.s32 $0x60, s4;
	[dreg:$0xd] =	wrdreg s21  }
0xc: {  	s23 =	sadd.s32 $0x70, s4;
	[dreg:$0xe] =	wrdreg s22  }
0xd: {  	s24 =	sadd.s32 $0x80, s4;
	[dreg:$0xf] =	wrdreg s23  }
0xe: {  	s25 =	sadd.s32 $0x90, s4;
	[dreg:$0x10] =	wrdreg s24  }
0xf: {  	s26 =	sadd.s32 $0xA0, s4;
	[dreg:$0x11] =	wrdreg s25  }
0x10: {  	s28 =	simm.s32 $0xC00;
	s0 =	sadd.s32 $0xB0, s4;
	[dreg:$0x12] =	wrdreg s26  }
0x11: {  	s30 =	simm.s32 $0x1380;
	s9 =	sadd.s32 $0xC0, s4;
	[dreg:$0x13] =	wrdreg s0  }
0x12: {  	s31 =	simm.s32 $0x1400;
	s10 =	sadd.s32 $0xD0, s4;
	[dreg:$0x14] =	wrdreg s9  }
0x13: {  	s29 =	sshll.u32 s5, $0xC;
	s11 =	sadd.s32 $0xE0, s4;
	[dreg:$0x15] =	wrdreg s10  }
0x14: {  	s5 =	ssub.s32 $0x2, s5;
	s12 =	sadd.s32 $0xF0, s4;
	[dreg:$0x16] =	wrdreg s11  }
0x15: {  	s7 =	sshrl.u32 s7, $0x3;
	[dreg:$0x17] =	wrdreg s12;
	s6 =	simm.s32 $0x2  }
0x16: {  	s9 =	simm.s32 $0x180;
	s10 =	simm.s32 $0x1;
	s17 =	simm.s32 $0xD80  }
0x17: {  	s11 =	simm.s32 $0x200;
	s18 =	simm.s32 $0xE00;
	[dreg:$0x1c] =	wrdreg s17  }
0x18: {  	s12 =	simm.s32 $0x480;
	s19 =	simm.s32 $0xE80;
	[dreg:$0x1d] =	wrdreg s18  }
0x19: {  	s20 =	simm.s32 $0xF00;
	s21 =	simm.s32 $0xF80;
	[dreg:$0x1e] =	wrdreg s19  }
0x1a: {  	s22 =	simm.s32 $0x1000;
	s23 =	simm.s32 $0x1080;
	[dreg:$0x1f] =	wrdreg s20  }
0x1b: {  	s24 =	simm.s32 $0x1100;
	s25 =	simm.s32 $0x1180;
	[smem:$0x7F7] =	sst s21  }
0x1c: {  	s26 =	simm.s32 $0x1200;
	s7 =	sadd.s32 s7, s1;
	[smem:$0x7F8] =	sst s22  }
0x1d: {  	s17 =	simm.s32 $0x700;
	s18 =	simm.s32 $0x780;
	[smem:$0x7F9] =	sst s23  }
0x1e: {  	s19 =	simm.s32 $0x800;
	s20 =	simm.s32 $0x880;
	[smem:$0x7FA] =	sst s24  }
0x1f: {  	s21 =	simm.s32 $0x900;
	s22 =	simm.s32 $0x980;
	[smem:$0x7FB] =	sst s25  }
0x20: {  	s23 =	simm.s32 $0xA00;
	[smem:$0x7FC] =	sst s26;
	s24 =	simm.s32 $0xA80  }
0x21: {  	s25 =	simm.s32 $0xB00;
	s26 =	simm.s32 $0xB80;
	s13 =	sadd.s32 $0x1000, s7  }
0x22: {  	s14 =	sadd.s32 $0x1010, s7;
	s15 =	sadd.s32 $0x1020, s7;
	[dreg:$0x5] =	wrdreg s13  }
0x23: {  	s16 =	sadd.s32 $0x1030, s7;
	s7 =	sor.u32 s8, s29;
	[dreg:$0x6] =	wrdreg s14  }
0x24: {  	s8 =	simm.s32 $0x100;
	s29 =	simm.s32 $0x1280;
	[dreg:$0x7] =	wrdreg s15  }
0x25: {  	[dreg:$0x8] =	wrdreg s16;
	s7 =	sshrl.u32 s7, $0x3;
	s13 =	sshrl.u32 s5, $0x1  }
0x26: {  	s14 =	simm.s32 $0x280;
	s15 =	simm.s32 $0xC80;
	[smem:$0x7FD] =	sst s29  }
0x27: {  	s16 =	simm.s32 $0xD00;
	s1 =	sadd.s32 s7, s1;
	[dreg:$0x19] =	wrdreg s14  }
0x28: {  	s5 =	ssub.s32 s5, s13;
	s7 =	simm.s32 $0x80;
	[dreg:$0x1a] =	wrdreg s15  }
0x29: {  	s13 =	simm.s32 $0x500;
	[dreg:$0x1b] =	wrdreg s16;
	s14 =	simm.s32 $0x580  }
0x2a: {  	s15 =	simm.s32 $0x600;
	s16 =	simm.s32 $0x680;
	s1 =	sadd.s32 $0x1800, s1  }
0x2b: {  	v0 =	vimm.s32 $0x0;
	s5 =	smax.u32 s5, $0x1;
	[dreg:$0x18] =	wrdreg s1;
	s1 =	simm.s32 $0x1480  }
.LBB2_1:
0x2c: {  	[tilespmem:$0x280] =	vst v0  }
0x2d: {  	[tilespmem:$0x290] =	vst v0  }
0x2e: {  	[tilespmem:$0x2A0] =	vst v0  }
0x2f: {  	[tilespmem:$0x2B0] =	vst v0  }
0x30: {  	[tilespmem:$0x2C0] =	vst v0  }
0x31: {  	[tilespmem:$0x2D0] =	vst v0  }
0x32: {  	[tilespmem:$0x2E0] =	vst v0  }
0x33: {  	[tilespmem:$0x2F0] =	vst v0  }
0x34: {  	[tilespmem:$0x300] =	vst v0  }
0x35: {  	[tilespmem:$0x310] =	vst v0  }
0x36: {  	[tilespmem:$0x320] =	vst v0  }
0x37: {  	[tilespmem:$0x330] =	vst v0  }
0x38: {  	[tilespmem:$0x340] =	vst v0  }
0x39: {  	[tilespmem:$0x350] =	vst v0  }
0x3a: {  	[tilespmem:$0x360] =	vst v0  }
0x3b: {  	[tilespmem:$0x370] =	vst v0  }
0x3c: {  	[tilespmem:$0x380] =	vst v0  }
0x3d: {  	[tilespmem:$0x390] =	vst v0  }
0x3e: {  	[tilespmem:$0x3A0] =	vst v0  }
0x3f: {  	[tilespmem:$0x3B0] =	vst v0  }
0x40: {  	[tilespmem:$0x3C0] =	vst v0  }
0x41: {  	[tilespmem:$0x3D0] =	vst v0  }
0x42: {  	[tilespmem:$0x3E0] =	vst v0  }
0x43: {  	[tilespmem:$0x3F0] =	vst v0  }
0x44: {  	[tilespmem:$0x400] =	vst v0  }
0x45: {  	[tilespmem:$0x410] =	vst v0  }
0x46: {  	[tilespmem:$0x420] =	vst v0  }
0x47: {  	[tilespmem:$0x430] =	vst v0  }
0x48: {  	[tilespmem:$0x440] =	vst v0  }
0x49: {  	[tilespmem:$0x450] =	vst v0  }
0x4a: {  	s0 =	rddreg [dreg:$0x4];
	[tilespmem:$0x460] =	vst v0  }
0x4b: {  	s29 =	rddreg [dreg:$0x19];
	[tilespmem:$0x470] =	vst v0  }
0x4c: {  	[spmem:s0] =	stream.linear.scatter [tilespmem:s29], [sflag:$0x2], $0x200, $0x38;
	[tilespmem:$0x1780] =	vst v63  }
0x4d: {  	_ =	swait.ge [sflag:s6], $0x200  }
0x4e: {  	[sflag:s6] =	ssyncset.done $0x0  }
0x4f: {  	[sflag:s6] =	ssyncadd.s32 $0xFFFFFE00  }
0x50: {  	[bflag:$0x0] =	sbarrier.arrive $0xFFFF  }
0x51: {  	s0 =	rddreg [dreg:$0x5]  }
0x52: {  	[tilespmem:s3], [sflag:$0x1] =	stream.linear.gather [hbm4b:s0+s3], $0x80, $0x38;
	[tilespmem:$0x1780] =	vst v63  }
0x53: {  	s29 =	rddreg [dreg:$0x6]  }
0x54: {  	[tilespmem:s7], [sflag:$0x1] =	stream.linear.gather [hbm4b:s29+s3], $0x80, $0x38;
	[tilespmem:$0x1780] =	vst v63  }
0x55: {  	s0 =	rddreg [dreg:$0x7]  }
0x56: {  	[tilespmem:s8], [sflag:$0x1] =	stream.linear.gather [hbm4b:s0+s3], $0x80, $0x38;
	[tilespmem:$0x1780] =	vst v63  }
0x57: {  	s29 =	rddreg [dreg:$0x8]  }
0x58: {  	v1 =	vimm.s32 $0x1;
	[tilespmem:s9], [sflag:$0x1] =	stream.linear.gather [hbm4b:s29+s3], $0x80, $0x38;
	[tilespmem:$0x1780] =	vst v63  }
0x59: {  	[tilespmem:$0x200] =	vst v1  }
0x5a: {  	[tilespmem:$0x210] =	vst v1  }
0x5b: {  	[tilespmem:$0x220] =	vst v1  }
0x5c: {  	[tilespmem:$0x230] =	vst v1  }
0x5d: {  	[tilespmem:$0x240] =	vst v1  }
0x5e: {  	[tilespmem:$0x250] =	vst v1  }
0x5f: {  	[tilespmem:$0x260] =	vst v1  }
0x60: {  	[tilespmem:$0x270] =	vst v1  }
0x61: {  	_ =	swait.ge [sflag:s10], $0x80  }
0x62: {  	[sflag:s10] =	ssyncset.done $0x0  }
0x63: {  	[sflag:s10] =	ssyncadd.s32 $0xFFFFFF80  }
0x64: {  	_ =	swait.ge [sflag:s10], $0x80  }
0x65: {  	[sflag:s10] =	ssyncset.done $0x0  }
0x66: {  	[sflag:s10] =	ssyncadd.s32 $0xFFFFFF80  }
0x67: {  	_ =	swait.ge [sflag:s10], $0x80  }
0x68: {  	[sflag:s10] =	ssyncset.done $0x0  }
0x69: {  	[sflag:s10] =	ssyncadd.s32 $0xFFFFFF80  }
0x6a: {  	_ =	swait.ge [sflag:s10], $0x80  }
0x6b: {  	[sflag:s10] =	ssyncset.done $0x0  }
0x6c: {  	[sflag:s10] =	ssyncadd.s32 $0xFFFFFF80  }
0x6d: {  	[spmem:s2] =	stream.indirect.scatter.add.s32 [tilespmem:s11], [sflag:$0x2], $0x1, s3, s7, $0xb8;
	[tilespmem:$0x1780] =	vst v63  }
0x6e: {  	_ =	swait.ge [sflag:s6], $0x80  }
0x6f: {  	[sflag:s6] =	ssyncset.done $0x0  }
0x70: {  	[sflag:s6] =	ssyncadd.s32 $0xFFFFFF80  }
0x71: {  	[spmem:s2] =	stream.indirect.scatter.add.s32 [tilespmem:s11], [sflag:$0x2], $0x1, s7, s7, $0xb8;
	[tilespmem:$0x1780] =	vst v63  }
0x72: {  	_ =	swait.ge [sflag:s6], $0x80  }
0x73: {  	[sflag:s6] =	ssyncset.done $0x0  }
0x74: {  	[sflag:s6] =	ssyncadd.s32 $0xFFFFFF80  }
0x75: {  	[spmem:s2] =	stream.indirect.scatter.add.s32 [tilespmem:s11], [sflag:$0x2], $0x1, s8, s7, $0xb8;
	[tilespmem:$0x1780] =	vst v63  }
0x76: {  	_ =	swait.ge [sflag:s6], $0x80  }
0x77: {  	[sflag:s6] =	ssyncset.done $0x0  }
0x78: {  	[sflag:s6] =	ssyncadd.s32 $0xFFFFFF80  }
0x79: {  	[spmem:s2] =	stream.indirect.scatter.add.s32 [tilespmem:s11], [sflag:$0x2], $0x1, s9, s7, $0xb8;
	[tilespmem:$0x1780] =	vst v63  }
0x7a: {  	_ =	swait.ge [sflag:s6], $0x80  }
0x7b: {  	[sflag:s6] =	ssyncset.done $0x0  }
0x7c: {  	[sflag:s6] =	ssyncadd.s32 $0xFFFFFF80  }
0x7d: {  	[bflag:$0x0] =	sbarrier.arrive $0xFFFF  }
0x7e: {  	[tilespmem:s12], [sflag:$0x1] =	stream.linear.gather [hbm4b:s4+s3], $0x80, $0x38;
	[tilespmem:$0x1780] =	vst v63  }
0x7f: {  	s0 =	rddreg [dreg:$0x9]  }
0x80: {  	[tilespmem:s13], [sflag:$0x1] =	stream.linear.gather [hbm4b:s0+s3], $0x80, $0x38;
	[tilespmem:$0x1780] =	vst v63  }
0x81: {  	s29 =	rddreg [dreg:$0xa]  }
0x82: {  	[tilespmem:s14], [sflag:$0x1] =	stream.linear.gather [hbm4b:s29+s3], $0x80, $0x38;
	[tilespmem:$0x1780] =	vst v63  }
0x83: {  	s0 =	rddreg [dreg:$0xb]  }
0x84: {  	[tilespmem:s15], [sflag:$0x1] =	stream.linear.gather [hbm4b:s0+s3], $0x80, $0x38;
	[tilespmem:$0x1780] =	vst v63  }
0x85: {  	s29 =	rddreg [dreg:$0xc]  }
0x86: {  	[tilespmem:s16], [sflag:$0x1] =	stream.linear.gather [hbm4b:s29+s3], $0x80, $0x38;
	[tilespmem:$0x1780] =	vst v63  }
0x87: {  	s0 =	rddreg [dreg:$0xd]  }
0x88: {  	[tilespmem:s17], [sflag:$0x1] =	stream.linear.gather [hbm4b:s0+s3], $0x80, $0x38;
	[tilespmem:$0x1780] =	vst v63  }
0x89: {  	s29 =	rddreg [dreg:$0xe]  }
0x8a: {  	[tilespmem:s18], [sflag:$0x1] =	stream.linear.gather [hbm4b:s29+s3], $0x80, $0x38;
	[tilespmem:$0x1780] =	vst v63  }
0x8b: {  	s0 =	rddreg [dreg:$0xf]  }
0x8c: {  	[tilespmem:s19], [sflag:$0x1] =	stream.linear.gather [hbm4b:s0+s3], $0x80, $0x38;
	[tilespmem:$0x1780] =	vst v63  }
0x8d: {  	s29 =	rddreg [dreg:$0x10]  }
0x8e: {  	[tilespmem:s20], [sflag:$0x1] =	stream.linear.gather [hbm4b:s29+s3], $0x80, $0x38;
	[tilespmem:$0x1780] =	vst v63  }
0x8f: {  	s0 =	rddreg [dreg:$0x11]  }
0x90: {  	[tilespmem:s21], [sflag:$0x1] =	stream.linear.gather [hbm4b:s0+s3], $0x80, $0x38;
	[tilespmem:$0x1780] =	vst v63  }
0x91: {  	s29 =	rddreg [dreg:$0x12]  }
0x92: {  	[tilespmem:s22], [sflag:$0x1] =	stream.linear.gather [hbm4b:s29+s3], $0x80, $0x38;
	[tilespmem:$0x1780] =	vst v63  }
0x93: {  	s0 =	rddreg [dreg:$0x13]  }
0x94: {  	[tilespmem:s23], [sflag:$0x1] =	stream.linear.gather [hbm4b:s0+s3], $0x80, $0x38;
	[tilespmem:$0x1780] =	vst v63  }
0x95: {  	s29 =	rddreg [dreg:$0x14]  }
0x96: {  	[tilespmem:s24], [sflag:$0x1] =	stream.linear.gather [hbm4b:s29+s3], $0x80, $0x38;
	[tilespmem:$0x1780] =	vst v63  }
0x97: {  	s0 =	rddreg [dreg:$0x15]  }
0x98: {  	[tilespmem:s25], [sflag:$0x1] =	stream.linear.gather [hbm4b:s0+s3], $0x80, $0x38;
	[tilespmem:$0x1780] =	vst v63  }
0x99: {  	s29 =	rddreg [dreg:$0x16]  }
0x9a: {  	[tilespmem:s26], [sflag:$0x1] =	stream.linear.gather [hbm4b:s29+s3], $0x80, $0x38;
	[tilespmem:$0x1780] =	vst v63  }
0x9b: {  	s0 =	rddreg [dreg:$0x17]  }
0x9c: {  	[tilespmem:s28], [sflag:$0x1] =	stream.linear.gather [hbm4b:s0+s3], $0x80, $0x38;
	[tilespmem:$0x1780] =	vst v63  }
0x9d: {  	_ =	swait.ge [sflag:s10], $0x80  }
0x9e: {  	[sflag:s10] =	ssyncset.done $0x0  }
0x9f: {  	[sflag:s10] =	ssyncadd.s32 $0xFFFFFF80  }
0xa0: {  	_ =	swait.ge [sflag:s10], $0x80  }
0xa1: {  	[sflag:s10] =	ssyncset.done $0x0  }
0xa2: {  	[sflag:s10] =	ssyncadd.s32 $0xFFFFFF80  }
0xa3: {  	_ =	swait.ge [sflag:s10], $0x80  }
0xa4: {  	[sflag:s10] =	ssyncset.done $0x0  }
0xa5: {  	[sflag:s10] =	ssyncadd.s32 $0xFFFFFF80  }
0xa6: {  	_ =	swait.ge [sflag:s10], $0x80  }
0xa7: {  	[sflag:s10] =	ssyncset.done $0x0  }
0xa8: {  	[sflag:s10] =	ssyncadd.s32 $0xFFFFFF80  }
0xa9: {  	_ =	swait.ge [sflag:s10], $0x80  }
0xaa: {  	[sflag:s10] =	ssyncset.done $0x0  }
0xab: {  	[sflag:s10] =	ssyncadd.s32 $0xFFFFFF80  }
0xac: {  	_ =	swait.ge [sflag:s10], $0x80  }
0xad: {  	[sflag:s10] =	ssyncset.done $0x0  }
0xae: {  	[sflag:s10] =	ssyncadd.s32 $0xFFFFFF80  }
0xaf: {  	_ =	swait.ge [sflag:s10], $0x80  }
0xb0: {  	[sflag:s10] =	ssyncset.done $0x0  }
0xb1: {  	[sflag:s10] =	ssyncadd.s32 $0xFFFFFF80  }
0xb2: {  	_ =	swait.ge [sflag:s10], $0x80  }
0xb3: {  	[sflag:s10] =	ssyncset.done $0x0  }
0xb4: {  	[sflag:s10] =	ssyncadd.s32 $0xFFFFFF80  }
0xb5: {  	_ =	swait.ge [sflag:s10], $0x80  }
0xb6: {  	[sflag:s10] =	ssyncset.done $0x0  }
0xb7: {  	[sflag:s10] =	ssyncadd.s32 $0xFFFFFF80  }
0xb8: {  	_ =	swait.ge [sflag:s10], $0x80  }
0xb9: {  	[sflag:s10] =	ssyncset.done $0x0  }
0xba: {  	[sflag:s10] =	ssyncadd.s32 $0xFFFFFF80  }
0xbb: {  	_ =	swait.ge [sflag:s10], $0x80  }
0xbc: {  	[sflag:s10] =	ssyncset.done $0x0  }
0xbd: {  	[sflag:s10] =	ssyncadd.s32 $0xFFFFFF80  }
0xbe: {  	_ =	swait.ge [sflag:s10], $0x80  }
0xbf: {  	[sflag:s10] =	ssyncset.done $0x0  }
0xc0: {  	[sflag:s10] =	ssyncadd.s32 $0xFFFFFF80  }
0xc1: {  	_ =	swait.ge [sflag:s10], $0x80  }
0xc2: {  	[sflag:s10] =	ssyncset.done $0x0  }
0xc3: {  	[sflag:s10] =	ssyncadd.s32 $0xFFFFFF80  }
0xc4: {  	_ =	swait.ge [sflag:s10], $0x80  }
0xc5: {  	[sflag:s10] =	ssyncset.done $0x0  }
0xc6: {  	[sflag:s10] =	ssyncadd.s32 $0xFFFFFF80  }
0xc7: {  	_ =	swait.ge [sflag:s10], $0x80  }
0xc8: {  	[sflag:s10] =	ssyncset.done $0x0  }
0xc9: {  	[sflag:s10] =	ssyncadd.s32 $0xFFFFFF80  }
0xca: {  	_ =	swait.ge [sflag:s10], $0x80  }
0xcb: {  	s0 =	rddreg [dreg:$0x1a];
	[sflag:s10] =	ssyncset.done $0x0  }
0xcc: {  	s29 =	rddreg [dreg:$0x1b];
	[sflag:s10] =	ssyncadd.s32 $0xFFFFFF80  }
0xcd: {  	[tilespmem:s0], [sflag:$0x1] =	stream.indirect.gather [spmem:s2], $0x1, s12, s7, $0xb8;
	[tilespmem:$0x1780] =	vst v63  }
0xce: {  	s0 =	rddreg [dreg:$0x1c]  }
0xcf: {  	[tilespmem:s29], [sflag:$0x1] =	stream.indirect.gather [spmem:s2], $0x1, s13, s7, $0xb8;
	[tilespmem:$0x1780] =	vst v63  }
0xd0: {  	s29 =	rddreg [dreg:$0x1d]  }
0xd1: {  	[tilespmem:s0], [sflag:$0x1] =	stream.indirect.gather [spmem:s2], $0x1, s14, s7, $0xb8;
	[tilespmem:$0x1780] =	vst v63  }
0xd2: {  	s0 =	rddreg [dreg:$0x1e]  }
0xd3: {  	[tilespmem:s29], [sflag:$0x1] =	stream.indirect.gather [spmem:s2], $0x1, s15, s7, $0xb8;
	[tilespmem:$0x1780] =	vst v63  }
0xd4: {  	s29 =	rddreg [dreg:$0x1f]  }
0xd5: {  	[tilespmem:s0], [sflag:$0x1] =	stream.indirect.gather [spmem:s2], $0x1, s16, s7, $0xb8;
	[tilespmem:$0x1780] =	vst v63  }
0xd6: {  	s0 =	sld [smem:$0x7F7]  }
0xd7: {  	[tilespmem:s29], [sflag:$0x1] =	stream.indirect.gather [spmem:s2], $0x1, s17, s7, $0xb8;
	[tilespmem:$0x1780] =	vst v63  }
0xd8: {  	s29 =	sld [smem:$0x7F8]  }
0xd9: {  	[tilespmem:s0], [sflag:$0x1] =	stream.indirect.gather [spmem:s2], $0x1, s18, s7, $0xb8;
	[tilespmem:$0x1780] =	vst v63  }
0xda: {  	s0 =	sld [smem:$0x7F9]  }
0xdb: {  	[tilespmem:s29], [sflag:$0x1] =	stream.indirect.gather [spmem:s2], $0x1, s19, s7, $0xb8;
	[tilespmem:$0x1780] =	vst v63  }
0xdc: {  	s29 =	sld [smem:$0x7FA]  }
0xdd: {  	[tilespmem:s0], [sflag:$0x1] =	stream.indirect.gather [spmem:s2], $0x1, s20, s7, $0xb8;
	[tilespmem:$0x1780] =	vst v63  }
0xde: {  	s0 =	sld [smem:$0x7FB]  }
0xdf: {  	[tilespmem:s29], [sflag:$0x1] =	stream.indirect.gather [spmem:s2], $0x1, s21, s7, $0xb8;
	[tilespmem:$0x1780] =	vst v63  }
0xe0: {  	s29 =	sld [smem:$0x7FC]  }
0xe1: {  	[tilespmem:s0], [sflag:$0x1] =	stream.indirect.gather [spmem:s2], $0x1, s22, s7, $0xb8;
	[tilespmem:$0x1780] =	vst v63  }
0xe2: {  	s0 =	sld [smem:$0x7FD]  }
0xe3: {  	[tilespmem:s29], [sflag:$0x1] =	stream.indirect.gather [spmem:s2], $0x1, s23, s7, $0xb8;
	[tilespmem:$0x1780] =	vst v63  }
0xe4: {  	_ = 	snop  }
0xe5: {  	[tilespmem:s0], [sflag:$0x1] =	stream.indirect.gather [spmem:s2], $0x1, s24, s7, $0xb8;
	[tilespmem:$0x1780] =	vst v63  }
0xe6: {  	s29 =	simm.s32 $0x1300  }
0xe7: {  	[tilespmem:s29], [sflag:$0x1] =	stream.indirect.gather [spmem:s2], $0x1, s25, s7, $0xb8;
	[tilespmem:$0x1780] =	vst v63  }
0xe8: {  	_ = 	snop  }
0xe9: {  	[tilespmem:s30], [sflag:$0x1] =	stream.indirect.gather [spmem:s2], $0x1, s26, s7, $0xb8;
	[tilespmem:$0x1780] =	vst v63  }
0xea: {  	_ = 	snop  }
0xeb: {  	[tilespmem:s31], [sflag:$0x1] =	stream.indirect.gather [spmem:s2], $0x1, s28, s7, $0xb8;
	[tilespmem:$0x1780] =	vst v63  }
0xec: {  	_ =	swait.ge [sflag:s10], $0x80  }
0xed: {  	[sflag:s10] =	ssyncset.done $0x0  }
0xee: {  	[sflag:s10] =	ssyncadd.s32 $0xFFFFFF80  }
0xef: {  	_ =	swait.ge [sflag:s10], $0x80  }
0xf0: {  	[sflag:s10] =	ssyncset.done $0x0  }
0xf1: {  	[sflag:s10] =	ssyncadd.s32 $0xFFFFFF80  }
0xf2: {  	_ =	swait.ge [sflag:s10], $0x80  }
0xf3: {  	[sflag:s10] =	ssyncset.done $0x0  }
0xf4: {  	[sflag:s10] =	ssyncadd.s32 $0xFFFFFF80  }
0xf5: {  	_ =	swait.ge [sflag:s10], $0x80  }
0xf6: {  	[sflag:s10] =	ssyncset.done $0x0  }
0xf7: {  	[sflag:s10] =	ssyncadd.s32 $0xFFFFFF80  }
0xf8: {  	_ =	swait.ge [sflag:s10], $0x80  }
0xf9: {  	[sflag:s10] =	ssyncset.done $0x0  }
0xfa: {  	[sflag:s10] =	ssyncadd.s32 $0xFFFFFF80  }
0xfb: {  	_ =	swait.ge [sflag:s10], $0x80  }
0xfc: {  	[sflag:s10] =	ssyncset.done $0x0  }
0xfd: {  	[sflag:s10] =	ssyncadd.s32 $0xFFFFFF80  }
0xfe: {  	_ =	swait.ge [sflag:s10], $0x80  }
0xff: {  	[sflag:s10] =	ssyncset.done $0x0  }
0x100: {  	[sflag:s10] =	ssyncadd.s32 $0xFFFFFF80  }
0x101: {  	_ =	swait.ge [sflag:s10], $0x80  }
0x102: {  	[sflag:s10] =	ssyncset.done $0x0  }
0x103: {  	[sflag:s10] =	ssyncadd.s32 $0xFFFFFF80  }
0x104: {  	_ =	swait.ge [sflag:s10], $0x80  }
0x105: {  	[sflag:s10] =	ssyncset.done $0x0  }
0x106: {  	[sflag:s10] =	ssyncadd.s32 $0xFFFFFF80  }
0x107: {  	_ =	swait.ge [sflag:s10], $0x80  }
0x108: {  	[sflag:s10] =	ssyncset.done $0x0  }
0x109: {  	[sflag:s10] =	ssyncadd.s32 $0xFFFFFF80  }
0x10a: {  	_ =	swait.ge [sflag:s10], $0x80  }
0x10b: {  	[sflag:s10] =	ssyncset.done $0x0  }
0x10c: {  	[sflag:s10] =	ssyncadd.s32 $0xFFFFFF80  }
0x10d: {  	_ =	swait.ge [sflag:s10], $0x80  }
0x10e: {  	[sflag:s10] =	ssyncset.done $0x0  }
0x10f: {  	[sflag:s10] =	ssyncadd.s32 $0xFFFFFF80  }
0x110: {  	_ =	swait.ge [sflag:s10], $0x80  }
0x111: {  	[sflag:s10] =	ssyncset.done $0x0  }
0x112: {  	[sflag:s10] =	ssyncadd.s32 $0xFFFFFF80  }
0x113: {  	_ =	swait.ge [sflag:s10], $0x80  }
0x114: {  	[sflag:s10] =	ssyncset.done $0x0  }
0x115: {  	[sflag:s10] =	ssyncadd.s32 $0xFFFFFF80  }
0x116: {  	_ =	swait.ge [sflag:s10], $0x80  }
0x117: {  	[sflag:s10] =	ssyncset.done $0x0  }
0x118: {  	[sflag:s10] =	ssyncadd.s32 $0xFFFFFF80  }
0x119: {  	_ =	swait.ge [sflag:s10], $0x80  }
0x11a: {  	[sflag:s10] =	ssyncset.done $0x0  }
0x11b: {  	[sflag:s10] =	ssyncadd.s32 $0xFFFFFF80  }
0x11c: {  	v2 =	vld [tilespmem:$0xC80]  }
0x11d: {  	v3 =	vld [tilespmem:$0xD80]  }
0x11e: {  	v4 =	vld [tilespmem:$0xE80]  }
0x11f: {  	v5 =	vld [tilespmem:$0xF80]  }
0x120: {  	v6 =	vld [tilespmem:$0x1080]  }
0x121: {  	v7 =	vld [tilespmem:$0x1180]  }
0x122: {  	v9 =	vld [tilespmem:$0x1280]  }
0x123: {  	v15 =	vld [tilespmem:$0x1380]  }
0x124: {  	v10 =	vld [tilespmem:$0xC90]  }
0x125: {  	v11 =	vld [tilespmem:$0xD90]  }
0x126: {  	v12 =	vld [tilespmem:$0xE90]  }
0x127: {  	v16 =	vld [tilespmem:$0xF90]  }
0x128: {  	v33 =	vld [tilespmem:$0x1090]  }
0x129: {  	v49 =	vld [tilespmem:$0x1190]  }
0x12a: {  	v1 =	vld [tilespmem:$0x1290]  }
0x12b: {  	v18 =	vld [tilespmem:$0xCA0]  }
0x12c: {  	v19 =	vld [tilespmem:$0xDA0]  }
0x12d: {  	v20 =	vld [tilespmem:$0xEA0]  }
0x12e: {  	v21 =	vld [tilespmem:$0xFA0]  }
0x12f: {  	v22 =	vld [tilespmem:$0x10A0]  }
0x130: {  	v25 =	vld [tilespmem:$0x11A0]  }
0x131: {  	v47 =	vld [tilespmem:$0x12A0]  }
0x132: {  	v63 =	vld [tilespmem:$0x13A0]  }
0x133: {  	v26 =	vld [tilespmem:$0xCB0]  }
0x134: {  	v27 =	vld [tilespmem:$0xDB0]  }
0x135: {  	v28 =	vld [tilespmem:$0xEB0]  }
0x136: {  	v29 =	vld [tilespmem:$0xFB0]  }
0x137: {  	v30 =	vld [tilespmem:$0x10B0]  }
0x138: {  	v31 =	vld [tilespmem:$0x11B0]  }
0x139: {  	v32 =	vld [tilespmem:$0x12B0]  }
0x13a: {  	v38 =	vld [tilespmem:$0x13B0]  }
0x13b: {  	v34 =	vld [tilespmem:$0xCC0]  }
0x13c: {  	v35 =	vld [tilespmem:$0xDC0]  }
0x13d: {  	v36 =	vld [tilespmem:$0xEC0]  }
0x13e: {  	v37 =	vld [tilespmem:$0xFC0]  }
0x13f: {  	v57 =	vld [tilespmem:$0x10C0]  }
0x140: {  	v42 =	vld [tilespmem:$0xCD0]  }
0x141: {  	v43 =	vld [tilespmem:$0xDD0]  }
0x142: {  	v44 =	vld [tilespmem:$0xED0]  }
0x143: {  	v45 =	vld [tilespmem:$0xFD0]  }
0x144: {  	v46 =	vld [tilespmem:$0x10D0]  }
0x145: {  	v61 =	vld [tilespmem:$0x11D0]  }
0x146: {  	v50 =	vld [tilespmem:$0xCE0]  }
0x147: {  	v51 =	vld [tilespmem:$0xDE0]  }
0x148: {  	v52 =	vld [tilespmem:$0xEE0]  }
0x149: {  	v53 =	vld [tilespmem:$0xFE0]  }
0x14a: {  	v54 =	vld [tilespmem:$0x10E0]  }
0x14b: {  	v55 =	vld [tilespmem:$0x11E0]  }
0x14c: {  	v56 =	vld [tilespmem:$0x12E0]  }
0x14d: {  	v58 =	vld [tilespmem:$0xCF0]  }
0x14e: {  	v59 =	vld [tilespmem:$0xDF0]  }
0x14f: {  	v60 =	vld [tilespmem:$0xEF0]  }
0x150: {  	v17 =	vld [tilespmem:$0xD00]  }
0x151: {  	v14 =	vld [tilespmem:$0xE00]  }
0x152: {  	v23 =	vld [tilespmem:$0xF00]  }
0x153: {  	[tilespmem:$0x1FE30] =	vst v1;
	v1 =	vld [tilespmem:$0x1390]  }
0x154: {  	v39 =	vld [tilespmem:$0x1000]  }
0x155: {  	v8 =	vld [tilespmem:$0xD10]  }
0x156: {  	v13 =	vld [tilespmem:$0xF10]  }
0x157: {  	v24 =	vld [tilespmem:$0x1010]  }
0x158: {  	[tilespmem:$0x1FE40] =	vst v1;
	v1 =	vld [tilespmem:$0x11C0]  }
0x159: {  	v62 =	vld [tilespmem:$0x1310]  }
0x15a: {  	v48 =	vld [tilespmem:$0x1410]  }
0x15b: {  	v41 =	vld [tilespmem:$0x1210]  }
0x15c: {  	v40 =	vld [tilespmem:$0x1110]  }
0x15d: {  	[tilespmem:$0x1FE50] =	vst v1;
	v1 =	vld [tilespmem:$0x12C0]  }
0x15e: {  	[tilespmem:$0x1FF50] =	vst v62;
	v62 =	vld [tilespmem:$0xD20]  }
0x15f: {  	[tilespmem:$0x1FF80] =	vst v48;
	v48 =	vld [tilespmem:$0xE20]  }
0x160: {  	[tilespmem:$0x1FF30] =	vst v41;
	v41 =	vld [tilespmem:$0xE30]  }
0x161: {  	v2 =	vadd.s32 v2, v3;
	v3 =	vld [tilespmem:$0x1030]  }
0x162: {  	[tilespmem:$0x1FE60] =	vst v1;
	v1 =	vld [tilespmem:$0x13C0]  }
0x163: {  	v19 =	vadd.s32 v18, v19;
	v18 =	vld [tilespmem:$0x1040]  }
0x164: {  	v42 =	vadd.s32 v42, v43;
	v14 =	vadd.s32 v17, v14;
	v17 =	vld [tilespmem:$0x1450]  }
0x165: {  	v43 =	vadd.s32 v50, v51;
	v50 =	vadd.s32 v58, v59;
	v2 =	vadd.s32 v4, v2;
	v4 =	vld [tilespmem:$0x1130]  }
0x166: {  	v35 =	vadd.s32 v34, v35;
	v34 =	vadd.s32 v60, v50;
	v60 =	vld [tilespmem:$0x1FF30]  }
0x167: {  	[tilespmem:$0x1FE70] =	vst v1;
	v1 =	vld [tilespmem:$0x12D0]  }
0x168: {  	v27 =	vadd.s32 v26, v27;
	v26 =	vadd.s32 v44, v42;
	v42 =	vld [tilespmem:$0x1260]  }
0x169: {  	v50 =	vld [tilespmem:$0xD70]  }
0x16a: {  	v2 =	vadd.s32 v5, v2;
	v5 =	vld [tilespmem:$0x1230]  }
0x16b: {  	v2 =	vadd.s32 v6, v2;
	v6 =	vld [tilespmem:$0x1330]  }
0x16c: {  	[tilespmem:$0x1FE80] =	vst v1;
	v1 =	vld [tilespmem:$0x13D0]  }
0x16d: {  	v2 =	vadd.s32 v7, v2;
	v7 =	vld [tilespmem:$0x1430]  }
0x16e: {  	[tilespmem:$0x1FF60] =	vst v62;
	v62 =	vld [tilespmem:$0xF20]  }
0x16f: {  	[tilespmem:$0x1FF70] =	vst v48;
	v48 =	vld [tilespmem:$0x1020];
	v2 =	vadd.s32 v9, v2  }
0x170: {  	v2 =	vadd.s32 v15, v2;
	v15 =	vadd.s32 v28, v27;
	v27 =	vld [tilespmem:$0xD50]  }
0x171: {  	[tilespmem:$0x1FE90] =	vst v1;
	v1 =	vld [tilespmem:$0x13E0]  }
0x172: {  	v15 =	vadd.s32 v29, v15;
	v29 =	vld [tilespmem:$0x1FE30]  }
0x173: {  	[tilespmem:$0x1480] =	vst v2;
	v2 =	vld [tilespmem:$0x1FF80]  }
0x174: {  	[tilespmem:$0x1FF90] =	vst v62;
	v62 =	vld [tilespmem:$0x1120]  }
0x175: {  	v15 =	vadd.s32 v30, v15;
	v30 =	vld [tilespmem:$0xF50]  }
0x176: {  	[tilespmem:$0x1FEA0] =	vst v1;
	v1 =	vld [tilespmem:$0xFF0]  }
0x177: {  	[tilespmem:$0x1FFA0] =	vst v48;
	v48 =	vld [tilespmem:$0x1220]  }
0x178: {  	v15 =	vadd.s32 v31, v15;
	v31 =	vld [tilespmem:$0x1050]  }
0x179: {  	[tilespmem:$0x1FFC0] =	vst v62;
	v62 =	vld [tilespmem:$0x1320]  }
0x17a: {  	v15 =	vadd.s32 v32, v15;
	v32 =	vld [tilespmem:$0x1150]  }
0x17b: {  	[tilespmem:$0x1FEB0] =	vst v1;
	v1 =	vld [tilespmem:$0x10F0]  }
0x17c: {  	[tilespmem:$0x1FFD0] =	vst v48;
	v48 =	vld [tilespmem:$0x1420]  }
0x17d: {  	v44 =	vld [tilespmem:$0x1FE50]  }
0x17e: {  	[tilespmem:$0x1FFE0] =	vst v62;
	v62 =	vld [tilespmem:$0xF30]  }
0x17f: {  	v26 =	vadd.s32 v45, v26;
	v45 =	vld [tilespmem:$0x1FE60]  }
0x180: {  	[tilespmem:$0x1FEC0] =	vst v1;
	v1 =	vld [tilespmem:$0x11F0]  }
0x181: {  	[tilespmem:$0x1FFF0] =	vst v48;
	v48 =	vld [tilespmem:$0xD30]  }
0x182: {  	v26 =	vadd.s32 v46, v26;
	v46 =	vld [tilespmem:$0x1FE70]  }
0x183: {  	[tilespmem:$0x1FFB0] =	vst v62;
	v62 =	vadd.s32 v10, v11;
	v10 =	vld [tilespmem:$0xD40]  }
0x184: {  	v11 =	vadd.s32 v20, v19;
	v19 =	vld [tilespmem:$0x1140]  }
0x185: {  	[tilespmem:$0x1FED0] =	vst v1;
	v1 =	vld [tilespmem:$0x12F0]  }
0x186: {  	v20 =	vld [tilespmem:$0x1240]  }
0x187: {  	v28 =	vadd.s32 v52, v43;
	v43 =	vadd.s32 v48, v41;
	v48 =	vld [tilespmem:$0x1FFC0]  }
0x188: {  	v9 =	vadd.s32 v12, v62;
	v12 =	vld [tilespmem:$0xE40]  }
0x189: {  	v11 =	vadd.s32 v21, v11;
	v21 =	vld [tilespmem:$0x1340]  }
0x18a: {  	[tilespmem:$0x1FEF0] =	vst v1;
	v1 =	vld [tilespmem:$0x13F0]  }
0x18b: {  	v62 =	vld [tilespmem:$0x1FF50]  }
0x18c: {  	v9 =	vadd.s32 v16, v9;
	v16 =	vld [tilespmem:$0xF40]  }
0x18d: {  	v11 =	vadd.s32 v22, v11;
	v22 =	vadd.s32 v36, v35;
	v35 =	vld [tilespmem:$0x1350]  }
0x18e: {  	v36 =	vld [tilespmem:$0x1160]  }
0x18f: {  	[tilespmem:$0x1FF10] =	vst v1;
	v1 =	vld [tilespmem:$0x1100]  }
0x190: {  	v9 =	vadd.s32 v33, v9;
	v33 =	vld [tilespmem:$0x1FE40]  }
0x191: {  	v11 =	vadd.s32 v25, v11;
	v25 =	vld [tilespmem:$0x1440]  }
0x192: {  	v9 =	vadd.s32 v49, v9;
	v11 =	vadd.s32 v47, v11;
	v47 =	vld [tilespmem:$0x1FE80]  }
0x193: {  	v9 =	vadd.s32 v29, v9;
	v29 =	vld [tilespmem:$0xE50]  }
0x194: {  	v22 =	vadd.s32 v37, v22;
	[tilespmem:$0x1FEE0] =	vst v1;
	v1 =	vld [tilespmem:$0x1200]  }
0x195: {  	v22 =	vadd.s32 v57, v22;
	v11 =	vadd.s32 v63, v11;
	v63 =	vld [tilespmem:$0x1FF60]  }
0x196: {  	v22 =	vadd.s32 v44, v22;
	v44 =	vld [tilespmem:$0x1360]  }
0x197: {  	v49 =	vld [tilespmem:$0x1FE90]  }
0x198: {  	v22 =	vadd.s32 v45, v22;
	v45 =	vld [tilespmem:$0x1FFA0]  }
0x199: {  	[tilespmem:$0x1FF00] =	vst v1;
	v1 =	vld [tilespmem:$0x1300]  }
0x19a: {  	v22 =	vadd.s32 v46, v22;
	v46 =	vld [tilespmem:$0x1FFB0]  }
0x19b: {  	v9 =	vadd.s32 v33, v9;
	v33 =	vld [tilespmem:$0x1250]  }
0x19c: {  	v51 =	vld [tilespmem:$0x1FEA0]  }
0x19d: {  	v28 =	vadd.s32 v53, v28;
	v52 =	vld [tilespmem:$0x1FEB0]  }
0x19e: {  	v28 =	vadd.s32 v54, v28;
	[tilespmem:$0x1FF20] =	vst v1;
	v1 =	vld [tilespmem:$0x1400]  }
0x19f: {  	v26 =	vadd.s32 v61, v26;
	v28 =	vadd.s32 v55, v28;
	v53 =	vld [tilespmem:$0x1FEC0]  }
0x1a0: {  	v28 =	vadd.s32 v56, v28;
	v26 =	vadd.s32 v47, v26;
	v47 =	vld [tilespmem:$0x1460]  }
0x1a1: {  	v28 =	vadd.s32 v51, v28;
	v51 =	vld [tilespmem:$0x1FFD0]  }
0x1a2: {  	v54 =	vld [tilespmem:$0x1FED0]  }
0x1a3: {  	v34 =	vadd.s32 v52, v34;
	[tilespmem:$0x1FF40] =	vst v1;
	v1 =	vld [tilespmem:$0xE10]  }
0x1a4: {  	v14 =	vadd.s32 v23, v14;
	v23 =	vadd.s32 v53, v34;
	v34 =	vld [tilespmem:$0x1060]  }
0x1a5: {  	v53 =	vld [tilespmem:$0xE70]  }
0x1a6: {  	v55 =	vld [tilespmem:$0x1FEE0]  }
0x1a7: {  	v56 =	vld [tilespmem:$0x1FEF0]  }
0x1a8: {  	v23 =	vadd.s32 v54, v23;
	v54 =	vld [tilespmem:$0x1FFE0];
	v1 =	vadd.s32 v8, v1  }
0x1a9: {  	v58 =	vld [tilespmem:$0x1FF10];
	v1 =	vadd.s32 v13, v1  }
0x1aa: {  	v14 =	vadd.s32 v39, v14;
	v10 =	vadd.s32 v10, v12;
	v57 =	vld [tilespmem:$0x1FF00];
	v1 =	vadd.s32 v24, v1  }
0x1ab: {  	v26 =	vadd.s32 v49, v26;
	v14 =	vadd.s32 v55, v14;
	v55 =	vld [tilespmem:$0xF70];
	v1 =	vadd.s32 v40, v1  }
0x1ac: {  	[tilespmem:$0x1490] =	vst v9;
	v49 =	vadd.s32 v16, v10;
	v9 =	vadd.s32 v46, v43;
	v59 =	vld [tilespmem:$0x1FF20];
	v1 =	vadd.s32 v60, v1  }
0x1ad: {  	v3 =	vadd.s32 v3, v9;
	v52 =	vadd.s32 v18, v49;
	v40 =	vld [tilespmem:$0x1FF70];
	v1 =	vadd.s32 v62, v1  }
0x1ae: {  	v3 =	vadd.s32 v4, v3;
	v4 =	vadd.s32 v19, v52;
	v1 =	vadd.s32 v2, v1;
	v2 =	vld [tilespmem:$0x1FF90]  }
0x1af: {  	v3 =	vadd.s32 v5, v3;
	v4 =	vadd.s32 v20, v4;
	v61 =	vld [tilespmem:$0x1FF40]  }
0x1b0: {  	v15 =	vadd.s32 v38, v15;
	v3 =	vadd.s32 v6, v3;
	v4 =	vadd.s32 v21, v4;
	v8 =	vld [tilespmem:$0xD60]  }
0x1b1: {  	[tilespmem:$0x14B0] =	vst v15;
	v3 =	vadd.s32 v7, v3;
	v4 =	vadd.s32 v25, v4;
	v13 =	vld [tilespmem:$0xE60]  }
0x1b2: {  	[tilespmem:$0x14A0] =	vst v11;
	v9 =	vadd.s32 v50, v53;
	v23 =	vadd.s32 v56, v23;
	v24 =	vld [tilespmem:$0xF60];
	v37 =	vadd.s32 v63, v40  }
0x1b3: {  	[tilespmem:$0x14C0] =	vst v22;
	v56 =	vld [tilespmem:$0x1FFF0];
	v23 =	vadd.s32 v58, v23;
	v58 =	vadd.s32 v27, v29;
	v2 =	vadd.s32 v2, v37  }
0x1b4: {  	[tilespmem:$0x14D0] =	vst v26;
	v7 =	vadd.s32 v30, v58;
	v14 =	vadd.s32 v57, v14;
	v57 =	vld [tilespmem:$0x1070];
	v2 =	vadd.s32 v45, v2  }
0x1b5: {  	[tilespmem:$0x14E0] =	vst v28;
	v7 =	vadd.s32 v31, v7;
	v14 =	vadd.s32 v59, v14;
	v59 =	vld [tilespmem:$0x1170];
	v2 =	vadd.s32 v48, v2  }
0x1b6: {  	[tilespmem:$0x1530] =	vst v3;
	v5 =	vadd.s32 v55, v9;
	v60 =	vld [tilespmem:$0x1270];
	v8 =	vadd.s32 v8, v13;
	v2 =	vadd.s32 v51, v2  }
0x1b7: {  	[tilespmem:$0x1540] =	vst v4;
	v14 =	vadd.s32 v61, v14;
	v61 =	vld [tilespmem:$0x1370];
	v8 =	vadd.s32 v24, v8;
	v2 =	vadd.s32 v54, v2  }
0x1b8: {  	[tilespmem:$0x1510] =	vst v1;
	v1 =	vadd.s32 v32, v7;
	v62 =	vadd.s32 v34, v8;
	v63 =	vld [tilespmem:$0x1470];
	v2 =	vadd.s32 v56, v2  }
0x1b9: {  	v5 =	vadd.s32 v57, v5;
	v1 =	vadd.s32 v33, v1;
	[tilespmem:$0x1520] =	vst v2;
	v2 =	vadd.s32 v36, v62  }
0x1ba: {  	[tilespmem:$0x14F0] =	vst v23;
	v3 =	vadd.s32 v59, v5;
	v1 =	vadd.s32 v35, v1;
	v2 =	vadd.s32 v42, v2  }
0x1bb: {  	[tilespmem:$0x1500] =	vst v14;
	v3 =	vadd.s32 v60, v3;
	v1 =	vadd.s32 v17, v1;
	v2 =	vadd.s32 v44, v2  }
0x1bc: {  	[tilespmem:$0x1550] =	vst v1;
	v1 =	vadd.s32 v47, v2;
	v2 =	vadd.s32 v61, v3  }
0x1bd: {  	p0 =	sne.s32 s5, $0x1;
	[tilespmem:$0x1560] =	vst v1;
	v1 =	vadd.s32 v63, v2  }
.Ltmp0:
0x1be: {  	s29 =	rddreg [dreg:$0x18];
	[tilespmem:$0x1570] =	vst v1;
	(pc) =	sbr.rel @p0 .LBB2_1-.Ltmp0, $4  }
0x1bf: {  	[hbm4b:s29+s3] =	stream.linear.scatter [tilespmem:s1], [sflag:$0x2], $0x100, $0x38;
	[tilespmem:$0x1780] =	vst v63  }
0x1c0: {  	_ =	swait.ge [sflag:s6], $0x100  }
0x1c1: {  	[sflag:s6] =	ssyncset.done $0x0  }
0x1c2: {  	s5 =	sadd.s32 $0xFFFFFFFF, s5;
	[sflag:s6] =	ssyncadd.s32 $0xFFFFFF00  }
0x1c3: {  	_ =	sfence.sel $0x180000  }
0x1c4: {  	[bflag:$0x0] =	sbarrier.arrive $0xFFFF  }
0x1c5: {  	_ =	strace $0x90000047  }
0x1c6: {  	s0 =	stileid.u32;
	[bflag:$0x2] =	sbarrier.arrive $0xFFFF  }
0x1c7: {  	p0 =	sne.s32 s0, $0x0;
	s0 =	rddreg [dreg:$0x3]  }
0x1c8: {  	s0 =	sadd.s32 @!p0 $0x100000, s0  }
0x1c9: {  	[sflag:s0] =	ssyncadd.tile.s32 @!p0 $0x1;
	_ =	shalt  }
.Lfunc_end2:
_tile_overlayer_lowered:
.L_overlay_start_2:
0x1ca: {  	(tag) =	ssettag $0x2  }
0x1cb: {  	s0 =	rddreg [dreg:$0x0];
	s2 =	stileid.u32  }
0x1cc: {  	s1 =	rddreg [dreg:$0x1];
	p0 =	sne.s32 s2, $0x0  }
0x1cd: {  	s3 =	rddreg [dreg:$0x2];
	[bflag:$0x3] =	sbarrier.arrive $0xFFFF;
	s2 =	simm.s32 @!p0 $0x1C02  }
0x1ce: {  	[timem:s3], [sflag:s2] =	dma.local @!p0 [hbm:s0], s1  }
0x1cf: {  	s0 =	simm.s32 @!p0 $0x2  }
0x1d0: {  	_ =	swait.ge @!p0 [sflag:s0], s1  }
0x1d1: {  	s1 =	ssub.s32 @!p0 $0x0, s1;
	[sflag:s0] =	ssyncset.done @!p0 $0x0  }
0x1d2: {  	[sflag:s0] =	ssyncadd.s32 @!p0 s1  }
0x1d3: {  	[bflag:$0x3] =	sbarrier.arrive $0xFFFF  }
0x1d4: {  	_ =	shalt  }

</sc_bundles>
